<compile_context>
chip_gen: v7x
topology: tpu7x:2x2x1
jax: 0.10.2.dev20260603
libtpu: 0.0.44.dev20260713+nightly
codegen_flags: <defaults>
</compile_context>

<pallas_src>
import jax
import jax.numpy as jnp
from jax import lax
from jax.experimental import pallas as pl
from jax.experimental.pallas import tpu as pltpu
from jax.experimental.pallas import tpu_sc as plsc

N = 10000
E = 320000
D = 128

NC = 2
NS = 16
NW = NC * NS
CH = 128
NCHT = E // CH // NW
TAIL = E // CH - NCHT * NW
WSTRIDE = 80
IDXR = WSTRIDE
HIDX = 40
NBUF = 2
ZR = 1000
DEGW = 16
NPAD = 10240

_mesh = plsc.VectorSubcoreMesh(core_axis_name="c", subcore_axis_name="s")




def _wid_start(c, s):
  wid = c * NS + s
  return wid, WSTRIDE * wid


def _chunk_layout(v2d):
  main = v2d[:NCHT * NW].reshape(NW, NCHT, CH)
  main = jnp.pad(main, ((0, 0), (0, WSTRIDE - NCHT), (0, 0)))
  out = main.reshape(NW * WSTRIDE, CH)
  tail = v2d[NCHT * NW:]
  rows = NCHT + WSTRIDE * jnp.arange(TAIL)
  return out.at[rows].set(tail)


def _deg_body(src2_hbm, ones_hbm, zeros_hbm, out_hbm, acc, ones_v, sidx, ssem):
  c = lax.axis_index("c")
  s = lax.axis_index("s")
  wid, start = _wid_start(c, s)

  @pl.when(s < N // ZR)
  def _zero():
    pltpu.sync_copy(zeros_hbm, acc.at[pl.ds(s * ZR, ZR)])

  pltpu.sync_copy(ones_hbm, ones_v)
  pltpu.sync_copy(src2_hbm.at[pl.ds(start, IDXR)], sidx)
  plsc.subcore_barrier()

  def blk(i, carry):
    for b in range(NBUF):
      pltpu.async_copy(ones_v, acc.at[sidx.at[i * NBUF + b]], ssem.at[b],
                       add=True)
    for b in range(NBUF):
      pltpu.make_async_copy(ones_v, acc.at[sidx.at[i * NBUF + b]],
                            ssem.at[b]).wait()
    return carry

  lax.fori_loop(0, NCHT // NBUF, blk, 0)

  @pl.when(wid < TAIL)
  def _tail():
    pltpu.sync_copy(ones_v, acc.at[sidx.at[NCHT]], add=True)

  plsc.subcore_barrier()

  @pl.when(s < N // ZR)
  def _out():
    pltpu.sync_copy(acc.at[pl.ds(s * ZR, ZR)], out_hbm.at[c, pl.ds(s * ZR, ZR)])


def _deg_call(src2, ones128, zeros128):
  return pl.kernel(
      _deg_body,
      out_type=jax.ShapeDtypeStruct((NC, N, D), jnp.float32),
      mesh=_mesh,
      scratch_types=[
          pltpu.VMEM_SHARED((N, D), jnp.float32),
          pltpu.VMEM((CH, D), jnp.float32),
          pltpu.VMEM((IDXR, CH), jnp.int32),
          pltpu.SemaphoreType.DMA((NBUF,)),
      ],
  )(src2, ones128, zeros128)


def _segsum_body(src2_hbm, dst2_hbm, table_hbm, zeros_hbm, out_hbm,
                 acc, sidx, didx, rows, gsem, ssem):
  c = lax.axis_index("c")
  s = lax.axis_index("s")
  wid, start = _wid_start(c, s)

  @pl.when(s < N // ZR)
  def _zero():
    pltpu.sync_copy(zeros_hbm, acc.at[pl.ds(s * ZR, ZR)])

  plsc.subcore_barrier()

  def gwait(j, b):
    pltpu.make_async_copy(table_hbm.at[sidx.at[j]], rows.at[b],
                          gsem.at[b]).wait()

  def swait(j, b):
    pltpu.make_async_copy(rows.at[b], acc.at[didx.at[j]], ssem.at[b]).wait()

  def phase(p0, cnt):
    pltpu.sync_copy(src2_hbm.at[pl.ds(start + p0, HIDX)], sidx)
    pltpu.sync_copy(dst2_hbm.at[pl.ds(start + p0, HIDX)], didx)
    pltpu.async_copy(table_hbm.at[sidx.at[0]], rows.at[0], gsem.at[0])
    gwait(0, 0)
    pltpu.async_copy(rows.at[0], acc.at[didx.at[0]], ssem.at[0], add=True)
    pltpu.async_copy(table_hbm.at[sidx.at[1]], rows.at[1], gsem.at[1])

    def blk(i, carry):
      j = 2 * i + 1
      gwait(j, 1)
      pltpu.async_copy(rows.at[1], acc.at[didx.at[j]], ssem.at[1], add=True)
      swait(j - 1, 0)
      pltpu.async_copy(table_hbm.at[sidx.at[j + 1]], rows.at[0], gsem.at[0])
      gwait(j + 1, 0)
      pltpu.async_copy(rows.at[0], acc.at[didx.at[j + 1]], ssem.at[0],
                       add=True)
      swait(j, 1)
      pltpu.async_copy(table_hbm.at[sidx.at[j + 2]], rows.at[1], gsem.at[1])
      return carry

    lax.fori_loop(0, (cnt - 2) // 2, blk, 0)

    j = cnt - 1
    gwait(j, 1)
    pltpu.async_copy(rows.at[1], acc.at[didx.at[j]], ssem.at[1], add=True)
    swait(j - 1, 0)
    swait(j, 1)

  phase(0, HIDX)
  phase(HIDX, NCHT - HIDX)

  @pl.when(wid < TAIL)
  def _tail():
    pltpu.async_copy(table_hbm.at[sidx.at[NCHT - HIDX]], rows.at[0],
                     gsem.at[0]).wait()
    pltpu.sync_copy(rows.at[0], acc.at[didx.at[NCHT - HIDX]], add=True)

  plsc.subcore_barrier()

  @pl.when(s < N // ZR)
  def _out():
    pltpu.sync_copy(acc.at[pl.ds(s * ZR, ZR)], out_hbm.at[c, pl.ds(s * ZR, ZR)])


def _segsum_call(src2, dst2, table, zeros128):
  return pl.kernel(
      _segsum_body,
      out_type=jax.ShapeDtypeStruct((NC, N, D), jnp.float32),
      mesh=_mesh,
      scratch_types=[
          pltpu.VMEM_SHARED((N, D), jnp.float32),
          pltpu.VMEM((HIDX, CH), jnp.int32),
          pltpu.VMEM((HIDX, CH), jnp.int32),
          pltpu.VMEM((NBUF, CH, D), jnp.float32),
          pltpu.SemaphoreType.DMA((NBUF,)),
          pltpu.SemaphoreType.DMA((NBUF,)),
      ],
  )(src2, dst2, table, zeros128)



R = 1000
_GRID = N // R


def _dis_from(degp_ref):
  deg = degp_ref[0, :, 0] + degp_ref[1, :, 0]
  return jnp.where(deg > 0, lax.rsqrt(deg), 0.0)


def _tc_a_body(degp_ref, x_ref, w_ref, y1_ref, xw_ref):
  dis = _dis_from(degp_ref)
  xb = x_ref[...]
  y1_ref[...] = xb * dis[:, None]
  xw_ref[...] = jnp.dot(xb, w_ref[...], preferred_element_type=jnp.float32)


def _tc_a(degp, x, w):
  return pl.pallas_call(
      _tc_a_body,
      grid=(_GRID,),
      in_specs=[
          pl.BlockSpec((NC, R, D), lambda i: (0, i, 0)),
          pl.BlockSpec((R, D), lambda i: (i, 0)),
          pl.BlockSpec((D, D), lambda i: (0, 0)),
      ],
      out_specs=[
          pl.BlockSpec((R, D), lambda i: (i, 0)),
          pl.BlockSpec((R, D), lambda i: (i, 0)),
      ],
      out_shape=[
          jax.ShapeDtypeStruct((N, D), jnp.float32),
          jax.ShapeDtypeStruct((N, D), jnp.float32),
      ],
  )(degp, x, w)


def _tc_b_body(degp_ref, xw_ref, p_ref, w11_ref, b1_ref, g_ref, bb_ref,
               w20_ref, y2_ref, hw_ref):
  dis = _dis_from(degp_ref)
  tx = (p_ref[0] + p_ref[1]) * (-dis[:, None])
  h = (xw_ref[...] + b1_ref[...]
       + jnp.dot(tx, w11_ref[...], preferred_element_type=jnp.float32))
  mu = jnp.mean(h, axis=1, keepdims=True)
  hc = h - mu
  var = jnp.mean(hc * hc, axis=1, keepdims=True)
  hn = hc * lax.rsqrt(var + 1e-5) * g_ref[...] + bb_ref[...]
  h = jnp.where(hn >= 0, hn, 0.01 * hn)
  y2_ref[...] = h * dis[:, None]
  hw_ref[...] = jnp.dot(h, w20_ref[...], preferred_element_type=jnp.float32)


def _tc_b(degp, xw, p, w11, b1, ln_g, ln_b, w20):
  wspec = pl.BlockSpec((D, D), lambda i: (0, 0))
  vspec = pl.BlockSpec((1, D), lambda i: (0, 0))
  rspec = pl.BlockSpec((R, D), lambda i: (i, 0))
  return pl.pallas_call(
      _tc_b_body,
      grid=(_GRID,),
      in_specs=[
          pl.BlockSpec((NC, R, D), lambda i: (0, i, 0)),
          rspec,
          pl.BlockSpec((NC, R, D), lambda i: (0, i, 0)),
          wspec, vspec, vspec, vspec, wspec,
      ],
      out_specs=[rspec, rspec],
      out_shape=[
          jax.ShapeDtypeStruct((N, D), jnp.float32),
          jax.ShapeDtypeStruct((N, D), jnp.float32),
      ],
  )(degp, xw, p, w11, b1.reshape(1, D), ln_g.reshape(1, D),
    ln_b.reshape(1, D), w20)


def _tc_c_body(degp_ref, hw_ref, q_ref, w21_ref, b2_ref, decw_ref, decb_ref,
               pw1_ref, pb1_ref, pw2_ref, pb2_ref, recon_ref, z_ref, proj_ref):
  dis = _dis_from(degp_ref)
  tx = (q_ref[0] + q_ref[1]) * (-dis[:, None])
  z = (hw_ref[...] + b2_ref[...]
       + jnp.dot(tx, w21_ref[...], preferred_element_type=jnp.float32))
  z_ref[...] = z
  recon_ref[...] = jnp.tanh(
      jnp.dot(z, decw_ref[...], preferred_element_type=jnp.float32)
      + decb_ref[...])
  t = jnp.maximum(
      jnp.dot(z, pw1_ref[...], preferred_element_type=jnp.float32)
      + pb1_ref[...], 0.0)
  proj_ref[...] = (
      jnp.dot(t, pw2_ref[...], preferred_element_type=jnp.float32)
      + pb2_ref[...])


def _tc_c(degp, hw, q, w21, b2, dec_w, dec_b, pw1, pb1, pw2, pb2):
  wspec = pl.BlockSpec((D, D), lambda i: (0, 0))
  vspec = pl.BlockSpec((1, D), lambda i: (0, 0))
  rspec = pl.BlockSpec((R, D), lambda i: (i, 0))
  return pl.pallas_call(
      _tc_c_body,
      grid=(_GRID,),
      in_specs=[
          pl.BlockSpec((NC, R, D), lambda i: (0, i, 0)),
          rspec,
          pl.BlockSpec((NC, R, D), lambda i: (0, i, 0)),
          wspec, vspec, wspec, vspec, wspec, vspec, wspec, vspec,
      ],
      out_specs=[rspec, rspec, rspec],
      out_shape=[
          jax.ShapeDtypeStruct((N, D), jnp.float32),
          jax.ShapeDtypeStruct((N, D), jnp.float32),
          jax.ShapeDtypeStruct((N, D), jnp.float32),
      ],
  )(degp, hw, q, w21, b2.reshape(1, D), dec_w, dec_b.reshape(1, D),
    pw1, pb1.reshape(1, D), pw2, pb2.reshape(1, D))




def kernel(x, edge_index, W1_0, W1_1, b1, ln_g, ln_b, W2_0, W2_1, b2,
           dec_W, dec_b, pr_W1, pr_b1, pr_W2, pr_b2):
  src2 = _chunk_layout(edge_index[0].reshape(E // CH, CH))
  dst2 = _chunk_layout(edge_index[1].reshape(E // CH, CH))
  zeros128 = jnp.zeros((ZR, D), jnp.float32)
  ones128 = jnp.ones((CH, D), jnp.float32)

  degp = _deg_call(src2, ones128, zeros128)
  y1, xw0 = _tc_a(degp, x, W1_0)
  p = _segsum_call(src2, dst2, y1, zeros128)
  y2, hw0 = _tc_b(degp, xw0, p, W1_1, b1, ln_g, ln_b, W2_0)
  q = _segsum_call(src2, dst2, y2, zeros128)
  recon, z, proj = _tc_c(degp, hw0, q, W2_1, b2, dec_W, dec_b,
                         pr_W1, pr_b1, pr_W2, pr_b2)
  return (recon, z, proj)

# --- scband reference (transcript-rebuilt; emitter-appended) ---
"""Pipeline reference for scband-cheb-anomaly-detector-p-64785286693469 (READ-ONLY COPY).

The authoritative reference and input builder live on the scoring server;
editing this copy changes nothing except your own understanding.
"""

import jax, jax.numpy as jnp
import numpy as np

N = 10000
E = 320000
D_IN = 128
D_H = 128


def _cheb_norm(edge_index, num_nodes):
    # PyG ChebConv __norm__ with sym normalization, lambda_max=2*max(L_w)=2.0:
    # scaled Laplacian reduces to -D^{-1/2} A D^{-1/2} with zero diagonal.
    src, dst = edge_index[0], edge_index[1]
    w = jnp.ones(src.shape[0], dtype=jnp.float32)
    deg = jnp.zeros((num_nodes,), dtype=jnp.float32).at[src].add(w)
    deg_inv_sqrt = jnp.where(deg > 0, deg ** -0.5, 0.0)
    return -deg_inv_sqrt[src] * w * deg_inv_sqrt[dst]


def _cheb_conv(x, edge_index, W0, W1, bias, num_nodes):
    # ChebConv with K=2: out = x @ W0 + (Lhat x) @ W1 + bias
    src, dst = edge_index[0], edge_index[1]
    norm = _cheb_norm(edge_index, num_nodes)
    msg = norm[:, None] * x[src]
    Tx_1 = jnp.zeros((num_nodes, x.shape[1]), x.dtype).at[dst].add(msg)
    return x @ W0 + Tx_1 @ W1 + bias


def _layer_norm(x, g, b, eps=1e-5):
    mu = jnp.mean(x, axis=-1, keepdims=True)
    var = jnp.mean((x - mu) ** 2, axis=-1, keepdims=True)
    return (x - mu) / jnp.sqrt(var + eps) * g + b


def setup_inputs(seed: int = 0) -> dict:
    key = jax.random.key(seed)
    ks = jax.random.split(key, 16)
    s1 = 1.0 / np.sqrt(D_IN)
    s2 = 1.0 / np.sqrt(D_H)
    inp = {
        "x": jax.random.normal(ks[0], (N, D_IN), dtype=jnp.float32),
        "edge_index": jax.random.randint(ks[1], (2, E), 0, N, dtype=jnp.int64) if jax.config.jax_enable_x64 else jax.random.randint(ks[1], (2, E), 0, N).astype(jnp.int32),
        "W1_0": jax.random.normal(ks[2], (D_IN, D_H), dtype=jnp.float32) * s1,
        "W1_1": jax.random.normal(ks[3], (D_IN, D_H), dtype=jnp.float32) * s1,
        "b1": jnp.zeros((D_H,), dtype=jnp.float32),
        "ln_g": jnp.ones((D_H,), dtype=jnp.float32),
        "ln_b": jnp.zeros((D_H,), dtype=jnp.float32),
        "W2_0": jax.random.normal(ks[4], (D_H, D_H), dtype=jnp.float32) * s2,
        "W2_1": jax.random.normal(ks[5], (D_H, D_H), dtype=jnp.float32) * s2,
        "b2": jnp.zeros((D_H,), dtype=jnp.float32),
        "dec_W": jax.random.normal(ks[6], (D_H, D_IN), dtype=jnp.float32) * s2,
        "dec_b": jnp.zeros((D_IN,), dtype=jnp.float32),
        "pr_W1": jax.random.normal(ks[7], (D_H, D_H), dtype=jnp.float32) * s2,
        "pr_b1": jnp.zeros((D_H,), dtype=jnp.float32),
        "pr_W2": jax.random.normal(ks[8], (D_H, D_H), dtype=jnp.float32) * s2,
        "pr_b2": jnp.zeros((D_H,), dtype=jnp.float32),
    }
    return inp


def reference(x, edge_index, W1_0, W1_1, b1, ln_g, ln_b, W2_0, W2_1, b2, dec_W, dec_b, pr_W1, pr_b1, pr_W2, pr_b2):
    h = _cheb_conv(x, edge_index, W1_0, W1_1, b1, N)
    h = _layer_norm(h, ln_g, ln_b)
    h = jax.nn.leaky_relu(h, negative_slope=0.01)
    z = _cheb_conv(h, edge_index, W2_0, W2_1, b2, N)
    recon = jnp.tanh(z @ dec_W + dec_b)
    proj = jax.nn.relu(z @ pr_W1 + pr_b1) @ pr_W2 + pr_b2
    return (recon, z, proj)


if False:  # reference __main__ guard neutralized (emitter)
    out = reference(**setup_inputs())
    print([o.shape for o in out])

if __name__ == "__main__":
    import jax
    _d = setup_inputs()
    print(jax.jit(kernel)(*tuple(_d.values())))

</pallas_src>

<mosaic_0001>
#map = affine_map<(d0, d1) -> (0, 0)>
#map1 = affine_map<(d0, d1) -> (0, 0, 0)>
module attributes {stable_mosaic.version = 14 : i64} {
  func.func @_deg_body(%arg0: i32, %arg1: i32, %arg2: memref<2560x128xi32, #tpu.memory_space<hbm>>, %arg3: memref<128x128xf32, #tpu.memory_space<hbm>>, %arg4: memref<1000x128xf32, #tpu.memory_space<hbm>>, %arg5: memref<2x10000x128xf32, #tpu.memory_space<hbm>>, %arg6: memref<10000x128xf32, #tpu.memory_space<vmem_shared>>, %arg7: memref<128x128xf32, #tpu.memory_space<vmem>>, %arg8: memref<80x128xi32, #tpu.memory_space<vmem>>, %arg9: memref<2x!tpu.dma_semaphore, #tpu.memory_space<semaphore_mem>>) attributes {dimension_semantics = [#tpu.dimension_semantics<core_parallel>, #tpu.dimension_semantics<subcore_parallel>], iteration_bounds = array<i64: 2, 16>, scalar_prefetch = 0 : i64, scratch_operands = 4 : i64, tpu.core_type = #tpu.core_type<sc_vector_subcore>, window_params = [{transform_indices = #map}, {transform_indices = #map}, {transform_indices = #map}, {transform_indices = #map1}]} {
    %mul3A = arith.constant 16 : i32
    %mul3A_0 = arith.muli %arg0, %mul3A : i32
    %add3A = arith.addi %mul3A_0, %arg1 : i32
    %mul3A_1 = arith.constant 80 : i32
    %mul3A_2 = arith.muli %mul3A_1, %add3A : i32
    %lt3A = arith.constant 10 : i32
    %lt3A_3 = arith.cmpi slt, %arg1, %lt3A : i32
    %convert_element_type3A = arith.extui %lt3A_3 : i1 to i32
    %cond3A = arith.constant 0 : i32
    %cond3A_4 = arith.cmpi ne, %convert_element_type3A, %cond3A : i32
    scf.if %cond3A_4 {
      %mul3A_21 = arith.constant 1000 : i32
      %mul3A_22 = arith.muli %arg1, %mul3A_21 : i32
      "tpu.region"() ({
        %run_scoped3A = tpu.sem_alloc : memref<!tpu.dma_semaphore, #tpu.memory_space<semaphore_mem>>
        %dma_start3A = arith.constant 0 : i32
        %dma_start3A_23 = tpu.memref_slice %arg6[%mul3A_22, %dma_start3A] : memref<10000x128xf32, #tpu.memory_space<vmem_shared>> -> memref<1000x128xf32, #tpu.memory_space<vmem_shared>>
        tpu.enqueue_dma source(%arg4 : memref<1000x128xf32, #tpu.memory_space<hbm>>) target(%dma_start3A_23 : memref<1000x128xf32, #tpu.memory_space<vmem_shared>>) target_semaphore(%run_scoped3A : memref<!tpu.dma_semaphore, #tpu.memory_space<semaphore_mem>>)
        %dma_wait3A = arith.constant 0 : i32
        %dma_wait3A_24 = tpu.memref_slice %arg6[%mul3A_22, %dma_wait3A] : memref<10000x128xf32, #tpu.memory_space<vmem_shared>> -> memref<1000x128xf32, #tpu.memory_space<vmem_shared>>
        tpu.wait_dma2 semaphore(%run_scoped3A : memref<!tpu.dma_semaphore, #tpu.memory_space<semaphore_mem>>) src(%arg4 : memref<1000x128xf32, #tpu.memory_space<hbm>>) dst(%dma_wait3A_24 : memref<1000x128xf32, #tpu.memory_space<vmem_shared>>)
        tpu.yield
      }) : () -> ()
    } else {
    }
    "tpu.region"() ({
      %run_scoped3A = tpu.sem_alloc : memref<!tpu.dma_semaphore, #tpu.memory_space<semaphore_mem>>
      tpu.enqueue_dma source(%arg3 : memref<128x128xf32, #tpu.memory_space<hbm>>) target(%arg7 : memref<128x128xf32, #tpu.memory_space<vmem>>) target_semaphore(%run_scoped3A : memref<!tpu.dma_semaphore, #tpu.memory_space<semaphore_mem>>)
      tpu.wait_dma2 semaphore(%run_scoped3A : memref<!tpu.dma_semaphore, #tpu.memory_space<semaphore_mem>>) src(%arg3 : memref<128x128xf32, #tpu.memory_space<hbm>>) dst(%arg7 : memref<128x128xf32, #tpu.memory_space<vmem>>)
      tpu.yield
    }) : () -> ()
    "tpu.region"() ({
      %run_scoped3A = tpu.sem_alloc : memref<!tpu.dma_semaphore, #tpu.memory_space<semaphore_mem>>
      %dma_start3A = arith.constant 0 : i32
      %dma_start3A_21 = tpu.memref_slice %arg2[%mul3A_2, %dma_start3A] : memref<2560x128xi32, #tpu.memory_space<hbm>> -> memref<80x128xi32, #tpu.memory_space<hbm>>
      %dma_start3A_22 = arith.constant 0 : i32
      %dma_start3A_23 = tpu.memref_slice %arg2[%mul3A_2, %dma_start3A_22] : memref<2560x128xi32, #tpu.memory_space<hbm>> -> memref<80x128xi32, #tpu.memory_space<hbm>>
      tpu.enqueue_dma source(%dma_start3A_23 : memref<80x128xi32, #tpu.memory_space<hbm>>) target(%arg8 : memref<80x128xi32, #tpu.memory_space<vmem>>) target_semaphore(%run_scoped3A : memref<!tpu.dma_semaphore, #tpu.memory_space<semaphore_mem>>)
      %dma_wait3A = arith.constant 0 : i32
      %dma_wait3A_24 = tpu.memref_slice %arg2[%mul3A_2, %dma_wait3A] : memref<2560x128xi32, #tpu.memory_space<hbm>> -> memref<80x128xi32, #tpu.memory_space<hbm>>
      %dma_wait3A_25 = arith.constant 0 : i32
      %dma_wait3A_26 = tpu.memref_slice %arg2[%mul3A_2, %dma_wait3A_25] : memref<2560x128xi32, #tpu.memory_space<hbm>> -> memref<80x128xi32, #tpu.memory_space<hbm>>
      tpu.wait_dma2 semaphore(%run_scoped3A : memref<!tpu.dma_semaphore, #tpu.memory_space<semaphore_mem>>) src(%dma_wait3A_26 : memref<80x128xi32, #tpu.memory_space<hbm>>) dst(%arg8 : memref<80x128xi32, #tpu.memory_space<vmem>>)
      tpu.yield
    }) : () -> ()
    %barrier3A = arith.constant 0 : index
    tpu.barrier barrier_id(%barrier3A)
    %scan3A = arith.constant 0 : i32
    %scan3A_5 = arith.constant 0 : i32
    %scan3A_6 = arith.constant 39 : i32
    %scan3A_7 = arith.addi %scan3A_5, %scan3A_6 : i32
    %scan3A_8 = arith.constant 1 : i32
    scf.for %scan3A_21 = %scan3A_5 to %scan3A_7 step %scan3A_8  : i32 {
      %mul3A_22 = arith.constant 2 : i32
      %mul3A_23 = arith.muli %scan3A_21, %mul3A_22 : i32
      %add3A_24 = arith.constant 0 : i32
      %add3A_25 = arith.addi %mul3A_23, %add3A_24 : i32
      %dma_start3A = arith.constant 0 : i32
      %dma_start3A_26 = arith.constant 0 : i32
      %dma_start3A_27 = tpu.memref_slice %arg8[%add3A_25, %dma_start3A_26] : memref<80x128xi32, #tpu.memory_space<vmem>> -> memref<1x128xi32, #tpu.memory_space<vmem>>
      %dma_start3A_28 = tpu.memref_squeeze %dma_start3A_27 : memref<1x128xi32, #tpu.memory_space<vmem>> -> memref<128xi32, #tpu.memory_space<vmem>>
      %dma_start3A_29 = arith.constant 0 : i32
      %dma_start3A_30 = arith.constant 0 : i32
      %dma_start3A_31 = tpu.memref_slice %arg6[%dma_start3A_29, %dma_start3A_30] : memref<10000x128xf32, #tpu.memory_space<vmem_shared>> -> memref<10000x128xf32, #tpu.memory_space<vmem_shared>>
      %dma_start3A_32 = tpu.memref_slice %arg9[%dma_start3A] : memref<2x!tpu.dma_semaphore, #tpu.memory_space<semaphore_mem>> -> memref<1x!tpu.dma_semaphore, #tpu.memory_space<semaphore_mem>>
      %dma_start3A_33 = tpu.memref_squeeze %dma_start3A_32 : memref<1x!tpu.dma_semaphore, #tpu.memory_space<semaphore_mem>> -> memref<!tpu.dma_semaphore, #tpu.memory_space<semaphore_mem>>
      tpu.enqueue_indirect_dma source(%arg7 : memref<128x128xf32, #tpu.memory_space<vmem>>) target(%dma_start3A_31 : memref<10000x128xf32, #tpu.memory_space<vmem_shared>>) offsets(%dma_start3A_28 : memref<128xi32, #tpu.memory_space<vmem>>) semaphore(%dma_start3A_33 : memref<!tpu.dma_semaphore, #tpu.memory_space<semaphore_mem>>) {add = true}
      %mul3A_34 = arith.constant 2 : i32
      %mul3A_35 = arith.muli %scan3A_21, %mul3A_34 : i32
      %add3A_36 = arith.constant 1 : i32
      %add3A_37 = arith.addi %mul3A_35, %add3A_36 : i32
      %dma_start3A_38 = arith.constant 1 : i32
      %dma_start3A_39 = arith.constant 0 : i32
      %dma_start3A_40 = tpu.memref_slice %arg8[%add3A_37, %dma_start3A_39] : memref<80x128xi32, #tpu.memory_space<vmem>> -> memref<1x128xi32, #tpu.memory_space<vmem>>
      %dma_start3A_41 = tpu.memref_squeeze %dma_start3A_40 : memref<1x128xi32, #tpu.memory_space<vmem>> -> memref<128xi32, #tpu.memory_space<vmem>>
      %dma_start3A_42 = arith.constant 0 : i32
      %dma_start3A_43 = arith.constant 0 : i32
      %dma_start3A_44 = tpu.memref_slice %arg6[%dma_start3A_42, %dma_start3A_43] : memref<10000x128xf32, #tpu.memory_space<vmem_shared>> -> memref<10000x128xf32, #tpu.memory_space<vmem_shared>>
      %dma_start3A_45 = tpu.memref_slice %arg9[%dma_start3A_38] : memref<2x!tpu.dma_semaphore, #tpu.memory_space<semaphore_mem>> -> memref<1x!tpu.dma_semaphore, #tpu.memory_space<semaphore_mem>>
      %dma_start3A_46 = tpu.memref_squeeze %dma_start3A_45 : memref<1x!tpu.dma_semaphore, #tpu.memory_space<semaphore_mem>> -> memref<!tpu.dma_semaphore, #tpu.memory_space<semaphore_mem>>
      tpu.enqueue_indirect_dma source(%arg7 : memref<128x128xf32, #tpu.memory_space<vmem>>) target(%dma_start3A_44 : memref<10000x128xf32, #tpu.memory_space<vmem_shared>>) offsets(%dma_start3A_41 : memref<128xi32, #tpu.memory_space<vmem>>) semaphore(%dma_start3A_46 : memref<!tpu.dma_semaphore, #tpu.memory_space<semaphore_mem>>) {add = true}
      %mul3A_47 = arith.constant 2 : i32
      %mul3A_48 = arith.muli %scan3A_21, %mul3A_47 : i32
      %add3A_49 = arith.constant 0 : i32
      %add3A_50 = arith.addi %mul3A_48, %add3A_49 : i32
      %dma_wait3A = arith.constant 0 : i32
      %dma_wait3A_51 = arith.constant 0 : i32
      %dma_wait3A_52 = tpu.memref_slice %arg8[%add3A_50, %dma_wait3A_51] : memref<80x128xi32, #tpu.memory_space<vmem>> -> memref<1x128xi32, #tpu.memory_space<vmem>>
      %dma_wait3A_53 = tpu.memref_squeeze %dma_wait3A_52 : memref<1x128xi32, #tpu.memory_space<vmem>> -> memref<128xi32, #tpu.memory_space<vmem>>
      %dma_wait3A_54 = arith.constant 0 : i32
      %dma_wait3A_55 = arith.constant 0 : i32
      %dma_wait3A_56 = tpu.memref_slice %arg6[%dma_wait3A_54, %dma_wait3A_55] : memref<10000x128xf32, #tpu.memory_space<vmem_shared>> -> memref<10000x128xf32, #tpu.memory_space<vmem_shared>>
      %dma_wait3A_57 = tpu.memref_slice %arg9[%dma_wait3A] : memref<2x!tpu.dma_semaphore, #tpu.memory_space<semaphore_mem>> -> memref<1x!tpu.dma_semaphore, #tpu.memory_space<semaphore_mem>>
      %dma_wait3A_58 = tpu.memref_squeeze %dma_wait3A_57 : memref<1x!tpu.dma_semaphore, #tpu.memory_space<semaphore_mem>> -> memref<!tpu.dma_semaphore, #tpu.memory_space<semaphore_mem>>
      tpu.wait_indirect_dma semaphore(%dma_wait3A_58 : memref<!tpu.dma_semaphore, #tpu.memory_space<semaphore_mem>>) src(%arg7 : memref<128x128xf32, #tpu.memory_space<vmem>>) dst(%dma_wait3A_56 : memref<10000x128xf32, #tpu.memory_space<vmem_shared>>)
      %mul3A_59 = arith.constant 2 : i32
      %mul3A_60 = arith.muli %scan3A_21, %mul3A_59 : i32
      %add3A_61 = arith.constant 1 : i32
      %add3A_62 = arith.addi %mul3A_60, %add3A_61 : i32
      %dma_wait3A_63 = arith.constant 1 : i32
      %dma_wait3A_64 = arith.constant 0 : i32
      %dma_wait3A_65 = tpu.memref_slice %arg8[%add3A_62, %dma_wait3A_64] : memref<80x128xi32, #tpu.memory_space<vmem>> -> memref<1x128xi32, #tpu.memory_space<vmem>>
      %dma_wait3A_66 = tpu.memref_squeeze %dma_wait3A_65 : memref<1x128xi32, #tpu.memory_space<vmem>> -> memref<128xi32, #tpu.memory_space<vmem>>
      %dma_wait3A_67 = arith.constant 0 : i32
      %dma_wait3A_68 = arith.constant 0 : i32
      %dma_wait3A_69 = tpu.memref_slice %arg6[%dma_wait3A_67, %dma_wait3A_68] : memref<10000x128xf32, #tpu.memory_space<vmem_shared>> -> memref<10000x128xf32, #tpu.memory_space<vmem_shared>>
      %dma_wait3A_70 = tpu.memref_slice %arg9[%dma_wait3A_63] : memref<2x!tpu.dma_semaphore, #tpu.memory_space<semaphore_mem>> -> memref<1x!tpu.dma_semaphore, #tpu.memory_space<semaphore_mem>>
      %dma_wait3A_71 = tpu.memref_squeeze %dma_wait3A_70 : memref<1x!tpu.dma_semaphore, #tpu.memory_space<semaphore_mem>> -> memref<!tpu.dma_semaphore, #tpu.memory_space<semaphore_mem>>
      tpu.wait_indirect_dma semaphore(%dma_wait3A_71 : memref<!tpu.dma_semaphore, #tpu.memory_space<semaphore_mem>>) src(%arg7 : memref<128x128xf32, #tpu.memory_space<vmem>>) dst(%dma_wait3A_69 : memref<10000x128xf32, #tpu.memory_space<vmem_shared>>)
    }
    %scan3A_9 = arith.constant 39 : i32
    %lt3A_10 = arith.constant 4 : i32
    %lt3A_11 = arith.cmpi slt, %add3A, %lt3A_10 : i32
    %convert_element_type3A_12 = arith.extui %lt3A_11 : i1 to i32
    %cond3A_13 = arith.constant 0 : i32
    %cond3A_14 = arith.cmpi ne, %convert_element_type3A_12, %cond3A_13 : i32
    scf.if %cond3A_14 {
      %run_scoped3A = arith.constant 78 : i32
      "tpu.region"() ({
        %run_scoped3A_21 = tpu.sem_alloc : memref<!tpu.dma_semaphore, #tpu.memory_space<semaphore_mem>>
        %dma_start3A = arith.constant 0 : i32
        %dma_start3A_22 = tpu.memref_slice %arg8[%run_scoped3A, %dma_start3A] : memref<80x128xi32, #tpu.memory_space<vmem>> -> memref<1x128xi32, #tpu.memory_space<vmem>>
        %dma_start3A_23 = tpu.memref_squeeze %dma_start3A_22 : memref<1x128xi32, #tpu.memory_space<vmem>> -> memref<128xi32, #tpu.memory_space<vmem>>
        %dma_start3A_24 = arith.constant 0 : i32
        %dma_start3A_25 = arith.constant 0 : i32
        %dma_start3A_26 = tpu.memref_slice %arg6[%dma_start3A_24, %dma_start3A_25] : memref<10000x128xf32, #tpu.memory_space<vmem_shared>> -> memref<10000x128xf32, #tpu.memory_space<vmem_shared>>
        tpu.enqueue_indirect_dma source(%arg7 : memref<128x128xf32, #tpu.memory_space<vmem>>) target(%dma_start3A_26 : memref<10000x128xf32, #tpu.memory_space<vmem_shared>>) offsets(%dma_start3A_23 : memref<128xi32, #tpu.memory_space<vmem>>) semaphore(%run_scoped3A_21 : memref<!tpu.dma_semaphore, #tpu.memory_space<semaphore_mem>>) {add = true}
        %dma_wait3A = arith.constant 0 : i32
        %dma_wait3A_27 = tpu.memref_slice %arg8[%run_scoped3A, %dma_wait3A] : memref<80x128xi32, #tpu.memory_space<vmem>> -> memref<1x128xi32, #tpu.memory_space<vmem>>
        %dma_wait3A_28 = tpu.memref_squeeze %dma_wait3A_27 : memref<1x128xi32, #tpu.memory_space<vmem>> -> memref<128xi32, #tpu.memory_space<vmem>>
        %dma_wait3A_29 = arith.constant 0 : i32
        %dma_wait3A_30 = arith.constant 0 : i32
        %dma_wait3A_31 = tpu.memref_slice %arg6[%dma_wait3A_29, %dma_wait3A_30] : memref<10000x128xf32, #tpu.memory_space<vmem_shared>> -> memref<10000x128xf32, #tpu.memory_space<vmem_shared>>
        tpu.wait_indirect_dma semaphore(%run_scoped3A_21 : memref<!tpu.dma_semaphore, #tpu.memory_space<semaphore_mem>>) src(%arg7 : memref<128x128xf32, #tpu.memory_space<vmem>>) dst(%dma_wait3A_31 : memref<10000x128xf32, #tpu.memory_space<vmem_shared>>)
        tpu.yield
      }) : () -> ()
    } else {
    }
    %barrier3A_15 = arith.constant 0 : index
    tpu.barrier barrier_id(%barrier3A_15)
    %lt3A_16 = arith.constant 10 : i32
    %lt3A_17 = arith.cmpi slt, %arg1, %lt3A_16 : i32
    %convert_element_type3A_18 = arith.extui %lt3A_17 : i1 to i32
    %cond3A_19 = arith.constant 0 : i32
    %cond3A_20 = arith.cmpi ne, %convert_element_type3A_18, %cond3A_19 : i32
    scf.if %cond3A_20 {
      %mul3A_21 = arith.constant 1000 : i32
      %mul3A_22 = arith.muli %arg1, %mul3A_21 : i32
      %mul3A_23 = arith.constant 1000 : i32
      %mul3A_24 = arith.muli %arg1, %mul3A_23 : i32
      "tpu.region"() ({
        %run_scoped3A = tpu.sem_alloc : memref<!tpu.dma_semaphore, #tpu.memory_space<semaphore_mem>>
        %dma_start3A = arith.constant 0 : i32
        %dma_start3A_25 = tpu.memref_slice %arg5[%arg0, %mul3A_24, %dma_start3A] : memref<2x10000x128xf32, #tpu.memory_space<hbm>> -> memref<1x1000x128xf32, #tpu.memory_space<hbm>>
        %dma_start3A_26 = tpu.memref_squeeze %dma_start3A_25 : memref<1x1000x128xf32, #tpu.memory_space<hbm>> -> memref<1000x128xf32, #tpu.memory_space<hbm>>
        %dma_start3A_27 = arith.constant 0 : i32
        %dma_start3A_28 = tpu.memref_slice %arg6[%mul3A_22, %dma_start3A_27] : memref<10000x128xf32, #tpu.memory_space<vmem_shared>> -> memref<1000x128xf32, #tpu.memory_space<vmem_shared>>
        tpu.enqueue_dma source(%dma_start3A_28 : memref<1000x128xf32, #tpu.memory_space<vmem_shared>>) target(%dma_start3A_26 : memref<1000x128xf32, #tpu.memory_space<hbm>>) target_semaphore(%run_scoped3A : memref<!tpu.dma_semaphore, #tpu.memory_space<semaphore_mem>>)
        %dma_wait3A = arith.constant 0 : i32
        %dma_wait3A_29 = tpu.memref_slice %arg5[%arg0, %mul3A_24, %dma_wait3A] : memref<2x10000x128xf32, #tpu.memory_space<hbm>> -> memref<1x1000x128xf32, #tpu.memory_space<hbm>>
        %dma_wait3A_30 = tpu.memref_squeeze %dma_wait3A_29 : memref<1x1000x128xf32, #tpu.memory_space<hbm>> -> memref<1000x128xf32, #tpu.memory_space<hbm>>
        %dma_wait3A_31 = arith.constant 0 : i32
        %dma_wait3A_32 = tpu.memref_slice %arg6[%mul3A_22, %dma_wait3A_31] : memref<10000x128xf32, #tpu.memory_space<vmem_shared>> -> memref<1000x128xf32, #tpu.memory_space<vmem_shared>>
        tpu.wait_dma2 semaphore(%run_scoped3A : memref<!tpu.dma_semaphore, #tpu.memory_space<semaphore_mem>>) src(%dma_wait3A_32 : memref<1000x128xf32, #tpu.memory_space<vmem_shared>>) dst(%dma_wait3A_30 : memref<1000x128xf32, #tpu.memory_space<hbm>>)
        tpu.yield
      }) : () -> ()
    } else {
    }
    return
  }
}

#map = affine_map<(d0, d1) -> (0, 0)>
#map1 = affine_map<(d0, d1) -> (0, 0, 0)>
module attributes {stable_mosaic.version = 14 : i64} {
  func.func @_segsum_body(%arg0: i32, %arg1: i32, %arg2: memref<2560x128xi32, #tpu.memory_space<hbm>>, %arg3: memref<2560x128xi32, #tpu.memory_space<hbm>>, %arg4: memref<10000x128xf32, #tpu.memory_space<hbm>>, %arg5: memref<1000x128xf32, #tpu.memory_space<hbm>>, %arg6: memref<2x10000x128xf32, #tpu.memory_space<hbm>>, %arg7: memref<10000x128xf32, #tpu.memory_space<vmem_shared>>, %arg8: memref<40x128xi32, #tpu.memory_space<vmem>>, %arg9: memref<40x128xi32, #tpu.memory_space<vmem>>, %arg10: memref<2x128x128xf32, #tpu.memory_space<vmem>>, %arg11: memref<2x!tpu.dma_semaphore, #tpu.memory_space<semaphore_mem>>, %arg12: memref<2x!tpu.dma_semaphore, #tpu.memory_space<semaphore_mem>>) attributes {dimension_semantics = [#tpu.dimension_semantics<core_parallel>, #tpu.dimension_semantics<subcore_parallel>], iteration_bounds = array<i64: 2, 16>, scalar_prefetch = 0 : i64, scratch_operands = 6 : i64, tpu.core_type = #tpu.core_type<sc_vector_subcore>, window_params = [{transform_indices = #map}, {transform_indices = #map}, {transform_indices = #map}, {transform_indices = #map}, {transform_indices = #map1}]} {
    %mul3A = arith.constant 16 : i32
    %mul3A_0 = arith.muli %arg0, %mul3A : i32
    %add3A = arith.addi %mul3A_0, %arg1 : i32
    %mul3A_1 = arith.constant 80 : i32
    %mul3A_2 = arith.muli %mul3A_1, %add3A : i32
    %lt3A = arith.constant 10 : i32
    %lt3A_3 = arith.cmpi slt, %arg1, %lt3A : i32
    %convert_element_type3A = arith.extui %lt3A_3 : i1 to i32
    %cond3A = arith.constant 0 : i32
    %cond3A_4 = arith.cmpi ne, %convert_element_type3A, %cond3A : i32
    scf.if %cond3A_4 {
      %mul3A_273 = arith.constant 1000 : i32
      %mul3A_274 = arith.muli %arg1, %mul3A_273 : i32
      "tpu.region"() ({
        %run_scoped3A = tpu.sem_alloc : memref<!tpu.dma_semaphore, #tpu.memory_space<semaphore_mem>>
        %dma_start3A_275 = arith.constant 0 : i32
        %dma_start3A_276 = tpu.memref_slice %arg7[%mul3A_274, %dma_start3A_275] : memref<10000x128xf32, #tpu.memory_space<vmem_shared>> -> memref<1000x128xf32, #tpu.memory_space<vmem_shared>>
        tpu.enqueue_dma source(%arg5 : memref<1000x128xf32, #tpu.memory_space<hbm>>) target(%dma_start3A_276 : memref<1000x128xf32, #tpu.memory_space<vmem_shared>>) target_semaphore(%run_scoped3A : memref<!tpu.dma_semaphore, #tpu.memory_space<semaphore_mem>>)
        %dma_wait3A_277 = arith.constant 0 : i32
        %dma_wait3A_278 = tpu.memref_slice %arg7[%mul3A_274, %dma_wait3A_277] : memref<10000x128xf32, #tpu.memory_space<vmem_shared>> -> memref<1000x128xf32, #tpu.memory_space<vmem_shared>>
        tpu.wait_dma2 semaphore(%run_scoped3A : memref<!tpu.dma_semaphore, #tpu.memory_space<semaphore_mem>>) src(%arg5 : memref<1000x128xf32, #tpu.memory_space<hbm>>) dst(%dma_wait3A_278 : memref<1000x128xf32, #tpu.memory_space<vmem_shared>>)
        tpu.yield
      }) : () -> ()
    } else {
    }
    %barrier3A = arith.constant 0 : index
    tpu.barrier barrier_id(%barrier3A)
    %add3A_5 = arith.constant 0 : i32
    %add3A_6 = arith.addi %mul3A_2, %add3A_5 : i32
    "tpu.region"() ({
      %run_scoped3A = tpu.sem_alloc : memref<!tpu.dma_semaphore, #tpu.memory_space<semaphore_mem>>
      %dma_start3A_273 = arith.constant 0 : i32
      %dma_start3A_274 = tpu.memref_slice %arg2[%add3A_6, %dma_start3A_273] : memref<2560x128xi32, #tpu.memory_space<hbm>> -> memref<40x128xi32, #tpu.memory_space<hbm>>
      %dma_start3A_275 = arith.constant 0 : i32
      %dma_start3A_276 = tpu.memref_slice %arg2[%add3A_6, %dma_start3A_275] : memref<2560x128xi32, #tpu.memory_space<hbm>> -> memref<40x128xi32, #tpu.memory_space<hbm>>
      tpu.enqueue_dma source(%dma_start3A_276 : memref<40x128xi32, #tpu.memory_space<hbm>>) target(%arg8 : memref<40x128xi32, #tpu.memory_space<vmem>>) target_semaphore(%run_scoped3A : memref<!tpu.dma_semaphore, #tpu.memory_space<semaphore_mem>>)
      %dma_wait3A_277 = arith.constant 0 : i32
      %dma_wait3A_278 = tpu.memref_slice %arg2[%add3A_6, %dma_wait3A_277] : memref<2560x128xi32, #tpu.memory_space<hbm>> -> memref<40x128xi32, #tpu.memory_space<hbm>>
      %dma_wait3A_279 = arith.constant 0 : i32
      %dma_wait3A_280 = tpu.memref_slice %arg2[%add3A_6, %dma_wait3A_279] : memref<2560x128xi32, #tpu.memory_space<hbm>> -> memref<40x128xi32, #tpu.memory_space<hbm>>
      tpu.wait_dma2 semaphore(%run_scoped3A : memref<!tpu.dma_semaphore, #tpu.memory_space<semaphore_mem>>) src(%dma_wait3A_280 : memref<40x128xi32, #tpu.memory_space<hbm>>) dst(%arg8 : memref<40x128xi32, #tpu.memory_space<vmem>>)
      tpu.yield
    }) : () -> ()
    %add3A_7 = arith.constant 0 : i32
    %add3A_8 = arith.addi %mul3A_2, %add3A_7 : i32
    "tpu.region"() ({
      %run_scoped3A = tpu.sem_alloc : memref<!tpu.dma_semaphore, #tpu.memory_space<semaphore_mem>>
      %dma_start3A_273 = arith.constant 0 : i32
      %dma_start3A_274 = tpu.memref_slice %arg3[%add3A_8, %dma_start3A_273] : memref<2560x128xi32, #tpu.memory_space<hbm>> -> memref<40x128xi32, #tpu.memory_space<hbm>>
      %dma_start3A_275 = arith.constant 0 : i32
      %dma_start3A_276 = tpu.memref_slice %arg3[%add3A_8, %dma_start3A_275] : memref<2560x128xi32, #tpu.memory_space<hbm>> -> memref<40x128xi32, #tpu.memory_space<hbm>>
      tpu.enqueue_dma source(%dma_start3A_276 : memref<40x128xi32, #tpu.memory_space<hbm>>) target(%arg9 : memref<40x128xi32, #tpu.memory_space<vmem>>) target_semaphore(%run_scoped3A : memref<!tpu.dma_semaphore, #tpu.memory_space<semaphore_mem>>)
      %dma_wait3A_277 = arith.constant 0 : i32
      %dma_wait3A_278 = tpu.memref_slice %arg3[%add3A_8, %dma_wait3A_277] : memref<2560x128xi32, #tpu.memory_space<hbm>> -> memref<40x128xi32, #tpu.memory_space<hbm>>
      %dma_wait3A_279 = arith.constant 0 : i32
      %dma_wait3A_280 = tpu.memref_slice %arg3[%add3A_8, %dma_wait3A_279] : memref<2560x128xi32, #tpu.memory_space<hbm>> -> memref<40x128xi32, #tpu.memory_space<hbm>>
      tpu.wait_dma2 semaphore(%run_scoped3A : memref<!tpu.dma_semaphore, #tpu.memory_space<semaphore_mem>>) src(%dma_wait3A_280 : memref<40x128xi32, #tpu.memory_space<hbm>>) dst(%arg9 : memref<40x128xi32, #tpu.memory_space<vmem>>)
      tpu.yield
    }) : () -> ()
    %dma_start3A = arith.constant 0 : i32
    %dma_start3A_9 = arith.constant 0 : i32
    %dma_start3A_10 = arith.constant 0 : i32
    %dma_start3A_11 = arith.constant 0 : i32
    %dma_start3A_12 = arith.constant 0 : i32
    %dma_start3A_13 = tpu.memref_slice %arg10[%dma_start3A_9, %dma_start3A_11, %dma_start3A_12] : memref<2x128x128xf32, #tpu.memory_space<vmem>> -> memref<1x128x128xf32, #tpu.memory_space<vmem>>
    %dma_start3A_14 = tpu.memref_squeeze %dma_start3A_13 : memref<1x128x128xf32, #tpu.memory_space<vmem>> -> memref<128x128xf32, #tpu.memory_space<vmem>>
    %dma_start3A_15 = arith.constant 0 : i32
    %dma_start3A_16 = tpu.memref_slice %arg8[%dma_start3A, %dma_start3A_15] : memref<40x128xi32, #tpu.memory_space<vmem>> -> memref<1x128xi32, #tpu.memory_space<vmem>>
    %dma_start3A_17 = tpu.memref_squeeze %dma_start3A_16 : memref<1x128xi32, #tpu.memory_space<vmem>> -> memref<128xi32, #tpu.memory_space<vmem>>
    %dma_start3A_18 = arith.constant 0 : i32
    %dma_start3A_19 = arith.constant 0 : i32
    %dma_start3A_20 = tpu.memref_slice %arg4[%dma_start3A_18, %dma_start3A_19] : memref<10000x128xf32, #tpu.memory_space<hbm>> -> memref<10000x128xf32, #tpu.memory_space<hbm>>
    %dma_start3A_21 = tpu.memref_slice %arg11[%dma_start3A_10] : memref<2x!tpu.dma_semaphore, #tpu.memory_space<semaphore_mem>> -> memref<1x!tpu.dma_semaphore, #tpu.memory_space<semaphore_mem>>
    %dma_start3A_22 = tpu.memref_squeeze %dma_start3A_21 : memref<1x!tpu.dma_semaphore, #tpu.memory_space<semaphore_mem>> -> memref<!tpu.dma_semaphore, #tpu.memory_space<semaphore_mem>>
    tpu.enqueue_indirect_dma source(%dma_start3A_20 : memref<10000x128xf32, #tpu.memory_space<hbm>>) target(%dma_start3A_14 : memref<128x128xf32, #tpu.memory_space<vmem>>) offsets(%dma_start3A_17 : memref<128xi32, #tpu.memory_space<vmem>>) semaphore(%dma_start3A_22 : memref<!tpu.dma_semaphore, #tpu.memory_space<semaphore_mem>>)
    %dma_wait3A = arith.constant 0 : i32
    %dma_wait3A_23 = arith.constant 0 : i32
    %dma_wait3A_24 = arith.constant 0 : i32
    %dma_wait3A_25 = arith.constant 0 : i32
    %dma_wait3A_26 = arith.constant 0 : i32
    %dma_wait3A_27 = tpu.memref_slice %arg10[%dma_wait3A_23, %dma_wait3A_25, %dma_wait3A_26] : memref<2x128x128xf32, #tpu.memory_space<vmem>> -> memref<1x128x128xf32, #tpu.memory_space<vmem>>
    %dma_wait3A_28 = tpu.memref_squeeze %dma_wait3A_27 : memref<1x128x128xf32, #tpu.memory_space<vmem>> -> memref<128x128xf32, #tpu.memory_space<vmem>>
    %dma_wait3A_29 = arith.constant 0 : i32
    %dma_wait3A_30 = tpu.memref_slice %arg8[%dma_wait3A, %dma_wait3A_29] : memref<40x128xi32, #tpu.memory_space<vmem>> -> memref<1x128xi32, #tpu.memory_space<vmem>>
    %dma_wait3A_31 = tpu.memref_squeeze %dma_wait3A_30 : memref<1x128xi32, #tpu.memory_space<vmem>> -> memref<128xi32, #tpu.memory_space<vmem>>
    %dma_wait3A_32 = arith.constant 0 : i32
    %dma_wait3A_33 = arith.constant 0 : i32
    %dma_wait3A_34 = tpu.memref_slice %arg4[%dma_wait3A_32, %dma_wait3A_33] : memref<10000x128xf32, #tpu.memory_space<hbm>> -> memref<10000x128xf32, #tpu.memory_space<hbm>>
    %dma_wait3A_35 = tpu.memref_slice %arg11[%dma_wait3A_24] : memref<2x!tpu.dma_semaphore, #tpu.memory_space<semaphore_mem>> -> memref<1x!tpu.dma_semaphore, #tpu.memory_space<semaphore_mem>>
    %dma_wait3A_36 = tpu.memref_squeeze %dma_wait3A_35 : memref<1x!tpu.dma_semaphore, #tpu.memory_space<semaphore_mem>> -> memref<!tpu.dma_semaphore, #tpu.memory_space<semaphore_mem>>
    tpu.wait_indirect_dma semaphore(%dma_wait3A_36 : memref<!tpu.dma_semaphore, #tpu.memory_space<semaphore_mem>>) src(%dma_wait3A_34 : memref<10000x128xf32, #tpu.memory_space<hbm>>) dst(%dma_wait3A_28 : memref<128x128xf32, #tpu.memory_space<vmem>>)
    %dma_start3A_37 = arith.constant 0 : i32
    %dma_start3A_38 = arith.constant 0 : i32
    %dma_start3A_39 = arith.constant 0 : i32
    %dma_start3A_40 = arith.constant 0 : i32
    %dma_start3A_41 = arith.constant 0 : i32
    %dma_start3A_42 = tpu.memref_slice %arg10[%dma_start3A_37, %dma_start3A_40, %dma_start3A_41] : memref<2x128x128xf32, #tpu.memory_space<vmem>> -> memref<1x128x128xf32, #tpu.memory_space<vmem>>
    %dma_start3A_43 = tpu.memref_squeeze %dma_start3A_42 : memref<1x128x128xf32, #tpu.memory_space<vmem>> -> memref<128x128xf32, #tpu.memory_space<vmem>>
    %dma_start3A_44 = arith.constant 0 : i32
    %dma_start3A_45 = tpu.memref_slice %arg9[%dma_start3A_38, %dma_start3A_44] : memref<40x128xi32, #tpu.memory_space<vmem>> -> memref<1x128xi32, #tpu.memory_space<vmem>>
    %dma_start3A_46 = tpu.memref_squeeze %dma_start3A_45 : memref<1x128xi32, #tpu.memory_space<vmem>> -> memref<128xi32, #tpu.memory_space<vmem>>
    %dma_start3A_47 = arith.constant 0 : i32
    %dma_start3A_48 = arith.constant 0 : i32
    %dma_start3A_49 = tpu.memref_slice %arg7[%dma_start3A_47, %dma_start3A_48] : memref<10000x128xf32, #tpu.memory_space<vmem_shared>> -> memref<10000x128xf32, #tpu.memory_space<vmem_shared>>
    %dma_start3A_50 = tpu.memref_slice %arg12[%dma_start3A_39] : memref<2x!tpu.dma_semaphore, #tpu.memory_space<semaphore_mem>> -> memref<1x!tpu.dma_semaphore, #tpu.memory_space<semaphore_mem>>
    %dma_start3A_51 = tpu.memref_squeeze %dma_start3A_50 : memref<1x!tpu.dma_semaphore, #tpu.memory_space<semaphore_mem>> -> memref<!tpu.dma_semaphore, #tpu.memory_space<semaphore_mem>>
    tpu.enqueue_indirect_dma source(%dma_start3A_43 : memref<128x128xf32, #tpu.memory_space<vmem>>) target(%dma_start3A_49 : memref<10000x128xf32, #tpu.memory_space<vmem_shared>>) offsets(%dma_start3A_46 : memref<128xi32, #tpu.memory_space<vmem>>) semaphore(%dma_start3A_51 : memref<!tpu.dma_semaphore, #tpu.memory_space<semaphore_mem>>) {add = true}
    %dma_start3A_52 = arith.constant 1 : i32
    %dma_start3A_53 = arith.constant 1 : i32
    %dma_start3A_54 = arith.constant 1 : i32
    %dma_start3A_55 = arith.constant 0 : i32
    %dma_start3A_56 = arith.constant 0 : i32
    %dma_start3A_57 = tpu.memref_slice %arg10[%dma_start3A_53, %dma_start3A_55, %dma_start3A_56] : memref<2x128x128xf32, #tpu.memory_space<vmem>> -> memref<1x128x128xf32, #tpu.memory_space<vmem>>
    %dma_start3A_58 = tpu.memref_squeeze %dma_start3A_57 : memref<1x128x128xf32, #tpu.memory_space<vmem>> -> memref<128x128xf32, #tpu.memory_space<vmem>>
    %dma_start3A_59 = arith.constant 0 : i32
    %dma_start3A_60 = tpu.memref_slice %arg8[%dma_start3A_52, %dma_start3A_59] : memref<40x128xi32, #tpu.memory_space<vmem>> -> memref<1x128xi32, #tpu.memory_space<vmem>>
    %dma_start3A_61 = tpu.memref_squeeze %dma_start3A_60 : memref<1x128xi32, #tpu.memory_space<vmem>> -> memref<128xi32, #tpu.memory_space<vmem>>
    %dma_start3A_62 = arith.constant 0 : i32
    %dma_start3A_63 = arith.constant 0 : i32
    %dma_start3A_64 = tpu.memref_slice %arg4[%dma_start3A_62, %dma_start3A_63] : memref<10000x128xf32, #tpu.memory_space<hbm>> -> memref<10000x128xf32, #tpu.memory_space<hbm>>
    %dma_start3A_65 = tpu.memref_slice %arg11[%dma_start3A_54] : memref<2x!tpu.dma_semaphore, #tpu.memory_space<semaphore_mem>> -> memref<1x!tpu.dma_semaphore, #tpu.memory_space<semaphore_mem>>
    %dma_start3A_66 = tpu.memref_squeeze %dma_start3A_65 : memref<1x!tpu.dma_semaphore, #tpu.memory_space<semaphore_mem>> -> memref<!tpu.dma_semaphore, #tpu.memory_space<semaphore_mem>>
    tpu.enqueue_indirect_dma source(%dma_start3A_64 : memref<10000x128xf32, #tpu.memory_space<hbm>>) target(%dma_start3A_58 : memref<128x128xf32, #tpu.memory_space<vmem>>) offsets(%dma_start3A_61 : memref<128xi32, #tpu.memory_space<vmem>>) semaphore(%dma_start3A_66 : memref<!tpu.dma_semaphore, #tpu.memory_space<semaphore_mem>>)
    %scan3A = arith.constant 0 : i32
    %scan3A_67 = arith.constant 0 : i32
    %scan3A_68 = arith.constant 19 : i32
    %scan3A_69 = arith.addi %scan3A_67, %scan3A_68 : i32
    %scan3A_70 = arith.constant 1 : i32
    scf.for %scan3A_273 = %scan3A_67 to %scan3A_69 step %scan3A_70  : i32 {
      %mul3A_274 = arith.constant 2 : i32
      %mul3A_275 = arith.muli %mul3A_274, %scan3A_273 : i32
      %add3A_276 = arith.constant 1 : i32
      %add3A_277 = arith.addi %mul3A_275, %add3A_276 : i32
      %dma_wait3A_278 = arith.constant 1 : i32
      %dma_wait3A_279 = arith.constant 1 : i32
      %dma_wait3A_280 = arith.constant 0 : i32
      %dma_wait3A_281 = arith.constant 0 : i32
      %dma_wait3A_282 = tpu.memref_slice %arg10[%dma_wait3A_278, %dma_wait3A_280, %dma_wait3A_281] : memref<2x128x128xf32, #tpu.memory_space<vmem>> -> memref<1x128x128xf32, #tpu.memory_space<vmem>>
      %dma_wait3A_283 = tpu.memref_squeeze %dma_wait3A_282 : memref<1x128x128xf32, #tpu.memory_space<vmem>> -> memref<128x128xf32, #tpu.memory_space<vmem>>
      %dma_wait3A_284 = arith.constant 0 : i32
      %dma_wait3A_285 = tpu.memref_slice %arg8[%add3A_277, %dma_wait3A_284] : memref<40x128xi32, #tpu.memory_space<vmem>> -> memref<1x128xi32, #tpu.memory_space<vmem>>
      %dma_wait3A_286 = tpu.memref_squeeze %dma_wait3A_285 : memref<1x128xi32, #tpu.memory_space<vmem>> -> memref<128xi32, #tpu.memory_space<vmem>>
      %dma_wait3A_287 = arith.constant 0 : i32
      %dma_wait3A_288 = arith.constant 0 : i32
      %dma_wait3A_289 = tpu.memref_slice %arg4[%dma_wait3A_287, %dma_wait3A_288] : memref<10000x128xf32, #tpu.memory_space<hbm>> -> memref<10000x128xf32, #tpu.memory_space<hbm>>
      %dma_wait3A_290 = tpu.memref_slice %arg11[%dma_wait3A_279] : memref<2x!tpu.dma_semaphore, #tpu.memory_space<semaphore_mem>> -> memref<1x!tpu.dma_semaphore, #tpu.memory_space<semaphore_mem>>
      %dma_wait3A_291 = tpu.memref_squeeze %dma_wait3A_290 : memref<1x!tpu.dma_semaphore, #tpu.memory_space<semaphore_mem>> -> memref<!tpu.dma_semaphore, #tpu.memory_space<semaphore_mem>>
      tpu.wait_indirect_dma semaphore(%dma_wait3A_291 : memref<!tpu.dma_semaphore, #tpu.memory_space<semaphore_mem>>) src(%dma_wait3A_289 : memref<10000x128xf32, #tpu.memory_space<hbm>>) dst(%dma_wait3A_283 : memref<128x128xf32, #tpu.memory_space<vmem>>)
      %dma_start3A_292 = arith.constant 1 : i32
      %dma_start3A_293 = arith.constant 1 : i32
      %dma_start3A_294 = arith.constant 0 : i32
      %dma_start3A_295 = arith.constant 0 : i32
      %dma_start3A_296 = tpu.memref_slice %arg10[%dma_start3A_292, %dma_start3A_294, %dma_start3A_295] : memref<2x128x128xf32, #tpu.memory_space<vmem>> -> memref<1x128x128xf32, #tpu.memory_space<vmem>>
      %dma_start3A_297 = tpu.memref_squeeze %dma_start3A_296 : memref<1x128x128xf32, #tpu.memory_space<vmem>> -> memref<128x128xf32, #tpu.memory_space<vmem>>
      %dma_start3A_298 = arith.constant 0 : i32
      %dma_start3A_299 = tpu.memref_slice %arg9[%add3A_277, %dma_start3A_298] : memref<40x128xi32, #tpu.memory_space<vmem>> -> memref<1x128xi32, #tpu.memory_space<vmem>>
      %dma_start3A_300 = tpu.memref_squeeze %dma_start3A_299 : memref<1x128xi32, #tpu.memory_space<vmem>> -> memref<128xi32, #tpu.memory_space<vmem>>
      %dma_start3A_301 = arith.constant 0 : i32
      %dma_start3A_302 = arith.constant 0 : i32
      %dma_start3A_303 = tpu.memref_slice %arg7[%dma_start3A_301, %dma_start3A_302] : memref<10000x128xf32, #tpu.memory_space<vmem_shared>> -> memref<10000x128xf32, #tpu.memory_space<vmem_shared>>
      %dma_start3A_304 = tpu.memref_slice %arg12[%dma_start3A_293] : memref<2x!tpu.dma_semaphore, #tpu.memory_space<semaphore_mem>> -> memref<1x!tpu.dma_semaphore, #tpu.memory_space<semaphore_mem>>
      %dma_start3A_305 = tpu.memref_squeeze %dma_start3A_304 : memref<1x!tpu.dma_semaphore, #tpu.memory_space<semaphore_mem>> -> memref<!tpu.dma_semaphore, #tpu.memory_space<semaphore_mem>>
      tpu.enqueue_indirect_dma source(%dma_start3A_297 : memref<128x128xf32, #tpu.memory_space<vmem>>) target(%dma_start3A_303 : memref<10000x128xf32, #tpu.memory_space<vmem_shared>>) offsets(%dma_start3A_300 : memref<128xi32, #tpu.memory_space<vmem>>) semaphore(%dma_start3A_305 : memref<!tpu.dma_semaphore, #tpu.memory_space<semaphore_mem>>) {add = true}
      %sub3A = arith.constant 1 : i32
      %sub3A_306 = arith.subi %add3A_277, %sub3A : i32
      %dma_wait3A_307 = arith.constant 0 : i32
      %dma_wait3A_308 = arith.constant 0 : i32
      %dma_wait3A_309 = arith.constant 0 : i32
      %dma_wait3A_310 = arith.constant 0 : i32
      %dma_wait3A_311 = tpu.memref_slice %arg10[%dma_wait3A_307, %dma_wait3A_309, %dma_wait3A_310] : memref<2x128x128xf32, #tpu.memory_space<vmem>> -> memref<1x128x128xf32, #tpu.memory_space<vmem>>
      %dma_wait3A_312 = tpu.memref_squeeze %dma_wait3A_311 : memref<1x128x128xf32, #tpu.memory_space<vmem>> -> memref<128x128xf32, #tpu.memory_space<vmem>>
      %dma_wait3A_313 = arith.constant 0 : i32
      %dma_wait3A_314 = tpu.memref_slice %arg9[%sub3A_306, %dma_wait3A_313] : memref<40x128xi32, #tpu.memory_space<vmem>> -> memref<1x128xi32, #tpu.memory_space<vmem>>
      %dma_wait3A_315 = tpu.memref_squeeze %dma_wait3A_314 : memref<1x128xi32, #tpu.memory_space<vmem>> -> memref<128xi32, #tpu.memory_space<vmem>>
      %dma_wait3A_316 = arith.constant 0 : i32
      %dma_wait3A_317 = arith.constant 0 : i32
      %dma_wait3A_318 = tpu.memref_slice %arg7[%dma_wait3A_316, %dma_wait3A_317] : memref<10000x128xf32, #tpu.memory_space<vmem_shared>> -> memref<10000x128xf32, #tpu.memory_space<vmem_shared>>
      %dma_wait3A_319 = tpu.memref_slice %arg12[%dma_wait3A_308] : memref<2x!tpu.dma_semaphore, #tpu.memory_space<semaphore_mem>> -> memref<1x!tpu.dma_semaphore, #tpu.memory_space<semaphore_mem>>
      %dma_wait3A_320 = tpu.memref_squeeze %dma_wait3A_319 : memref<1x!tpu.dma_semaphore, #tpu.memory_space<semaphore_mem>> -> memref<!tpu.dma_semaphore, #tpu.memory_space<semaphore_mem>>
      tpu.wait_indirect_dma semaphore(%dma_wait3A_320 : memref<!tpu.dma_semaphore, #tpu.memory_space<semaphore_mem>>) src(%dma_wait3A_312 : memref<128x128xf32, #tpu.memory_space<vmem>>) dst(%dma_wait3A_318 : memref<10000x128xf32, #tpu.memory_space<vmem_shared>>)
      %add3A_321 = arith.constant 1 : i32
      %add3A_322 = arith.addi %add3A_277, %add3A_321 : i32
      %dma_start3A_323 = arith.constant 0 : i32
      %dma_start3A_324 = arith.constant 0 : i32
      %dma_start3A_325 = arith.constant 0 : i32
      %dma_start3A_326 = arith.constant 0 : i32
      %dma_start3A_327 = tpu.memref_slice %arg10[%dma_start3A_323, %dma_start3A_325, %dma_start3A_326] : memref<2x128x128xf32, #tpu.memory_space<vmem>> -> memref<1x128x128xf32, #tpu.memory_space<vmem>>
      %dma_start3A_328 = tpu.memref_squeeze %dma_start3A_327 : memref<1x128x128xf32, #tpu.memory_space<vmem>> -> memref<128x128xf32, #tpu.memory_space<vmem>>
      %dma_start3A_329 = arith.constant 0 : i32
      %dma_start3A_330 = tpu.memref_slice %arg8[%add3A_322, %dma_start3A_329] : memref<40x128xi32, #tpu.memory_space<vmem>> -> memref<1x128xi32, #tpu.memory_space<vmem>>
      %dma_start3A_331 = tpu.memref_squeeze %dma_start3A_330 : memref<1x128xi32, #tpu.memory_space<vmem>> -> memref<128xi32, #tpu.memory_space<vmem>>
      %dma_start3A_332 = arith.constant 0 : i32
      %dma_start3A_333 = arith.constant 0 : i32
      %dma_start3A_334 = tpu.memref_slice %arg4[%dma_start3A_332, %dma_start3A_333] : memref<10000x128xf32, #tpu.memory_space<hbm>> -> memref<10000x128xf32, #tpu.memory_space<hbm>>
      %dma_start3A_335 = tpu.memref_slice %arg11[%dma_start3A_324] : memref<2x!tpu.dma_semaphore, #tpu.memory_space<semaphore_mem>> -> memref<1x!tpu.dma_semaphore, #tpu.memory_space<semaphore_mem>>
      %dma_start3A_336 = tpu.memref_squeeze %dma_start3A_335 : memref<1x!tpu.dma_semaphore, #tpu.memory_space<semaphore_mem>> -> memref<!tpu.dma_semaphore, #tpu.memory_space<semaphore_mem>>
      tpu.enqueue_indirect_dma source(%dma_start3A_334 : memref<10000x128xf32, #tpu.memory_space<hbm>>) target(%dma_start3A_328 : memref<128x128xf32, #tpu.memory_space<vmem>>) offsets(%dma_start3A_331 : memref<128xi32, #tpu.memory_space<vmem>>) semaphore(%dma_start3A_336 : memref<!tpu.dma_semaphore, #tpu.memory_space<semaphore_mem>>)
      %add3A_337 = arith.constant 1 : i32
      %add3A_338 = arith.addi %add3A_277, %add3A_337 : i32
      %dma_wait3A_339 = arith.constant 0 : i32
      %dma_wait3A_340 = arith.constant 0 : i32
      %dma_wait3A_341 = arith.constant 0 : i32
      %dma_wait3A_342 = arith.constant 0 : i32
      %dma_wait3A_343 = tpu.memref_slice %arg10[%dma_wait3A_339, %dma_wait3A_341, %dma_wait3A_342] : memref<2x128x128xf32, #tpu.memory_space<vmem>> -> memref<1x128x128xf32, #tpu.memory_space<vmem>>
      %dma_wait3A_344 = tpu.memref_squeeze %dma_wait3A_343 : memref<1x128x128xf32, #tpu.memory_space<vmem>> -> memref<128x128xf32, #tpu.memory_space<vmem>>
      %dma_wait3A_345 = arith.constant 0 : i32
      %dma_wait3A_346 = tpu.memref_slice %arg8[%add3A_338, %dma_wait3A_345] : memref<40x128xi32, #tpu.memory_space<vmem>> -> memref<1x128xi32, #tpu.memory_space<vmem>>
      %dma_wait3A_347 = tpu.memref_squeeze %dma_wait3A_346 : memref<1x128xi32, #tpu.memory_space<vmem>> -> memref<128xi32, #tpu.memory_space<vmem>>
      %dma_wait3A_348 = arith.constant 0 : i32
      %dma_wait3A_349 = arith.constant 0 : i32
      %dma_wait3A_350 = tpu.memref_slice %arg4[%dma_wait3A_348, %dma_wait3A_349] : memref<10000x128xf32, #tpu.memory_space<hbm>> -> memref<10000x128xf32, #tpu.memory_space<hbm>>
      %dma_wait3A_351 = tpu.memref_slice %arg11[%dma_wait3A_340] : memref<2x!tpu.dma_semaphore, #tpu.memory_space<semaphore_mem>> -> memref<1x!tpu.dma_semaphore, #tpu.memory_space<semaphore_mem>>
      %dma_wait3A_352 = tpu.memref_squeeze %dma_wait3A_351 : memref<1x!tpu.dma_semaphore, #tpu.memory_space<semaphore_mem>> -> memref<!tpu.dma_semaphore, #tpu.memory_space<semaphore_mem>>
      tpu.wait_indirect_dma semaphore(%dma_wait3A_352 : memref<!tpu.dma_semaphore, #tpu.memory_space<semaphore_mem>>) src(%dma_wait3A_350 : memref<10000x128xf32, #tpu.memory_space<hbm>>) dst(%dma_wait3A_344 : memref<128x128xf32, #tpu.memory_space<vmem>>)
      %add3A_353 = arith.constant 1 : i32
      %add3A_354 = arith.addi %add3A_277, %add3A_353 : i32
      %dma_start3A_355 = arith.constant 0 : i32
      %dma_start3A_356 = arith.constant 0 : i32
      %dma_start3A_357 = arith.constant 0 : i32
      %dma_start3A_358 = arith.constant 0 : i32
      %dma_start3A_359 = tpu.memref_slice %arg10[%dma_start3A_355, %dma_start3A_357, %dma_start3A_358] : memref<2x128x128xf32, #tpu.memory_space<vmem>> -> memref<1x128x128xf32, #tpu.memory_space<vmem>>
      %dma_start3A_360 = tpu.memref_squeeze %dma_start3A_359 : memref<1x128x128xf32, #tpu.memory_space<vmem>> -> memref<128x128xf32, #tpu.memory_space<vmem>>
      %dma_start3A_361 = arith.constant 0 : i32
      %dma_start3A_362 = tpu.memref_slice %arg9[%add3A_354, %dma_start3A_361] : memref<40x128xi32, #tpu.memory_space<vmem>> -> memref<1x128xi32, #tpu.memory_space<vmem>>
      %dma_start3A_363 = tpu.memref_squeeze %dma_start3A_362 : memref<1x128xi32, #tpu.memory_space<vmem>> -> memref<128xi32, #tpu.memory_space<vmem>>
      %dma_start3A_364 = arith.constant 0 : i32
      %dma_start3A_365 = arith.constant 0 : i32
      %dma_start3A_366 = tpu.memref_slice %arg7[%dma_start3A_364, %dma_start3A_365] : memref<10000x128xf32, #tpu.memory_space<vmem_shared>> -> memref<10000x128xf32, #tpu.memory_space<vmem_shared>>
      %dma_start3A_367 = tpu.memref_slice %arg12[%dma_start3A_356] : memref<2x!tpu.dma_semaphore, #tpu.memory_space<semaphore_mem>> -> memref<1x!tpu.dma_semaphore, #tpu.memory_space<semaphore_mem>>
      %dma_start3A_368 = tpu.memref_squeeze %dma_start3A_367 : memref<1x!tpu.dma_semaphore, #tpu.memory_space<semaphore_mem>> -> memref<!tpu.dma_semaphore, #tpu.memory_space<semaphore_mem>>
      tpu.enqueue_indirect_dma source(%dma_start3A_360 : memref<128x128xf32, #tpu.memory_space<vmem>>) target(%dma_start3A_366 : memref<10000x128xf32, #tpu.memory_space<vmem_shared>>) offsets(%dma_start3A_363 : memref<128xi32, #tpu.memory_space<vmem>>) semaphore(%dma_start3A_368 : memref<!tpu.dma_semaphore, #tpu.memory_space<semaphore_mem>>) {add = true}
      %dma_wait3A_369 = arith.constant 1 : i32
      %dma_wait3A_370 = arith.constant 1 : i32
      %dma_wait3A_371 = arith.constant 0 : i32
      %dma_wait3A_372 = arith.constant 0 : i32
      %dma_wait3A_373 = tpu.memref_slice %arg10[%dma_wait3A_369, %dma_wait3A_371, %dma_wait3A_372] : memref<2x128x128xf32, #tpu.memory_space<vmem>> -> memref<1x128x128xf32, #tpu.memory_space<vmem>>
      %dma_wait3A_374 = tpu.memref_squeeze %dma_wait3A_373 : memref<1x128x128xf32, #tpu.memory_space<vmem>> -> memref<128x128xf32, #tpu.memory_space<vmem>>
      %dma_wait3A_375 = arith.constant 0 : i32
      %dma_wait3A_376 = tpu.memref_slice %arg9[%add3A_277, %dma_wait3A_375] : memref<40x128xi32, #tpu.memory_space<vmem>> -> memref<1x128xi32, #tpu.memory_space<vmem>>
      %dma_wait3A_377 = tpu.memref_squeeze %dma_wait3A_376 : memref<1x128xi32, #tpu.memory_space<vmem>> -> memref<128xi32, #tpu.memory_space<vmem>>
      %dma_wait3A_378 = arith.constant 0 : i32
      %dma_wait3A_379 = arith.constant 0 : i32
      %dma_wait3A_380 = tpu.memref_slice %arg7[%dma_wait3A_378, %dma_wait3A_379] : memref<10000x128xf32, #tpu.memory_space<vmem_shared>> -> memref<10000x128xf32, #tpu.memory_space<vmem_shared>>
      %dma_wait3A_381 = tpu.memref_slice %arg12[%dma_wait3A_370] : memref<2x!tpu.dma_semaphore, #tpu.memory_space<semaphore_mem>> -> memref<1x!tpu.dma_semaphore, #tpu.memory_space<semaphore_mem>>
      %dma_wait3A_382 = tpu.memref_squeeze %dma_wait3A_381 : memref<1x!tpu.dma_semaphore, #tpu.memory_space<semaphore_mem>> -> memref<!tpu.dma_semaphore, #tpu.memory_space<semaphore_mem>>
      tpu.wait_indirect_dma semaphore(%dma_wait3A_382 : memref<!tpu.dma_semaphore, #tpu.memory_space<semaphore_mem>>) src(%dma_wait3A_374 : memref<128x128xf32, #tpu.memory_space<vmem>>) dst(%dma_wait3A_380 : memref<10000x128xf32, #tpu.memory_space<vmem_shared>>)
      %add3A_383 = arith.constant 2 : i32
      %add3A_384 = arith.addi %add3A_277, %add3A_383 : i32
      %dma_start3A_385 = arith.constant 1 : i32
      %dma_start3A_386 = arith.constant 1 : i32
      %dma_start3A_387 = arith.constant 0 : i32
      %dma_start3A_388 = arith.constant 0 : i32
      %dma_start3A_389 = tpu.memref_slice %arg10[%dma_start3A_385, %dma_start3A_387, %dma_start3A_388] : memref<2x128x128xf32, #tpu.memory_space<vmem>> -> memref<1x128x128xf32, #tpu.memory_space<vmem>>
      %dma_start3A_390 = tpu.memref_squeeze %dma_start3A_389 : memref<1x128x128xf32, #tpu.memory_space<vmem>> -> memref<128x128xf32, #tpu.memory_space<vmem>>
      %dma_start3A_391 = arith.constant 0 : i32
      %dma_start3A_392 = tpu.memref_slice %arg8[%add3A_384, %dma_start3A_391] : memref<40x128xi32, #tpu.memory_space<vmem>> -> memref<1x128xi32, #tpu.memory_space<vmem>>
      %dma_start3A_393 = tpu.memref_squeeze %dma_start3A_392 : memref<1x128xi32, #tpu.memory_space<vmem>> -> memref<128xi32, #tpu.memory_space<vmem>>
      %dma_start3A_394 = arith.constant 0 : i32
      %dma_start3A_395 = arith.constant 0 : i32
      %dma_start3A_396 = tpu.memref_slice %arg4[%dma_start3A_394, %dma_start3A_395] : memref<10000x128xf32, #tpu.memory_space<hbm>> -> memref<10000x128xf32, #tpu.memory_space<hbm>>
      %dma_start3A_397 = tpu.memref_slice %arg11[%dma_start3A_386] : memref<2x!tpu.dma_semaphore, #tpu.memory_space<semaphore_mem>> -> memref<1x!tpu.dma_semaphore, #tpu.memory_space<semaphore_mem>>
      %dma_start3A_398 = tpu.memref_squeeze %dma_start3A_397 : memref<1x!tpu.dma_semaphore, #tpu.memory_space<semaphore_mem>> -> memref<!tpu.dma_semaphore, #tpu.memory_space<semaphore_mem>>
      tpu.enqueue_indirect_dma source(%dma_start3A_396 : memref<10000x128xf32, #tpu.memory_space<hbm>>) target(%dma_start3A_390 : memref<128x128xf32, #tpu.memory_space<vmem>>) offsets(%dma_start3A_393 : memref<128xi32, #tpu.memory_space<vmem>>) semaphore(%dma_start3A_398 : memref<!tpu.dma_semaphore, #tpu.memory_space<semaphore_mem>>)
    }
    %scan3A_71 = arith.constant 19 : i32
    %dma_wait3A_72 = arith.constant 39 : i32
    %dma_wait3A_73 = arith.constant 1 : i32
    %dma_wait3A_74 = arith.constant 1 : i32
    %dma_wait3A_75 = arith.constant 0 : i32
    %dma_wait3A_76 = arith.constant 0 : i32
    %dma_wait3A_77 = tpu.memref_slice %arg10[%dma_wait3A_73, %dma_wait3A_75, %dma_wait3A_76] : memref<2x128x128xf32, #tpu.memory_space<vmem>> -> memref<1x128x128xf32, #tpu.memory_space<vmem>>
    %dma_wait3A_78 = tpu.memref_squeeze %dma_wait3A_77 : memref<1x128x128xf32, #tpu.memory_space<vmem>> -> memref<128x128xf32, #tpu.memory_space<vmem>>
    %dma_wait3A_79 = arith.constant 0 : i32
    %dma_wait3A_80 = tpu.memref_slice %arg8[%dma_wait3A_72, %dma_wait3A_79] : memref<40x128xi32, #tpu.memory_space<vmem>> -> memref<1x128xi32, #tpu.memory_space<vmem>>
    %dma_wait3A_81 = tpu.memref_squeeze %dma_wait3A_80 : memref<1x128xi32, #tpu.memory_space<vmem>> -> memref<128xi32, #tpu.memory_space<vmem>>
    %dma_wait3A_82 = arith.constant 0 : i32
    %dma_wait3A_83 = arith.constant 0 : i32
    %dma_wait3A_84 = tpu.memref_slice %arg4[%dma_wait3A_82, %dma_wait3A_83] : memref<10000x128xf32, #tpu.memory_space<hbm>> -> memref<10000x128xf32, #tpu.memory_space<hbm>>
    %dma_wait3A_85 = tpu.memref_slice %arg11[%dma_wait3A_74] : memref<2x!tpu.dma_semaphore, #tpu.memory_space<semaphore_mem>> -> memref<1x!tpu.dma_semaphore, #tpu.memory_space<semaphore_mem>>
    %dma_wait3A_86 = tpu.memref_squeeze %dma_wait3A_85 : memref<1x!tpu.dma_semaphore, #tpu.memory_space<semaphore_mem>> -> memref<!tpu.dma_semaphore, #tpu.memory_space<semaphore_mem>>
    tpu.wait_indirect_dma semaphore(%dma_wait3A_86 : memref<!tpu.dma_semaphore, #tpu.memory_space<semaphore_mem>>) src(%dma_wait3A_84 : memref<10000x128xf32, #tpu.memory_space<hbm>>) dst(%dma_wait3A_78 : memref<128x128xf32, #tpu.memory_space<vmem>>)
    %dma_start3A_87 = arith.constant 1 : i32
    %dma_start3A_88 = arith.constant 39 : i32
    %dma_start3A_89 = arith.constant 1 : i32
    %dma_start3A_90 = arith.constant 0 : i32
    %dma_start3A_91 = arith.constant 0 : i32
    %dma_start3A_92 = tpu.memref_slice %arg10[%dma_start3A_87, %dma_start3A_90, %dma_start3A_91] : memref<2x128x128xf32, #tpu.memory_space<vmem>> -> memref<1x128x128xf32, #tpu.memory_space<vmem>>
    %dma_start3A_93 = tpu.memref_squeeze %dma_start3A_92 : memref<1x128x128xf32, #tpu.memory_space<vmem>> -> memref<128x128xf32, #tpu.memory_space<vmem>>
    %dma_start3A_94 = arith.constant 0 : i32
    %dma_start3A_95 = tpu.memref_slice %arg9[%dma_start3A_88, %dma_start3A_94] : memref<40x128xi32, #tpu.memory_space<vmem>> -> memref<1x128xi32, #tpu.memory_space<vmem>>
    %dma_start3A_96 = tpu.memref_squeeze %dma_start3A_95 : memref<1x128xi32, #tpu.memory_space<vmem>> -> memref<128xi32, #tpu.memory_space<vmem>>
    %dma_start3A_97 = arith.constant 0 : i32
    %dma_start3A_98 = arith.constant 0 : i32
    %dma_start3A_99 = tpu.memref_slice %arg7[%dma_start3A_97, %dma_start3A_98] : memref<10000x128xf32, #tpu.memory_space<vmem_shared>> -> memref<10000x128xf32, #tpu.memory_space<vmem_shared>>
    %dma_start3A_100 = tpu.memref_slice %arg12[%dma_start3A_89] : memref<2x!tpu.dma_semaphore, #tpu.memory_space<semaphore_mem>> -> memref<1x!tpu.dma_semaphore, #tpu.memory_space<semaphore_mem>>
    %dma_start3A_101 = tpu.memref_squeeze %dma_start3A_100 : memref<1x!tpu.dma_semaphore, #tpu.memory_space<semaphore_mem>> -> memref<!tpu.dma_semaphore, #tpu.memory_space<semaphore_mem>>
    tpu.enqueue_indirect_dma source(%dma_start3A_93 : memref<128x128xf32, #tpu.memory_space<vmem>>) target(%dma_start3A_99 : memref<10000x128xf32, #tpu.memory_space<vmem_shared>>) offsets(%dma_start3A_96 : memref<128xi32, #tpu.memory_space<vmem>>) semaphore(%dma_start3A_101 : memref<!tpu.dma_semaphore, #tpu.memory_space<semaphore_mem>>) {add = true}
    %dma_wait3A_102 = arith.constant 0 : i32
    %dma_wait3A_103 = arith.constant 38 : i32
    %dma_wait3A_104 = arith.constant 0 : i32
    %dma_wait3A_105 = arith.constant 0 : i32
    %dma_wait3A_106 = arith.constant 0 : i32
    %dma_wait3A_107 = tpu.memref_slice %arg10[%dma_wait3A_102, %dma_wait3A_105, %dma_wait3A_106] : memref<2x128x128xf32, #tpu.memory_space<vmem>> -> memref<1x128x128xf32, #tpu.memory_space<vmem>>
    %dma_wait3A_108 = tpu.memref_squeeze %dma_wait3A_107 : memref<1x128x128xf32, #tpu.memory_space<vmem>> -> memref<128x128xf32, #tpu.memory_space<vmem>>
    %dma_wait3A_109 = arith.constant 0 : i32
    %dma_wait3A_110 = tpu.memref_slice %arg9[%dma_wait3A_103, %dma_wait3A_109] : memref<40x128xi32, #tpu.memory_space<vmem>> -> memref<1x128xi32, #tpu.memory_space<vmem>>
    %dma_wait3A_111 = tpu.memref_squeeze %dma_wait3A_110 : memref<1x128xi32, #tpu.memory_space<vmem>> -> memref<128xi32, #tpu.memory_space<vmem>>
    %dma_wait3A_112 = arith.constant 0 : i32
    %dma_wait3A_113 = arith.constant 0 : i32
    %dma_wait3A_114 = tpu.memref_slice %arg7[%dma_wait3A_112, %dma_wait3A_113] : memref<10000x128xf32, #tpu.memory_space<vmem_shared>> -> memref<10000x128xf32, #tpu.memory_space<vmem_shared>>
    %dma_wait3A_115 = tpu.memref_slice %arg12[%dma_wait3A_104] : memref<2x!tpu.dma_semaphore, #tpu.memory_space<semaphore_mem>> -> memref<1x!tpu.dma_semaphore, #tpu.memory_space<semaphore_mem>>
    %dma_wait3A_116 = tpu.memref_squeeze %dma_wait3A_115 : memref<1x!tpu.dma_semaphore, #tpu.memory_space<semaphore_mem>> -> memref<!tpu.dma_semaphore, #tpu.memory_space<semaphore_mem>>
    tpu.wait_indirect_dma semaphore(%dma_wait3A_116 : memref<!tpu.dma_semaphore, #tpu.memory_space<semaphore_mem>>) src(%dma_wait3A_108 : memref<128x128xf32, #tpu.memory_space<vmem>>) dst(%dma_wait3A_114 : memref<10000x128xf32, #tpu.memory_space<vmem_shared>>)
    %dma_wait3A_117 = arith.constant 1 : i32
    %dma_wait3A_118 = arith.constant 39 : i32
    %dma_wait3A_119 = arith.constant 1 : i32
    %dma_wait3A_120 = arith.constant 0 : i32
    %dma_wait3A_121 = arith.constant 0 : i32
    %dma_wait3A_122 = tpu.memref_slice %arg10[%dma_wait3A_117, %dma_wait3A_120, %dma_wait3A_121] : memref<2x128x128xf32, #tpu.memory_space<vmem>> -> memref<1x128x128xf32, #tpu.memory_space<vmem>>
    %dma_wait3A_123 = tpu.memref_squeeze %dma_wait3A_122 : memref<1x128x128xf32, #tpu.memory_space<vmem>> -> memref<128x128xf32, #tpu.memory_space<vmem>>
    %dma_wait3A_124 = arith.constant 0 : i32
    %dma_wait3A_125 = tpu.memref_slice %arg9[%dma_wait3A_118, %dma_wait3A_124] : memref<40x128xi32, #tpu.memory_space<vmem>> -> memref<1x128xi32, #tpu.memory_space<vmem>>
    %dma_wait3A_126 = tpu.memref_squeeze %dma_wait3A_125 : memref<1x128xi32, #tpu.memory_space<vmem>> -> memref<128xi32, #tpu.memory_space<vmem>>
    %dma_wait3A_127 = arith.constant 0 : i32
    %dma_wait3A_128 = arith.constant 0 : i32
    %dma_wait3A_129 = tpu.memref_slice %arg7[%dma_wait3A_127, %dma_wait3A_128] : memref<10000x128xf32, #tpu.memory_space<vmem_shared>> -> memref<10000x128xf32, #tpu.memory_space<vmem_shared>>
    %dma_wait3A_130 = tpu.memref_slice %arg12[%dma_wait3A_119] : memref<2x!tpu.dma_semaphore, #tpu.memory_space<semaphore_mem>> -> memref<1x!tpu.dma_semaphore, #tpu.memory_space<semaphore_mem>>
    %dma_wait3A_131 = tpu.memref_squeeze %dma_wait3A_130 : memref<1x!tpu.dma_semaphore, #tpu.memory_space<semaphore_mem>> -> memref<!tpu.dma_semaphore, #tpu.memory_space<semaphore_mem>>
    tpu.wait_indirect_dma semaphore(%dma_wait3A_131 : memref<!tpu.dma_semaphore, #tpu.memory_space<semaphore_mem>>) src(%dma_wait3A_123 : memref<128x128xf32, #tpu.memory_space<vmem>>) dst(%dma_wait3A_129 : memref<10000x128xf32, #tpu.memory_space<vmem_shared>>)
    %add3A_132 = arith.constant 40 : i32
    %add3A_133 = arith.addi %mul3A_2, %add3A_132 : i32
    "tpu.region"() ({
      %run_scoped3A = tpu.sem_alloc : memref<!tpu.dma_semaphore, #tpu.memory_space<semaphore_mem>>
      %dma_start3A_273 = arith.constant 0 : i32
      %dma_start3A_274 = tpu.memref_slice %arg2[%add3A_133, %dma_start3A_273] : memref<2560x128xi32, #tpu.memory_space<hbm>> -> memref<40x128xi32, #tpu.memory_space<hbm>>
      %dma_start3A_275 = arith.constant 0 : i32
      %dma_start3A_276 = tpu.memref_slice %arg2[%add3A_133, %dma_start3A_275] : memref<2560x128xi32, #tpu.memory_space<hbm>> -> memref<40x128xi32, #tpu.memory_space<hbm>>
      tpu.enqueue_dma source(%dma_start3A_276 : memref<40x128xi32, #tpu.memory_space<hbm>>) target(%arg8 : memref<40x128xi32, #tpu.memory_space<vmem>>) target_semaphore(%run_scoped3A : memref<!tpu.dma_semaphore, #tpu.memory_space<semaphore_mem>>)
      %dma_wait3A_277 = arith.constant 0 : i32
      %dma_wait3A_278 = tpu.memref_slice %arg2[%add3A_133, %dma_wait3A_277] : memref<2560x128xi32, #tpu.memory_space<hbm>> -> memref<40x128xi32, #tpu.memory_space<hbm>>
      %dma_wait3A_279 = arith.constant 0 : i32
      %dma_wait3A_280 = tpu.memref_slice %arg2[%add3A_133, %dma_wait3A_279] : memref<2560x128xi32, #tpu.memory_space<hbm>> -> memref<40x128xi32, #tpu.memory_space<hbm>>
      tpu.wait_dma2 semaphore(%run_scoped3A : memref<!tpu.dma_semaphore, #tpu.memory_space<semaphore_mem>>) src(%dma_wait3A_280 : memref<40x128xi32, #tpu.memory_space<hbm>>) dst(%arg8 : memref<40x128xi32, #tpu.memory_space<vmem>>)
      tpu.yield
    }) : () -> ()
    %add3A_134 = arith.constant 40 : i32
    %add3A_135 = arith.addi %mul3A_2, %add3A_134 : i32
    "tpu.region"() ({
      %run_scoped3A = tpu.sem_alloc : memref<!tpu.dma_semaphore, #tpu.memory_space<semaphore_mem>>
      %dma_start3A_273 = arith.constant 0 : i32
      %dma_start3A_274 = tpu.memref_slice %arg3[%add3A_135, %dma_start3A_273] : memref<2560x128xi32, #tpu.memory_space<hbm>> -> memref<40x128xi32, #tpu.memory_space<hbm>>
      %dma_start3A_275 = arith.constant 0 : i32
      %dma_start3A_276 = tpu.memref_slice %arg3[%add3A_135, %dma_start3A_275] : memref<2560x128xi32, #tpu.memory_space<hbm>> -> memref<40x128xi32, #tpu.memory_space<hbm>>
      tpu.enqueue_dma source(%dma_start3A_276 : memref<40x128xi32, #tpu.memory_space<hbm>>) target(%arg9 : memref<40x128xi32, #tpu.memory_space<vmem>>) target_semaphore(%run_scoped3A : memref<!tpu.dma_semaphore, #tpu.memory_space<semaphore_mem>>)
      %dma_wait3A_277 = arith.constant 0 : i32
      %dma_wait3A_278 = tpu.memref_slice %arg3[%add3A_135, %dma_wait3A_277] : memref<2560x128xi32, #tpu.memory_space<hbm>> -> memref<40x128xi32, #tpu.memory_space<hbm>>
      %dma_wait3A_279 = arith.constant 0 : i32
      %dma_wait3A_280 = tpu.memref_slice %arg3[%add3A_135, %dma_wait3A_279] : memref<2560x128xi32, #tpu.memory_space<hbm>> -> memref<40x128xi32, #tpu.memory_space<hbm>>
      tpu.wait_dma2 semaphore(%run_scoped3A : memref<!tpu.dma_semaphore, #tpu.memory_space<semaphore_mem>>) src(%dma_wait3A_280 : memref<40x128xi32, #tpu.memory_space<hbm>>) dst(%arg9 : memref<40x128xi32, #tpu.memory_space<vmem>>)
      tpu.yield
    }) : () -> ()
    %dma_start3A_136 = arith.constant 0 : i32
    %dma_start3A_137 = arith.constant 0 : i32
    %dma_start3A_138 = arith.constant 0 : i32
    %dma_start3A_139 = arith.constant 0 : i32
    %dma_start3A_140 = arith.constant 0 : i32
    %dma_start3A_141 = tpu.memref_slice %arg10[%dma_start3A_137, %dma_start3A_139, %dma_start3A_140] : memref<2x128x128xf32, #tpu.memory_space<vmem>> -> memref<1x128x128xf32, #tpu.memory_space<vmem>>
    %dma_start3A_142 = tpu.memref_squeeze %dma_start3A_141 : memref<1x128x128xf32, #tpu.memory_space<vmem>> -> memref<128x128xf32, #tpu.memory_space<vmem>>
    %dma_start3A_143 = arith.constant 0 : i32
    %dma_start3A_144 = tpu.memref_slice %arg8[%dma_start3A_136, %dma_start3A_143] : memref<40x128xi32, #tpu.memory_space<vmem>> -> memref<1x128xi32, #tpu.memory_space<vmem>>
    %dma_start3A_145 = tpu.memref_squeeze %dma_start3A_144 : memref<1x128xi32, #tpu.memory_space<vmem>> -> memref<128xi32, #tpu.memory_space<vmem>>
    %dma_start3A_146 = arith.constant 0 : i32
    %dma_start3A_147 = arith.constant 0 : i32
    %dma_start3A_148 = tpu.memref_slice %arg4[%dma_start3A_146, %dma_start3A_147] : memref<10000x128xf32, #tpu.memory_space<hbm>> -> memref<10000x128xf32, #tpu.memory_space<hbm>>
    %dma_start3A_149 = tpu.memref_slice %arg11[%dma_start3A_138] : memref<2x!tpu.dma_semaphore, #tpu.memory_space<semaphore_mem>> -> memref<1x!tpu.dma_semaphore, #tpu.memory_space<semaphore_mem>>
    %dma_start3A_150 = tpu.memref_squeeze %dma_start3A_149 : memref<1x!tpu.dma_semaphore, #tpu.memory_space<semaphore_mem>> -> memref<!tpu.dma_semaphore, #tpu.memory_space<semaphore_mem>>
    tpu.enqueue_indirect_dma source(%dma_start3A_148 : memref<10000x128xf32, #tpu.memory_space<hbm>>) target(%dma_start3A_142 : memref<128x128xf32, #tpu.memory_space<vmem>>) offsets(%dma_start3A_145 : memref<128xi32, #tpu.memory_space<vmem>>) semaphore(%dma_start3A_150 : memref<!tpu.dma_semaphore, #tpu.memory_space<semaphore_mem>>)
    %dma_wait3A_151 = arith.constant 0 : i32
    %dma_wait3A_152 = arith.constant 0 : i32
    %dma_wait3A_153 = arith.constant 0 : i32
    %dma_wait3A_154 = arith.constant 0 : i32
    %dma_wait3A_155 = arith.constant 0 : i32
    %dma_wait3A_156 = tpu.memref_slice %arg10[%dma_wait3A_152, %dma_wait3A_154, %dma_wait3A_155] : memref<2x128x128xf32, #tpu.memory_space<vmem>> -> memref<1x128x128xf32, #tpu.memory_space<vmem>>
    %dma_wait3A_157 = tpu.memref_squeeze %dma_wait3A_156 : memref<1x128x128xf32, #tpu.memory_space<vmem>> -> memref<128x128xf32, #tpu.memory_space<vmem>>
    %dma_wait3A_158 = arith.constant 0 : i32
    %dma_wait3A_159 = tpu.memref_slice %arg8[%dma_wait3A_151, %dma_wait3A_158] : memref<40x128xi32, #tpu.memory_space<vmem>> -> memref<1x128xi32, #tpu.memory_space<vmem>>
    %dma_wait3A_160 = tpu.memref_squeeze %dma_wait3A_159 : memref<1x128xi32, #tpu.memory_space<vmem>> -> memref<128xi32, #tpu.memory_space<vmem>>
    %dma_wait3A_161 = arith.constant 0 : i32
    %dma_wait3A_162 = arith.constant 0 : i32
    %dma_wait3A_163 = tpu.memref_slice %arg4[%dma_wait3A_161, %dma_wait3A_162] : memref<10000x128xf32, #tpu.memory_space<hbm>> -> memref<10000x128xf32, #tpu.memory_space<hbm>>
    %dma_wait3A_164 = tpu.memref_slice %arg11[%dma_wait3A_153] : memref<2x!tpu.dma_semaphore, #tpu.memory_space<semaphore_mem>> -> memref<1x!tpu.dma_semaphore, #tpu.memory_space<semaphore_mem>>
    %dma_wait3A_165 = tpu.memref_squeeze %dma_wait3A_164 : memref<1x!tpu.dma_semaphore, #tpu.memory_space<semaphore_mem>> -> memref<!tpu.dma_semaphore, #tpu.memory_space<semaphore_mem>>
    tpu.wait_indirect_dma semaphore(%dma_wait3A_165 : memref<!tpu.dma_semaphore, #tpu.memory_space<semaphore_mem>>) src(%dma_wait3A_163 : memref<10000x128xf32, #tpu.memory_space<hbm>>) dst(%dma_wait3A_157 : memref<128x128xf32, #tpu.memory_space<vmem>>)
    %dma_start3A_166 = arith.constant 0 : i32
    %dma_start3A_167 = arith.constant 0 : i32
    %dma_start3A_168 = arith.constant 0 : i32
    %dma_start3A_169 = arith.constant 0 : i32
    %dma_start3A_170 = arith.constant 0 : i32
    %dma_start3A_171 = tpu.memref_slice %arg10[%dma_start3A_166, %dma_start3A_169, %dma_start3A_170] : memref<2x128x128xf32, #tpu.memory_space<vmem>> -> memref<1x128x128xf32, #tpu.memory_space<vmem>>
    %dma_start3A_172 = tpu.memref_squeeze %dma_start3A_171 : memref<1x128x128xf32, #tpu.memory_space<vmem>> -> memref<128x128xf32, #tpu.memory_space<vmem>>
    %dma_start3A_173 = arith.constant 0 : i32
    %dma_start3A_174 = tpu.memref_slice %arg9[%dma_start3A_167, %dma_start3A_173] : memref<40x128xi32, #tpu.memory_space<vmem>> -> memref<1x128xi32, #tpu.memory_space<vmem>>
    %dma_start3A_175 = tpu.memref_squeeze %dma_start3A_174 : memref<1x128xi32, #tpu.memory_space<vmem>> -> memref<128xi32, #tpu.memory_space<vmem>>
    %dma_start3A_176 = arith.constant 0 : i32
    %dma_start3A_177 = arith.constant 0 : i32
    %dma_start3A_178 = tpu.memref_slice %arg7[%dma_start3A_176, %dma_start3A_177] : memref<10000x128xf32, #tpu.memory_space<vmem_shared>> -> memref<10000x128xf32, #tpu.memory_space<vmem_shared>>
    %dma_start3A_179 = tpu.memref_slice %arg12[%dma_start3A_168] : memref<2x!tpu.dma_semaphore, #tpu.memory_space<semaphore_mem>> -> memref<1x!tpu.dma_semaphore, #tpu.memory_space<semaphore_mem>>
    %dma_start3A_180 = tpu.memref_squeeze %dma_start3A_179 : memref<1x!tpu.dma_semaphore, #tpu.memory_space<semaphore_mem>> -> memref<!tpu.dma_semaphore, #tpu.memory_space<semaphore_mem>>
    tpu.enqueue_indirect_dma source(%dma_start3A_172 : memref<128x128xf32, #tpu.memory_space<vmem>>) target(%dma_start3A_178 : memref<10000x128xf32, #tpu.memory_space<vmem_shared>>) offsets(%dma_start3A_175 : memref<128xi32, #tpu.memory_space<vmem>>) semaphore(%dma_start3A_180 : memref<!tpu.dma_semaphore, #tpu.memory_space<semaphore_mem>>) {add = true}
    %dma_start3A_181 = arith.constant 1 : i32
    %dma_start3A_182 = arith.constant 1 : i32
    %dma_start3A_183 = arith.constant 1 : i32
    %dma_start3A_184 = arith.constant 0 : i32
    %dma_start3A_185 = arith.constant 0 : i32
    %dma_start3A_186 = tpu.memref_slice %arg10[%dma_start3A_182, %dma_start3A_184, %dma_start3A_185] : memref<2x128x128xf32, #tpu.memory_space<vmem>> -> memref<1x128x128xf32, #tpu.memory_space<vmem>>
    %dma_start3A_187 = tpu.memref_squeeze %dma_start3A_186 : memref<1x128x128xf32, #tpu.memory_space<vmem>> -> memref<128x128xf32, #tpu.memory_space<vmem>>
    %dma_start3A_188 = arith.constant 0 : i32
    %dma_start3A_189 = tpu.memref_slice %arg8[%dma_start3A_181, %dma_start3A_188] : memref<40x128xi32, #tpu.memory_space<vmem>> -> memref<1x128xi32, #tpu.memory_space<vmem>>
    %dma_start3A_190 = tpu.memref_squeeze %dma_start3A_189 : memref<1x128xi32, #tpu.memory_space<vmem>> -> memref<128xi32, #tpu.memory_space<vmem>>
    %dma_start3A_191 = arith.constant 0 : i32
    %dma_start3A_192 = arith.constant 0 : i32
    %dma_start3A_193 = tpu.memref_slice %arg4[%dma_start3A_191, %dma_start3A_192] : memref<10000x128xf32, #tpu.memory_space<hbm>> -> memref<10000x128xf32, #tpu.memory_space<hbm>>
    %dma_start3A_194 = tpu.memref_slice %arg11[%dma_start3A_183] : memref<2x!tpu.dma_semaphore, #tpu.memory_space<semaphore_mem>> -> memref<1x!tpu.dma_semaphore, #tpu.memory_space<semaphore_mem>>
    %dma_start3A_195 = tpu.memref_squeeze %dma_start3A_194 : memref<1x!tpu.dma_semaphore, #tpu.memory_space<semaphore_mem>> -> memref<!tpu.dma_semaphore, #tpu.memory_space<semaphore_mem>>
    tpu.enqueue_indirect_dma source(%dma_start3A_193 : memref<10000x128xf32, #tpu.memory_space<hbm>>) target(%dma_start3A_187 : memref<128x128xf32, #tpu.memory_space<vmem>>) offsets(%dma_start3A_190 : memref<128xi32, #tpu.memory_space<vmem>>) semaphore(%dma_start3A_195 : memref<!tpu.dma_semaphore, #tpu.memory_space<semaphore_mem>>)
    %scan3A_196 = arith.constant 0 : i32
    %scan3A_197 = arith.constant 0 : i32
    %scan3A_198 = arith.constant 18 : i32
    %scan3A_199 = arith.addi %scan3A_197, %scan3A_198 : i32
    %scan3A_200 = arith.constant 1 : i32
    scf.for %scan3A_273 = %scan3A_197 to %scan3A_199 step %scan3A_200  : i32 {
      %mul3A_274 = arith.constant 2 : i32
      %mul3A_275 = arith.muli %mul3A_274, %scan3A_273 : i32
      %add3A_276 = arith.constant 1 : i32
      %add3A_277 = arith.addi %mul3A_275, %add3A_276 : i32
      %dma_wait3A_278 = arith.constant 1 : i32
      %dma_wait3A_279 = arith.constant 1 : i32
      %dma_wait3A_280 = arith.constant 0 : i32
      %dma_wait3A_281 = arith.constant 0 : i32
      %dma_wait3A_282 = tpu.memref_slice %arg10[%dma_wait3A_278, %dma_wait3A_280, %dma_wait3A_281] : memref<2x128x128xf32, #tpu.memory_space<vmem>> -> memref<1x128x128xf32, #tpu.memory_space<vmem>>
      %dma_wait3A_283 = tpu.memref_squeeze %dma_wait3A_282 : memref<1x128x128xf32, #tpu.memory_space<vmem>> -> memref<128x128xf32, #tpu.memory_space<vmem>>
      %dma_wait3A_284 = arith.constant 0 : i32
      %dma_wait3A_285 = tpu.memref_slice %arg8[%add3A_277, %dma_wait3A_284] : memref<40x128xi32, #tpu.memory_space<vmem>> -> memref<1x128xi32, #tpu.memory_space<vmem>>
      %dma_wait3A_286 = tpu.memref_squeeze %dma_wait3A_285 : memref<1x128xi32, #tpu.memory_space<vmem>> -> memref<128xi32, #tpu.memory_space<vmem>>
      %dma_wait3A_287 = arith.constant 0 : i32
      %dma_wait3A_288 = arith.constant 0 : i32
      %dma_wait3A_289 = tpu.memref_slice %arg4[%dma_wait3A_287, %dma_wait3A_288] : memref<10000x128xf32, #tpu.memory_space<hbm>> -> memref<10000x128xf32, #tpu.memory_space<hbm>>
      %dma_wait3A_290 = tpu.memref_slice %arg11[%dma_wait3A_279] : memref<2x!tpu.dma_semaphore, #tpu.memory_space<semaphore_mem>> -> memref<1x!tpu.dma_semaphore, #tpu.memory_space<semaphore_mem>>
      %dma_wait3A_291 = tpu.memref_squeeze %dma_wait3A_290 : memref<1x!tpu.dma_semaphore, #tpu.memory_space<semaphore_mem>> -> memref<!tpu.dma_semaphore, #tpu.memory_space<semaphore_mem>>
      tpu.wait_indirect_dma semaphore(%dma_wait3A_291 : memref<!tpu.dma_semaphore, #tpu.memory_space<semaphore_mem>>) src(%dma_wait3A_289 : memref<10000x128xf32, #tpu.memory_space<hbm>>) dst(%dma_wait3A_283 : memref<128x128xf32, #tpu.memory_space<vmem>>)
      %dma_start3A_292 = arith.constant 1 : i32
      %dma_start3A_293 = arith.constant 1 : i32
      %dma_start3A_294 = arith.constant 0 : i32
      %dma_start3A_295 = arith.constant 0 : i32
      %dma_start3A_296 = tpu.memref_slice %arg10[%dma_start3A_292, %dma_start3A_294, %dma_start3A_295] : memref<2x128x128xf32, #tpu.memory_space<vmem>> -> memref<1x128x128xf32, #tpu.memory_space<vmem>>
      %dma_start3A_297 = tpu.memref_squeeze %dma_start3A_296 : memref<1x128x128xf32, #tpu.memory_space<vmem>> -> memref<128x128xf32, #tpu.memory_space<vmem>>
      %dma_start3A_298 = arith.constant 0 : i32
      %dma_start3A_299 = tpu.memref_slice %arg9[%add3A_277, %dma_start3A_298] : memref<40x128xi32, #tpu.memory_space<vmem>> -> memref<1x128xi32, #tpu.memory_space<vmem>>
      %dma_start3A_300 = tpu.memref_squeeze %dma_start3A_299 : memref<1x128xi32, #tpu.memory_space<vmem>> -> memref<128xi32, #tpu.memory_space<vmem>>
      %dma_start3A_301 = arith.constant 0 : i32
      %dma_start3A_302 = arith.constant 0 : i32
      %dma_start3A_303 = tpu.memref_slice %arg7[%dma_start3A_301, %dma_start3A_302] : memref<10000x128xf32, #tpu.memory_space<vmem_shared>> -> memref<10000x128xf32, #tpu.memory_space<vmem_shared>>
      %dma_start3A_304 = tpu.memref_slice %arg12[%dma_start3A_293] : memref<2x!tpu.dma_semaphore, #tpu.memory_space<semaphore_mem>> -> memref<1x!tpu.dma_semaphore, #tpu.memory_space<semaphore_mem>>
      %dma_start3A_305 = tpu.memref_squeeze %dma_start3A_304 : memref<1x!tpu.dma_semaphore, #tpu.memory_space<semaphore_mem>> -> memref<!tpu.dma_semaphore, #tpu.memory_space<semaphore_mem>>
      tpu.enqueue_indirect_dma source(%dma_start3A_297 : memref<128x128xf32, #tpu.memory_space<vmem>>) target(%dma_start3A_303 : memref<10000x128xf32, #tpu.memory_space<vmem_shared>>) offsets(%dma_start3A_300 : memref<128xi32, #tpu.memory_space<vmem>>) semaphore(%dma_start3A_305 : memref<!tpu.dma_semaphore, #tpu.memory_space<semaphore_mem>>) {add = true}
      %sub3A = arith.constant 1 : i32
      %sub3A_306 = arith.subi %add3A_277, %sub3A : i32
      %dma_wait3A_307 = arith.constant 0 : i32
      %dma_wait3A_308 = arith.constant 0 : i32
      %dma_wait3A_309 = arith.constant 0 : i32
      %dma_wait3A_310 = arith.constant 0 : i32
      %dma_wait3A_311 = tpu.memref_slice %arg10[%dma_wait3A_307, %dma_wait3A_309, %dma_wait3A_310] : memref<2x128x128xf32, #tpu.memory_space<vmem>> -> memref<1x128x128xf32, #tpu.memory_space<vmem>>
      %dma_wait3A_312 = tpu.memref_squeeze %dma_wait3A_311 : memref<1x128x128xf32, #tpu.memory_space<vmem>> -> memref<128x128xf32, #tpu.memory_space<vmem>>
      %dma_wait3A_313 = arith.constant 0 : i32
      %dma_wait3A_314 = tpu.memref_slice %arg9[%sub3A_306, %dma_wait3A_313] : memref<40x128xi32, #tpu.memory_space<vmem>> -> memref<1x128xi32, #tpu.memory_space<vmem>>
      %dma_wait3A_315 = tpu.memref_squeeze %dma_wait3A_314 : memref<1x128xi32, #tpu.memory_space<vmem>> -> memref<128xi32, #tpu.memory_space<vmem>>
      %dma_wait3A_316 = arith.constant 0 : i32
      %dma_wait3A_317 = arith.constant 0 : i32
      %dma_wait3A_318 = tpu.memref_slice %arg7[%dma_wait3A_316, %dma_wait3A_317] : memref<10000x128xf32, #tpu.memory_space<vmem_shared>> -> memref<10000x128xf32, #tpu.memory_space<vmem_shared>>
      %dma_wait3A_319 = tpu.memref_slice %arg12[%dma_wait3A_308] : memref<2x!tpu.dma_semaphore, #tpu.memory_space<semaphore_mem>> -> memref<1x!tpu.dma_semaphore, #tpu.memory_space<semaphore_mem>>
      %dma_wait3A_320 = tpu.memref_squeeze %dma_wait3A_319 : memref<1x!tpu.dma_semaphore, #tpu.memory_space<semaphore_mem>> -> memref<!tpu.dma_semaphore, #tpu.memory_space<semaphore_mem>>
      tpu.wait_indirect_dma semaphore(%dma_wait3A_320 : memref<!tpu.dma_semaphore, #tpu.memory_space<semaphore_mem>>) src(%dma_wait3A_312 : memref<128x128xf32, #tpu.memory_space<vmem>>) dst(%dma_wait3A_318 : memref<10000x128xf32, #tpu.memory_space<vmem_shared>>)
      %add3A_321 = arith.constant 1 : i32
      %add3A_322 = arith.addi %add3A_277, %add3A_321 : i32
      %dma_start3A_323 = arith.constant 0 : i32
      %dma_start3A_324 = arith.constant 0 : i32
      %dma_start3A_325 = arith.constant 0 : i32
      %dma_start3A_326 = arith.constant 0 : i32
      %dma_start3A_327 = tpu.memref_slice %arg10[%dma_start3A_323, %dma_start3A_325, %dma_start3A_326] : memref<2x128x128xf32, #tpu.memory_space<vmem>> -> memref<1x128x128xf32, #tpu.memory_space<vmem>>
      %dma_start3A_328 = tpu.memref_squeeze %dma_start3A_327 : memref<1x128x128xf32, #tpu.memory_space<vmem>> -> memref<128x128xf32, #tpu.memory_space<vmem>>
      %dma_start3A_329 = arith.constant 0 : i32
      %dma_start3A_330 = tpu.memref_slice %arg8[%add3A_322, %dma_start3A_329] : memref<40x128xi32, #tpu.memory_space<vmem>> -> memref<1x128xi32, #tpu.memory_space<vmem>>
      %dma_start3A_331 = tpu.memref_squeeze %dma_start3A_330 : memref<1x128xi32, #tpu.memory_space<vmem>> -> memref<128xi32, #tpu.memory_space<vmem>>
      %dma_start3A_332 = arith.constant 0 : i32
      %dma_start3A_333 = arith.constant 0 : i32
      %dma_start3A_334 = tpu.memref_slice %arg4[%dma_start3A_332, %dma_start3A_333] : memref<10000x128xf32, #tpu.memory_space<hbm>> -> memref<10000x128xf32, #tpu.memory_space<hbm>>
      %dma_start3A_335 = tpu.memref_slice %arg11[%dma_start3A_324] : memref<2x!tpu.dma_semaphore, #tpu.memory_space<semaphore_mem>> -> memref<1x!tpu.dma_semaphore, #tpu.memory_space<semaphore_mem>>
      %dma_start3A_336 = tpu.memref_squeeze %dma_start3A_335 : memref<1x!tpu.dma_semaphore, #tpu.memory_space<semaphore_mem>> -> memref<!tpu.dma_semaphore, #tpu.memory_space<semaphore_mem>>
      tpu.enqueue_indirect_dma source(%dma_start3A_334 : memref<10000x128xf32, #tpu.memory_space<hbm>>) target(%dma_start3A_328 : memref<128x128xf32, #tpu.memory_space<vmem>>) offsets(%dma_start3A_331 : memref<128xi32, #tpu.memory_space<vmem>>) semaphore(%dma_start3A_336 : memref<!tpu.dma_semaphore, #tpu.memory_space<semaphore_mem>>)
      %add3A_337 = arith.constant 1 : i32
      %add3A_338 = arith.addi %add3A_277, %add3A_337 : i32
      %dma_wait3A_339 = arith.constant 0 : i32
      %dma_wait3A_340 = arith.constant 0 : i32
      %dma_wait3A_341 = arith.constant 0 : i32
      %dma_wait3A_342 = arith.constant 0 : i32
      %dma_wait3A_343 = tpu.memref_slice %arg10[%dma_wait3A_339, %dma_wait3A_341, %dma_wait3A_342] : memref<2x128x128xf32, #tpu.memory_space<vmem>> -> memref<1x128x128xf32, #tpu.memory_space<vmem>>
      %dma_wait3A_344 = tpu.memref_squeeze %dma_wait3A_343 : memref<1x128x128xf32, #tpu.memory_space<vmem>> -> memref<128x128xf32, #tpu.memory_space<vmem>>
      %dma_wait3A_345 = arith.constant 0 : i32
      %dma_wait3A_346 = tpu.memref_slice %arg8[%add3A_338, %dma_wait3A_345] : memref<40x128xi32, #tpu.memory_space<vmem>> -> memref<1x128xi32, #tpu.memory_space<vmem>>
      %dma_wait3A_347 = tpu.memref_squeeze %dma_wait3A_346 : memref<1x128xi32, #tpu.memory_space<vmem>> -> memref<128xi32, #tpu.memory_space<vmem>>
      %dma_wait3A_348 = arith.constant 0 : i32
      %dma_wait3A_349 = arith.constant 0 : i32
      %dma_wait3A_350 = tpu.memref_slice %arg4[%dma_wait3A_348, %dma_wait3A_349] : memref<10000x128xf32, #tpu.memory_space<hbm>> -> memref<10000x128xf32, #tpu.memory_space<hbm>>
      %dma_wait3A_351 = tpu.memref_slice %arg11[%dma_wait3A_340] : memref<2x!tpu.dma_semaphore, #tpu.memory_space<semaphore_mem>> -> memref<1x!tpu.dma_semaphore, #tpu.memory_space<semaphore_mem>>
      %dma_wait3A_352 = tpu.memref_squeeze %dma_wait3A_351 : memref<1x!tpu.dma_semaphore, #tpu.memory_space<semaphore_mem>> -> memref<!tpu.dma_semaphore, #tpu.memory_space<semaphore_mem>>
      tpu.wait_indirect_dma semaphore(%dma_wait3A_352 : memref<!tpu.dma_semaphore, #tpu.memory_space<semaphore_mem>>) src(%dma_wait3A_350 : memref<10000x128xf32, #tpu.memory_space<hbm>>) dst(%dma_wait3A_344 : memref<128x128xf32, #tpu.memory_space<vmem>>)
      %add3A_353 = arith.constant 1 : i32
      %add3A_354 = arith.addi %add3A_277, %add3A_353 : i32
      %dma_start3A_355 = arith.constant 0 : i32
      %dma_start3A_356 = arith.constant 0 : i32
      %dma_start3A_357 = arith.constant 0 : i32
      %dma_start3A_358 = arith.constant 0 : i32
      %dma_start3A_359 = tpu.memref_slice %arg10[%dma_start3A_355, %dma_start3A_357, %dma_start3A_358] : memref<2x128x128xf32, #tpu.memory_space<vmem>> -> memref<1x128x128xf32, #tpu.memory_space<vmem>>
      %dma_start3A_360 = tpu.memref_squeeze %dma_start3A_359 : memref<1x128x128xf32, #tpu.memory_space<vmem>> -> memref<128x128xf32, #tpu.memory_space<vmem>>
      %dma_start3A_361 = arith.constant 0 : i32
      %dma_start3A_362 = tpu.memref_slice %arg9[%add3A_354, %dma_start3A_361] : memref<40x128xi32, #tpu.memory_space<vmem>> -> memref<1x128xi32, #tpu.memory_space<vmem>>
      %dma_start3A_363 = tpu.memref_squeeze %dma_start3A_362 : memref<1x128xi32, #tpu.memory_space<vmem>> -> memref<128xi32, #tpu.memory_space<vmem>>
      %dma_start3A_364 = arith.constant 0 : i32
      %dma_start3A_365 = arith.constant 0 : i32
      %dma_start3A_366 = tpu.memref_slice %arg7[%dma_start3A_364, %dma_start3A_365] : memref<10000x128xf32, #tpu.memory_space<vmem_shared>> -> memref<10000x128xf32, #tpu.memory_space<vmem_shared>>
      %dma_start3A_367 = tpu.memref_slice %arg12[%dma_start3A_356] : memref<2x!tpu.dma_semaphore, #tpu.memory_space<semaphore_mem>> -> memref<1x!tpu.dma_semaphore, #tpu.memory_space<semaphore_mem>>
      %dma_start3A_368 = tpu.memref_squeeze %dma_start3A_367 : memref<1x!tpu.dma_semaphore, #tpu.memory_space<semaphore_mem>> -> memref<!tpu.dma_semaphore, #tpu.memory_space<semaphore_mem>>
      tpu.enqueue_indirect_dma source(%dma_start3A_360 : memref<128x128xf32, #tpu.memory_space<vmem>>) target(%dma_start3A_366 : memref<10000x128xf32, #tpu.memory_space<vmem_shared>>) offsets(%dma_start3A_363 : memref<128xi32, #tpu.memory_space<vmem>>) semaphore(%dma_start3A_368 : memref<!tpu.dma_semaphore, #tpu.memory_space<semaphore_mem>>) {add = true}
      %dma_wait3A_369 = arith.constant 1 : i32
      %dma_wait3A_370 = arith.constant 1 : i32
      %dma_wait3A_371 = arith.constant 0 : i32
      %dma_wait3A_372 = arith.constant 0 : i32
      %dma_wait3A_373 = tpu.memref_slice %arg10[%dma_wait3A_369, %dma_wait3A_371, %dma_wait3A_372] : memref<2x128x128xf32, #tpu.memory_space<vmem>> -> memref<1x128x128xf32, #tpu.memory_space<vmem>>
      %dma_wait3A_374 = tpu.memref_squeeze %dma_wait3A_373 : memref<1x128x128xf32, #tpu.memory_space<vmem>> -> memref<128x128xf32, #tpu.memory_space<vmem>>
      %dma_wait3A_375 = arith.constant 0 : i32
      %dma_wait3A_376 = tpu.memref_slice %arg9[%add3A_277, %dma_wait3A_375] : memref<40x128xi32, #tpu.memory_space<vmem>> -> memref<1x128xi32, #tpu.memory_space<vmem>>
      %dma_wait3A_377 = tpu.memref_squeeze %dma_wait3A_376 : memref<1x128xi32, #tpu.memory_space<vmem>> -> memref<128xi32, #tpu.memory_space<vmem>>
      %dma_wait3A_378 = arith.constant 0 : i32
      %dma_wait3A_379 = arith.constant 0 : i32
      %dma_wait3A_380 = tpu.memref_slice %arg7[%dma_wait3A_378, %dma_wait3A_379] : memref<10000x128xf32, #tpu.memory_space<vmem_shared>> -> memref<10000x128xf32, #tpu.memory_space<vmem_shared>>
      %dma_wait3A_381 = tpu.memref_slice %arg12[%dma_wait3A_370] : memref<2x!tpu.dma_semaphore, #tpu.memory_space<semaphore_mem>> -> memref<1x!tpu.dma_semaphore, #tpu.memory_space<semaphore_mem>>
      %dma_wait3A_382 = tpu.memref_squeeze %dma_wait3A_381 : memref<1x!tpu.dma_semaphore, #tpu.memory_space<semaphore_mem>> -> memref<!tpu.dma_semaphore, #tpu.memory_space<semaphore_mem>>
      tpu.wait_indirect_dma semaphore(%dma_wait3A_382 : memref<!tpu.dma_semaphore, #tpu.memory_space<semaphore_mem>>) src(%dma_wait3A_374 : memref<128x128xf32, #tpu.memory_space<vmem>>) dst(%dma_wait3A_380 : memref<10000x128xf32, #tpu.memory_space<vmem_shared>>)
      %add3A_383 = arith.constant 2 : i32
      %add3A_384 = arith.addi %add3A_277, %add3A_383 : i32
      %dma_start3A_385 = arith.constant 1 : i32
      %dma_start3A_386 = arith.constant 1 : i32
      %dma_start3A_387 = arith.constant 0 : i32
      %dma_start3A_388 = arith.constant 0 : i32
      %dma_start3A_389 = tpu.memref_slice %arg10[%dma_start3A_385, %dma_start3A_387, %dma_start3A_388] : memref<2x128x128xf32, #tpu.memory_space<vmem>> -> memref<1x128x128xf32, #tpu.memory_space<vmem>>
      %dma_start3A_390 = tpu.memref_squeeze %dma_start3A_389 : memref<1x128x128xf32, #tpu.memory_space<vmem>> -> memref<128x128xf32, #tpu.memory_space<vmem>>
      %dma_start3A_391 = arith.constant 0 : i32
      %dma_start3A_392 = tpu.memref_slice %arg8[%add3A_384, %dma_start3A_391] : memref<40x128xi32, #tpu.memory_space<vmem>> -> memref<1x128xi32, #tpu.memory_space<vmem>>
      %dma_start3A_393 = tpu.memref_squeeze %dma_start3A_392 : memref<1x128xi32, #tpu.memory_space<vmem>> -> memref<128xi32, #tpu.memory_space<vmem>>
      %dma_start3A_394 = arith.constant 0 : i32
      %dma_start3A_395 = arith.constant 0 : i32
      %dma_start3A_396 = tpu.memref_slice %arg4[%dma_start3A_394, %dma_start3A_395] : memref<10000x128xf32, #tpu.memory_space<hbm>> -> memref<10000x128xf32, #tpu.memory_space<hbm>>
      %dma_start3A_397 = tpu.memref_slice %arg11[%dma_start3A_386] : memref<2x!tpu.dma_semaphore, #tpu.memory_space<semaphore_mem>> -> memref<1x!tpu.dma_semaphore, #tpu.memory_space<semaphore_mem>>
      %dma_start3A_398 = tpu.memref_squeeze %dma_start3A_397 : memref<1x!tpu.dma_semaphore, #tpu.memory_space<semaphore_mem>> -> memref<!tpu.dma_semaphore, #tpu.memory_space<semaphore_mem>>
      tpu.enqueue_indirect_dma source(%dma_start3A_396 : memref<10000x128xf32, #tpu.memory_space<hbm>>) target(%dma_start3A_390 : memref<128x128xf32, #tpu.memory_space<vmem>>) offsets(%dma_start3A_393 : memref<128xi32, #tpu.memory_space<vmem>>) semaphore(%dma_start3A_398 : memref<!tpu.dma_semaphore, #tpu.memory_space<semaphore_mem>>)
    }
    %scan3A_201 = arith.constant 18 : i32
    %dma_wait3A_202 = arith.constant 37 : i32
    %dma_wait3A_203 = arith.constant 1 : i32
    %dma_wait3A_204 = arith.constant 1 : i32
    %dma_wait3A_205 = arith.constant 0 : i32
    %dma_wait3A_206 = arith.constant 0 : i32
    %dma_wait3A_207 = tpu.memref_slice %arg10[%dma_wait3A_203, %dma_wait3A_205, %dma_wait3A_206] : memref<2x128x128xf32, #tpu.memory_space<vmem>> -> memref<1x128x128xf32, #tpu.memory_space<vmem>>
    %dma_wait3A_208 = tpu.memref_squeeze %dma_wait3A_207 : memref<1x128x128xf32, #tpu.memory_space<vmem>> -> memref<128x128xf32, #tpu.memory_space<vmem>>
    %dma_wait3A_209 = arith.constant 0 : i32
    %dma_wait3A_210 = tpu.memref_slice %arg8[%dma_wait3A_202, %dma_wait3A_209] : memref<40x128xi32, #tpu.memory_space<vmem>> -> memref<1x128xi32, #tpu.memory_space<vmem>>
    %dma_wait3A_211 = tpu.memref_squeeze %dma_wait3A_210 : memref<1x128xi32, #tpu.memory_space<vmem>> -> memref<128xi32, #tpu.memory_space<vmem>>
    %dma_wait3A_212 = arith.constant 0 : i32
    %dma_wait3A_213 = arith.constant 0 : i32
    %dma_wait3A_214 = tpu.memref_slice %arg4[%dma_wait3A_212, %dma_wait3A_213] : memref<10000x128xf32, #tpu.memory_space<hbm>> -> memref<10000x128xf32, #tpu.memory_space<hbm>>
    %dma_wait3A_215 = tpu.memref_slice %arg11[%dma_wait3A_204] : memref<2x!tpu.dma_semaphore, #tpu.memory_space<semaphore_mem>> -> memref<1x!tpu.dma_semaphore, #tpu.memory_space<semaphore_mem>>
    %dma_wait3A_216 = tpu.memref_squeeze %dma_wait3A_215 : memref<1x!tpu.dma_semaphore, #tpu.memory_space<semaphore_mem>> -> memref<!tpu.dma_semaphore, #tpu.memory_space<semaphore_mem>>
    tpu.wait_indirect_dma semaphore(%dma_wait3A_216 : memref<!tpu.dma_semaphore, #tpu.memory_space<semaphore_mem>>) src(%dma_wait3A_214 : memref<10000x128xf32, #tpu.memory_space<hbm>>) dst(%dma_wait3A_208 : memref<128x128xf32, #tpu.memory_space<vmem>>)
    %dma_start3A_217 = arith.constant 1 : i32
    %dma_start3A_218 = arith.constant 37 : i32
    %dma_start3A_219 = arith.constant 1 : i32
    %dma_start3A_220 = arith.constant 0 : i32
    %dma_start3A_221 = arith.constant 0 : i32
    %dma_start3A_222 = tpu.memref_slice %arg10[%dma_start3A_217, %dma_start3A_220, %dma_start3A_221] : memref<2x128x128xf32, #tpu.memory_space<vmem>> -> memref<1x128x128xf32, #tpu.memory_space<vmem>>
    %dma_start3A_223 = tpu.memref_squeeze %dma_start3A_222 : memref<1x128x128xf32, #tpu.memory_space<vmem>> -> memref<128x128xf32, #tpu.memory_space<vmem>>
    %dma_start3A_224 = arith.constant 0 : i32
    %dma_start3A_225 = tpu.memref_slice %arg9[%dma_start3A_218, %dma_start3A_224] : memref<40x128xi32, #tpu.memory_space<vmem>> -> memref<1x128xi32, #tpu.memory_space<vmem>>
    %dma_start3A_226 = tpu.memref_squeeze %dma_start3A_225 : memref<1x128xi32, #tpu.memory_space<vmem>> -> memref<128xi32, #tpu.memory_space<vmem>>
    %dma_start3A_227 = arith.constant 0 : i32
    %dma_start3A_228 = arith.constant 0 : i32
    %dma_start3A_229 = tpu.memref_slice %arg7[%dma_start3A_227, %dma_start3A_228] : memref<10000x128xf32, #tpu.memory_space<vmem_shared>> -> memref<10000x128xf32, #tpu.memory_space<vmem_shared>>
    %dma_start3A_230 = tpu.memref_slice %arg12[%dma_start3A_219] : memref<2x!tpu.dma_semaphore, #tpu.memory_space<semaphore_mem>> -> memref<1x!tpu.dma_semaphore, #tpu.memory_space<semaphore_mem>>
    %dma_start3A_231 = tpu.memref_squeeze %dma_start3A_230 : memref<1x!tpu.dma_semaphore, #tpu.memory_space<semaphore_mem>> -> memref<!tpu.dma_semaphore, #tpu.memory_space<semaphore_mem>>
    tpu.enqueue_indirect_dma source(%dma_start3A_223 : memref<128x128xf32, #tpu.memory_space<vmem>>) target(%dma_start3A_229 : memref<10000x128xf32, #tpu.memory_space<vmem_shared>>) offsets(%dma_start3A_226 : memref<128xi32, #tpu.memory_space<vmem>>) semaphore(%dma_start3A_231 : memref<!tpu.dma_semaphore, #tpu.memory_space<semaphore_mem>>) {add = true}
    %dma_wait3A_232 = arith.constant 0 : i32
    %dma_wait3A_233 = arith.constant 36 : i32
    %dma_wait3A_234 = arith.constant 0 : i32
    %dma_wait3A_235 = arith.constant 0 : i32
    %dma_wait3A_236 = arith.constant 0 : i32
    %dma_wait3A_237 = tpu.memref_slice %arg10[%dma_wait3A_232, %dma_wait3A_235, %dma_wait3A_236] : memref<2x128x128xf32, #tpu.memory_space<vmem>> -> memref<1x128x128xf32, #tpu.memory_space<vmem>>
    %dma_wait3A_238 = tpu.memref_squeeze %dma_wait3A_237 : memref<1x128x128xf32, #tpu.memory_space<vmem>> -> memref<128x128xf32, #tpu.memory_space<vmem>>
    %dma_wait3A_239 = arith.constant 0 : i32
    %dma_wait3A_240 = tpu.memref_slice %arg9[%dma_wait3A_233, %dma_wait3A_239] : memref<40x128xi32, #tpu.memory_space<vmem>> -> memref<1x128xi32, #tpu.memory_space<vmem>>
    %dma_wait3A_241 = tpu.memref_squeeze %dma_wait3A_240 : memref<1x128xi32, #tpu.memory_space<vmem>> -> memref<128xi32, #tpu.memory_space<vmem>>
    %dma_wait3A_242 = arith.constant 0 : i32
    %dma_wait3A_243 = arith.constant 0 : i32
    %dma_wait3A_244 = tpu.memref_slice %arg7[%dma_wait3A_242, %dma_wait3A_243] : memref<10000x128xf32, #tpu.memory_space<vmem_shared>> -> memref<10000x128xf32, #tpu.memory_space<vmem_shared>>
    %dma_wait3A_245 = tpu.memref_slice %arg12[%dma_wait3A_234] : memref<2x!tpu.dma_semaphore, #tpu.memory_space<semaphore_mem>> -> memref<1x!tpu.dma_semaphore, #tpu.memory_space<semaphore_mem>>
    %dma_wait3A_246 = tpu.memref_squeeze %dma_wait3A_245 : memref<1x!tpu.dma_semaphore, #tpu.memory_space<semaphore_mem>> -> memref<!tpu.dma_semaphore, #tpu.memory_space<semaphore_mem>>
    tpu.wait_indirect_dma semaphore(%dma_wait3A_246 : memref<!tpu.dma_semaphore, #tpu.memory_space<semaphore_mem>>) src(%dma_wait3A_238 : memref<128x128xf32, #tpu.memory_space<vmem>>) dst(%dma_wait3A_244 : memref<10000x128xf32, #tpu.memory_space<vmem_shared>>)
    %dma_wait3A_247 = arith.constant 1 : i32
    %dma_wait3A_248 = arith.constant 37 : i32
    %dma_wait3A_249 = arith.constant 1 : i32
    %dma_wait3A_250 = arith.constant 0 : i32
    %dma_wait3A_251 = arith.constant 0 : i32
    %dma_wait3A_252 = tpu.memref_slice %arg10[%dma_wait3A_247, %dma_wait3A_250, %dma_wait3A_251] : memref<2x128x128xf32, #tpu.memory_space<vmem>> -> memref<1x128x128xf32, #tpu.memory_space<vmem>>
    %dma_wait3A_253 = tpu.memref_squeeze %dma_wait3A_252 : memref<1x128x128xf32, #tpu.memory_space<vmem>> -> memref<128x128xf32, #tpu.memory_space<vmem>>
    %dma_wait3A_254 = arith.constant 0 : i32
    %dma_wait3A_255 = tpu.memref_slice %arg9[%dma_wait3A_248, %dma_wait3A_254] : memref<40x128xi32, #tpu.memory_space<vmem>> -> memref<1x128xi32, #tpu.memory_space<vmem>>
    %dma_wait3A_256 = tpu.memref_squeeze %dma_wait3A_255 : memref<1x128xi32, #tpu.memory_space<vmem>> -> memref<128xi32, #tpu.memory_space<vmem>>
    %dma_wait3A_257 = arith.constant 0 : i32
    %dma_wait3A_258 = arith.constant 0 : i32
    %dma_wait3A_259 = tpu.memref_slice %arg7[%dma_wait3A_257, %dma_wait3A_258] : memref<10000x128xf32, #tpu.memory_space<vmem_shared>> -> memref<10000x128xf32, #tpu.memory_space<vmem_shared>>
    %dma_wait3A_260 = tpu.memref_slice %arg12[%dma_wait3A_249] : memref<2x!tpu.dma_semaphore, #tpu.memory_space<semaphore_mem>> -> memref<1x!tpu.dma_semaphore, #tpu.memory_space<semaphore_mem>>
    %dma_wait3A_261 = tpu.memref_squeeze %dma_wait3A_260 : memref<1x!tpu.dma_semaphore, #tpu.memory_space<semaphore_mem>> -> memref<!tpu.dma_semaphore, #tpu.memory_space<semaphore_mem>>
    tpu.wait_indirect_dma semaphore(%dma_wait3A_261 : memref<!tpu.dma_semaphore, #tpu.memory_space<semaphore_mem>>) src(%dma_wait3A_253 : memref<128x128xf32, #tpu.memory_space<vmem>>) dst(%dma_wait3A_259 : memref<10000x128xf32, #tpu.memory_space<vmem_shared>>)
    %lt3A_262 = arith.constant 4 : i32
    %lt3A_263 = arith.cmpi slt, %add3A, %lt3A_262 : i32
    %convert_element_type3A_264 = arith.extui %lt3A_263 : i1 to i32
    %cond3A_265 = arith.constant 0 : i32
    %cond3A_266 = arith.cmpi ne, %convert_element_type3A_264, %cond3A_265 : i32
    scf.if %cond3A_266 {
      %dma_start3A_273 = arith.constant 38 : i32
      %dma_start3A_274 = arith.constant 0 : i32
      %dma_start3A_275 = arith.constant 0 : i32
      %dma_start3A_276 = arith.constant 0 : i32
      %dma_start3A_277 = arith.constant 0 : i32
      %dma_start3A_278 = tpu.memref_slice %arg10[%dma_start3A_274, %dma_start3A_276, %dma_start3A_277] : memref<2x128x128xf32, #tpu.memory_space<vmem>> -> memref<1x128x128xf32, #tpu.memory_space<vmem>>
      %dma_start3A_279 = tpu.memref_squeeze %dma_start3A_278 : memref<1x128x128xf32, #tpu.memory_space<vmem>> -> memref<128x128xf32, #tpu.memory_space<vmem>>
      %dma_start3A_280 = arith.constant 0 : i32
      %dma_start3A_281 = tpu.memref_slice %arg8[%dma_start3A_273, %dma_start3A_280] : memref<40x128xi32, #tpu.memory_space<vmem>> -> memref<1x128xi32, #tpu.memory_space<vmem>>
      %dma_start3A_282 = tpu.memref_squeeze %dma_start3A_281 : memref<1x128xi32, #tpu.memory_space<vmem>> -> memref<128xi32, #tpu.memory_space<vmem>>
      %dma_start3A_283 = arith.constant 0 : i32
      %dma_start3A_284 = arith.constant 0 : i32
      %dma_start3A_285 = tpu.memref_slice %arg4[%dma_start3A_283, %dma_start3A_284] : memref<10000x128xf32, #tpu.memory_space<hbm>> -> memref<10000x128xf32, #tpu.memory_space<hbm>>
      %dma_start3A_286 = tpu.memref_slice %arg11[%dma_start3A_275] : memref<2x!tpu.dma_semaphore, #tpu.memory_space<semaphore_mem>> -> memref<1x!tpu.dma_semaphore, #tpu.memory_space<semaphore_mem>>
      %dma_start3A_287 = tpu.memref_squeeze %dma_start3A_286 : memref<1x!tpu.dma_semaphore, #tpu.memory_space<semaphore_mem>> -> memref<!tpu.dma_semaphore, #tpu.memory_space<semaphore_mem>>
      tpu.enqueue_indirect_dma source(%dma_start3A_285 : memref<10000x128xf32, #tpu.memory_space<hbm>>) target(%dma_start3A_279 : memref<128x128xf32, #tpu.memory_space<vmem>>) offsets(%dma_start3A_282 : memref<128xi32, #tpu.memory_space<vmem>>) semaphore(%dma_start3A_287 : memref<!tpu.dma_semaphore, #tpu.memory_space<semaphore_mem>>)
      %dma_wait3A_288 = arith.constant 38 : i32
      %dma_wait3A_289 = arith.constant 0 : i32
      %dma_wait3A_290 = arith.constant 0 : i32
      %dma_wait3A_291 = arith.constant 0 : i32
      %dma_wait3A_292 = arith.constant 0 : i32
      %dma_wait3A_293 = tpu.memref_slice %arg10[%dma_wait3A_289, %dma_wait3A_291, %dma_wait3A_292] : memref<2x128x128xf32, #tpu.memory_space<vmem>> -> memref<1x128x128xf32, #tpu.memory_space<vmem>>
      %dma_wait3A_294 = tpu.memref_squeeze %dma_wait3A_293 : memref<1x128x128xf32, #tpu.memory_space<vmem>> -> memref<128x128xf32, #tpu.memory_space<vmem>>
      %dma_wait3A_295 = arith.constant 0 : i32
      %dma_wait3A_296 = tpu.memref_slice %arg8[%dma_wait3A_288, %dma_wait3A_295] : memref<40x128xi32, #tpu.memory_space<vmem>> -> memref<1x128xi32, #tpu.memory_space<vmem>>
      %dma_wait3A_297 = tpu.memref_squeeze %dma_wait3A_296 : memref<1x128xi32, #tpu.memory_space<vmem>> -> memref<128xi32, #tpu.memory_space<vmem>>
      %dma_wait3A_298 = arith.constant 0 : i32
      %dma_wait3A_299 = arith.constant 0 : i32
      %dma_wait3A_300 = tpu.memref_slice %arg4[%dma_wait3A_298, %dma_wait3A_299] : memref<10000x128xf32, #tpu.memory_space<hbm>> -> memref<10000x128xf32, #tpu.memory_space<hbm>>
      %dma_wait3A_301 = tpu.memref_slice %arg11[%dma_wait3A_290] : memref<2x!tpu.dma_semaphore, #tpu.memory_space<semaphore_mem>> -> memref<1x!tpu.dma_semaphore, #tpu.memory_space<semaphore_mem>>
      %dma_wait3A_302 = tpu.memref_squeeze %dma_wait3A_301 : memref<1x!tpu.dma_semaphore, #tpu.memory_space<semaphore_mem>> -> memref<!tpu.dma_semaphore, #tpu.memory_space<semaphore_mem>>
      tpu.wait_indirect_dma semaphore(%dma_wait3A_302 : memref<!tpu.dma_semaphore, #tpu.memory_space<semaphore_mem>>) src(%dma_wait3A_300 : memref<10000x128xf32, #tpu.memory_space<hbm>>) dst(%dma_wait3A_294 : memref<128x128xf32, #tpu.memory_space<vmem>>)
      %run_scoped3A = arith.constant 0 : i32
      %run_scoped3A_303 = arith.constant 38 : i32
      "tpu.region"() ({
        %run_scoped3A_304 = tpu.sem_alloc : memref<!tpu.dma_semaphore, #tpu.memory_space<semaphore_mem>>
        %dma_start3A_305 = arith.constant 0 : i32
        %dma_start3A_306 = arith.constant 0 : i32
        %dma_start3A_307 = tpu.memref_slice %arg10[%run_scoped3A, %dma_start3A_305, %dma_start3A_306] : memref<2x128x128xf32, #tpu.memory_space<vmem>> -> memref<1x128x128xf32, #tpu.memory_space<vmem>>
        %dma_start3A_308 = tpu.memref_squeeze %dma_start3A_307 : memref<1x128x128xf32, #tpu.memory_space<vmem>> -> memref<128x128xf32, #tpu.memory_space<vmem>>
        %dma_start3A_309 = arith.constant 0 : i32
        %dma_start3A_310 = tpu.memref_slice %arg9[%run_scoped3A_303, %dma_start3A_309] : memref<40x128xi32, #tpu.memory_space<vmem>> -> memref<1x128xi32, #tpu.memory_space<vmem>>
        %dma_start3A_311 = tpu.memref_squeeze %dma_start3A_310 : memref<1x128xi32, #tpu.memory_space<vmem>> -> memref<128xi32, #tpu.memory_space<vmem>>
        %dma_start3A_312 = arith.constant 0 : i32
        %dma_start3A_313 = arith.constant 0 : i32
        %dma_start3A_314 = tpu.memref_slice %arg7[%dma_start3A_312, %dma_start3A_313] : memref<10000x128xf32, #tpu.memory_space<vmem_shared>> -> memref<10000x128xf32, #tpu.memory_space<vmem_shared>>
        tpu.enqueue_indirect_dma source(%dma_start3A_308 : memref<128x128xf32, #tpu.memory_space<vmem>>) target(%dma_start3A_314 : memref<10000x128xf32, #tpu.memory_space<vmem_shared>>) offsets(%dma_start3A_311 : memref<128xi32, #tpu.memory_space<vmem>>) semaphore(%run_scoped3A_304 : memref<!tpu.dma_semaphore, #tpu.memory_space<semaphore_mem>>) {add = true}
        %dma_wait3A_315 = arith.constant 0 : i32
        %dma_wait3A_316 = arith.constant 0 : i32
        %dma_wait3A_317 = tpu.memref_slice %arg10[%run_scoped3A, %dma_wait3A_315, %dma_wait3A_316] : memref<2x128x128xf32, #tpu.memory_space<vmem>> -> memref<1x128x128xf32, #tpu.memory_space<vmem>>
        %dma_wait3A_318 = tpu.memref_squeeze %dma_wait3A_317 : memref<1x128x128xf32, #tpu.memory_space<vmem>> -> memref<128x128xf32, #tpu.memory_space<vmem>>
        %dma_wait3A_319 = arith.constant 0 : i32
        %dma_wait3A_320 = tpu.memref_slice %arg9[%run_scoped3A_303, %dma_wait3A_319] : memref<40x128xi32, #tpu.memory_space<vmem>> -> memref<1x128xi32, #tpu.memory_space<vmem>>
        %dma_wait3A_321 = tpu.memref_squeeze %dma_wait3A_320 : memref<1x128xi32, #tpu.memory_space<vmem>> -> memref<128xi32, #tpu.memory_space<vmem>>
        %dma_wait3A_322 = arith.constant 0 : i32
        %dma_wait3A_323 = arith.constant 0 : i32
        %dma_wait3A_324 = tpu.memref_slice %arg7[%dma_wait3A_322, %dma_wait3A_323] : memref<10000x128xf32, #tpu.memory_space<vmem_shared>> -> memref<10000x128xf32, #tpu.memory_space<vmem_shared>>
        tpu.wait_indirect_dma semaphore(%run_scoped3A_304 : memref<!tpu.dma_semaphore, #tpu.memory_space<semaphore_mem>>) src(%dma_wait3A_318 : memref<128x128xf32, #tpu.memory_space<vmem>>) dst(%dma_wait3A_324 : memref<10000x128xf32, #tpu.memory_space<vmem_shared>>)
        tpu.yield
      }) : () -> ()
    } else {
    }
    %barrier3A_267 = arith.constant 0 : index
    tpu.barrier barrier_id(%barrier3A_267)
    %lt3A_268 = arith.constant 10 : i32
    %lt3A_269 = arith.cmpi slt, %arg1, %lt3A_268 : i32
    %convert_element_type3A_270 = arith.extui %lt3A_269 : i1 to i32
    %cond3A_271 = arith.constant 0 : i32
    %cond3A_272 = arith.cmpi ne, %convert_element_type3A_270, %cond3A_271 : i32
    scf.if %cond3A_272 {
      %mul3A_273 = arith.constant 1000 : i32
      %mul3A_274 = arith.muli %arg1, %mul3A_273 : i32
      %mul3A_275 = arith.constant 1000 : i32
      %mul3A_276 = arith.muli %arg1, %mul3A_275 : i32
      "tpu.region"() ({
        %run_scoped3A = tpu.sem_alloc : memref<!tpu.dma_semaphore, #tpu.memory_space<semaphore_mem>>
        %dma_start3A_277 = arith.constant 0 : i32
        %dma_start3A_278 = tpu.memref_slice %arg6[%arg0, %mul3A_276, %dma_start3A_277] : memref<2x10000x128xf32, #tpu.memory_space<hbm>> -> memref<1x1000x128xf32, #tpu.memory_space<hbm>>
        %dma_start3A_279 = tpu.memref_squeeze %dma_start3A_278 : memref<1x1000x128xf32, #tpu.memory_space<hbm>> -> memref<1000x128xf32, #tpu.memory_space<hbm>>
        %dma_start3A_280 = arith.constant 0 : i32
        %dma_start3A_281 = tpu.memref_slice %arg7[%mul3A_274, %dma_start3A_280] : memref<10000x128xf32, #tpu.memory_space<vmem_shared>> -> memref<1000x128xf32, #tpu.memory_space<vmem_shared>>
        tpu.enqueue_dma source(%dma_start3A_281 : memref<1000x128xf32, #tpu.memory_space<vmem_shared>>) target(%dma_start3A_279 : memref<1000x128xf32, #tpu.memory_space<hbm>>) target_semaphore(%run_scoped3A : memref<!tpu.dma_semaphore, #tpu.memory_space<semaphore_mem>>)
        %dma_wait3A_282 = arith.constant 0 : i32
        %dma_wait3A_283 = tpu.memref_slice %arg6[%arg0, %mul3A_276, %dma_wait3A_282] : memref<2x10000x128xf32, #tpu.memory_space<hbm>> -> memref<1x1000x128xf32, #tpu.memory_space<hbm>>
        %dma_wait3A_284 = tpu.memref_squeeze %dma_wait3A_283 : memref<1x1000x128xf32, #tpu.memory_space<hbm>> -> memref<1000x128xf32, #tpu.memory_space<hbm>>
        %dma_wait3A_285 = arith.constant 0 : i32
        %dma_wait3A_286 = tpu.memref_slice %arg7[%mul3A_274, %dma_wait3A_285] : memref<10000x128xf32, #tpu.memory_space<vmem_shared>> -> memref<1000x128xf32, #tpu.memory_space<vmem_shared>>
        tpu.wait_dma2 semaphore(%run_scoped3A : memref<!tpu.dma_semaphore, #tpu.memory_space<semaphore_mem>>) src(%dma_wait3A_286 : memref<1000x128xf32, #tpu.memory_space<vmem_shared>>) dst(%dma_wait3A_284 : memref<1000x128xf32, #tpu.memory_space<hbm>>)
        tpu.yield
      }) : () -> ()
    } else {
    }
    return
  }
}

#map = affine_map<(d0, d1) -> (0, 0)>
#map1 = affine_map<(d0, d1) -> (0, 0, 0)>
module attributes {stable_mosaic.version = 14 : i64} {
  func.func @_segsum_body(%arg0: i32, %arg1: i32, %arg2: memref<2560x128xi32, #tpu.memory_space<hbm>>, %arg3: memref<2560x128xi32, #tpu.memory_space<hbm>>, %arg4: memref<10000x128xf32, #tpu.memory_space<hbm>>, %arg5: memref<1000x128xf32, #tpu.memory_space<hbm>>, %arg6: memref<2x10000x128xf32, #tpu.memory_space<hbm>>, %arg7: memref<10000x128xf32, #tpu.memory_space<vmem_shared>>, %arg8: memref<40x128xi32, #tpu.memory_space<vmem>>, %arg9: memref<40x128xi32, #tpu.memory_space<vmem>>, %arg10: memref<2x128x128xf32, #tpu.memory_space<vmem>>, %arg11: memref<2x!tpu.dma_semaphore, #tpu.memory_space<semaphore_mem>>, %arg12: memref<2x!tpu.dma_semaphore, #tpu.memory_space<semaphore_mem>>) attributes {dimension_semantics = [#tpu.dimension_semantics<core_parallel>, #tpu.dimension_semantics<subcore_parallel>], iteration_bounds = array<i64: 2, 16>, scalar_prefetch = 0 : i64, scratch_operands = 6 : i64, tpu.core_type = #tpu.core_type<sc_vector_subcore>, window_params = [{transform_indices = #map}, {transform_indices = #map}, {transform_indices = #map}, {transform_indices = #map}, {transform_indices = #map1}]} {
    %mul3A = arith.constant 16 : i32
    %mul3A_0 = arith.muli %arg0, %mul3A : i32
    %add3A = arith.addi %mul3A_0, %arg1 : i32
    %mul3A_1 = arith.constant 80 : i32
    %mul3A_2 = arith.muli %mul3A_1, %add3A : i32
    %lt3A = arith.constant 10 : i32
    %lt3A_3 = arith.cmpi slt, %arg1, %lt3A : i32
    %convert_element_type3A = arith.extui %lt3A_3 : i1 to i32
    %cond3A = arith.constant 0 : i32
    %cond3A_4 = arith.cmpi ne, %convert_element_type3A, %cond3A : i32
    scf.if %cond3A_4 {
      %mul3A_273 = arith.constant 1000 : i32
      %mul3A_274 = arith.muli %arg1, %mul3A_273 : i32
      "tpu.region"() ({
        %run_scoped3A = tpu.sem_alloc : memref<!tpu.dma_semaphore, #tpu.memory_space<semaphore_mem>>
        %dma_start3A_275 = arith.constant 0 : i32
        %dma_start3A_276 = tpu.memref_slice %arg7[%mul3A_274, %dma_start3A_275] : memref<10000x128xf32, #tpu.memory_space<vmem_shared>> -> memref<1000x128xf32, #tpu.memory_space<vmem_shared>>
        tpu.enqueue_dma source(%arg5 : memref<1000x128xf32, #tpu.memory_space<hbm>>) target(%dma_start3A_276 : memref<1000x128xf32, #tpu.memory_space<vmem_shared>>) target_semaphore(%run_scoped3A : memref<!tpu.dma_semaphore, #tpu.memory_space<semaphore_mem>>)
        %dma_wait3A_277 = arith.constant 0 : i32
        %dma_wait3A_278 = tpu.memref_slice %arg7[%mul3A_274, %dma_wait3A_277] : memref<10000x128xf32, #tpu.memory_space<vmem_shared>> -> memref<1000x128xf32, #tpu.memory_space<vmem_shared>>
        tpu.wait_dma2 semaphore(%run_scoped3A : memref<!tpu.dma_semaphore, #tpu.memory_space<semaphore_mem>>) src(%arg5 : memref<1000x128xf32, #tpu.memory_space<hbm>>) dst(%dma_wait3A_278 : memref<1000x128xf32, #tpu.memory_space<vmem_shared>>)
        tpu.yield
      }) : () -> ()
    } else {
    }
    %barrier3A = arith.constant 0 : index
    tpu.barrier barrier_id(%barrier3A)
    %add3A_5 = arith.constant 0 : i32
    %add3A_6 = arith.addi %mul3A_2, %add3A_5 : i32
    "tpu.region"() ({
      %run_scoped3A = tpu.sem_alloc : memref<!tpu.dma_semaphore, #tpu.memory_space<semaphore_mem>>
      %dma_start3A_273 = arith.constant 0 : i32
      %dma_start3A_274 = tpu.memref_slice %arg2[%add3A_6, %dma_start3A_273] : memref<2560x128xi32, #tpu.memory_space<hbm>> -> memref<40x128xi32, #tpu.memory_space<hbm>>
      %dma_start3A_275 = arith.constant 0 : i32
      %dma_start3A_276 = tpu.memref_slice %arg2[%add3A_6, %dma_start3A_275] : memref<2560x128xi32, #tpu.memory_space<hbm>> -> memref<40x128xi32, #tpu.memory_space<hbm>>
      tpu.enqueue_dma source(%dma_start3A_276 : memref<40x128xi32, #tpu.memory_space<hbm>>) target(%arg8 : memref<40x128xi32, #tpu.memory_space<vmem>>) target_semaphore(%run_scoped3A : memref<!tpu.dma_semaphore, #tpu.memory_space<semaphore_mem>>)
      %dma_wait3A_277 = arith.constant 0 : i32
      %dma_wait3A_278 = tpu.memref_slice %arg2[%add3A_6, %dma_wait3A_277] : memref<2560x128xi32, #tpu.memory_space<hbm>> -> memref<40x128xi32, #tpu.memory_space<hbm>>
      %dma_wait3A_279 = arith.constant 0 : i32
      %dma_wait3A_280 = tpu.memref_slice %arg2[%add3A_6, %dma_wait3A_279] : memref<2560x128xi32, #tpu.memory_space<hbm>> -> memref<40x128xi32, #tpu.memory_space<hbm>>
      tpu.wait_dma2 semaphore(%run_scoped3A : memref<!tpu.dma_semaphore, #tpu.memory_space<semaphore_mem>>) src(%dma_wait3A_280 : memref<40x128xi32, #tpu.memory_space<hbm>>) dst(%arg8 : memref<40x128xi32, #tpu.memory_space<vmem>>)
      tpu.yield
    }) : () -> ()
    %add3A_7 = arith.constant 0 : i32
    %add3A_8 = arith.addi %mul3A_2, %add3A_7 : i32
    "tpu.region"() ({
      %run_scoped3A = tpu.sem_alloc : memref<!tpu.dma_semaphore, #tpu.memory_space<semaphore_mem>>
      %dma_start3A_273 = arith.constant 0 : i32
      %dma_start3A_274 = tpu.memref_slice %arg3[%add3A_8, %dma_start3A_273] : memref<2560x128xi32, #tpu.memory_space<hbm>> -> memref<40x128xi32, #tpu.memory_space<hbm>>
      %dma_start3A_275 = arith.constant 0 : i32
      %dma_start3A_276 = tpu.memref_slice %arg3[%add3A_8, %dma_start3A_275] : memref<2560x128xi32, #tpu.memory_space<hbm>> -> memref<40x128xi32, #tpu.memory_space<hbm>>
      tpu.enqueue_dma source(%dma_start3A_276 : memref<40x128xi32, #tpu.memory_space<hbm>>) target(%arg9 : memref<40x128xi32, #tpu.memory_space<vmem>>) target_semaphore(%run_scoped3A : memref<!tpu.dma_semaphore, #tpu.memory_space<semaphore_mem>>)
      %dma_wait3A_277 = arith.constant 0 : i32
      %dma_wait3A_278 = tpu.memref_slice %arg3[%add3A_8, %dma_wait3A_277] : memref<2560x128xi32, #tpu.memory_space<hbm>> -> memref<40x128xi32, #tpu.memory_space<hbm>>
      %dma_wait3A_279 = arith.constant 0 : i32
      %dma_wait3A_280 = tpu.memref_slice %arg3[%add3A_8, %dma_wait3A_279] : memref<2560x128xi32, #tpu.memory_space<hbm>> -> memref<40x128xi32, #tpu.memory_space<hbm>>
      tpu.wait_dma2 semaphore(%run_scoped3A : memref<!tpu.dma_semaphore, #tpu.memory_space<semaphore_mem>>) src(%dma_wait3A_280 : memref<40x128xi32, #tpu.memory_space<hbm>>) dst(%arg9 : memref<40x128xi32, #tpu.memory_space<vmem>>)
      tpu.yield
    }) : () -> ()
    %dma_start3A = arith.constant 0 : i32
    %dma_start3A_9 = arith.constant 0 : i32
    %dma_start3A_10 = arith.constant 0 : i32
    %dma_start3A_11 = arith.constant 0 : i32
    %dma_start3A_12 = arith.constant 0 : i32
    %dma_start3A_13 = tpu.memref_slice %arg10[%dma_start3A_9, %dma_start3A_11, %dma_start3A_12] : memref<2x128x128xf32, #tpu.memory_space<vmem>> -> memref<1x128x128xf32, #tpu.memory_space<vmem>>
    %dma_start3A_14 = tpu.memref_squeeze %dma_start3A_13 : memref<1x128x128xf32, #tpu.memory_space<vmem>> -> memref<128x128xf32, #tpu.memory_space<vmem>>
    %dma_start3A_15 = arith.constant 0 : i32
    %dma_start3A_16 = tpu.memref_slice %arg8[%dma_start3A, %dma_start3A_15] : memref<40x128xi32, #tpu.memory_space<vmem>> -> memref<1x128xi32, #tpu.memory_space<vmem>>
    %dma_start3A_17 = tpu.memref_squeeze %dma_start3A_16 : memref<1x128xi32, #tpu.memory_space<vmem>> -> memref<128xi32, #tpu.memory_space<vmem>>
    %dma_start3A_18 = arith.constant 0 : i32
    %dma_start3A_19 = arith.constant 0 : i32
    %dma_start3A_20 = tpu.memref_slice %arg4[%dma_start3A_18, %dma_start3A_19] : memref<10000x128xf32, #tpu.memory_space<hbm>> -> memref<10000x128xf32, #tpu.memory_space<hbm>>
    %dma_start3A_21 = tpu.memref_slice %arg11[%dma_start3A_10] : memref<2x!tpu.dma_semaphore, #tpu.memory_space<semaphore_mem>> -> memref<1x!tpu.dma_semaphore, #tpu.memory_space<semaphore_mem>>
    %dma_start3A_22 = tpu.memref_squeeze %dma_start3A_21 : memref<1x!tpu.dma_semaphore, #tpu.memory_space<semaphore_mem>> -> memref<!tpu.dma_semaphore, #tpu.memory_space<semaphore_mem>>
    tpu.enqueue_indirect_dma source(%dma_start3A_20 : memref<10000x128xf32, #tpu.memory_space<hbm>>) target(%dma_start3A_14 : memref<128x128xf32, #tpu.memory_space<vmem>>) offsets(%dma_start3A_17 : memref<128xi32, #tpu.memory_space<vmem>>) semaphore(%dma_start3A_22 : memref<!tpu.dma_semaphore, #tpu.memory_space<semaphore_mem>>)
    %dma_wait3A = arith.constant 0 : i32
    %dma_wait3A_23 = arith.constant 0 : i32
    %dma_wait3A_24 = arith.constant 0 : i32
    %dma_wait3A_25 = arith.constant 0 : i32
    %dma_wait3A_26 = arith.constant 0 : i32
    %dma_wait3A_27 = tpu.memref_slice %arg10[%dma_wait3A_23, %dma_wait3A_25, %dma_wait3A_26] : memref<2x128x128xf32, #tpu.memory_space<vmem>> -> memref<1x128x128xf32, #tpu.memory_space<vmem>>
    %dma_wait3A_28 = tpu.memref_squeeze %dma_wait3A_27 : memref<1x128x128xf32, #tpu.memory_space<vmem>> -> memref<128x128xf32, #tpu.memory_space<vmem>>
    %dma_wait3A_29 = arith.constant 0 : i32
    %dma_wait3A_30 = tpu.memref_slice %arg8[%dma_wait3A, %dma_wait3A_29] : memref<40x128xi32, #tpu.memory_space<vmem>> -> memref<1x128xi32, #tpu.memory_space<vmem>>
    %dma_wait3A_31 = tpu.memref_squeeze %dma_wait3A_30 : memref<1x128xi32, #tpu.memory_space<vmem>> -> memref<128xi32, #tpu.memory_space<vmem>>
    %dma_wait3A_32 = arith.constant 0 : i32
    %dma_wait3A_33 = arith.constant 0 : i32
    %dma_wait3A_34 = tpu.memref_slice %arg4[%dma_wait3A_32, %dma_wait3A_33] : memref<10000x128xf32, #tpu.memory_space<hbm>> -> memref<10000x128xf32, #tpu.memory_space<hbm>>
    %dma_wait3A_35 = tpu.memref_slice %arg11[%dma_wait3A_24] : memref<2x!tpu.dma_semaphore, #tpu.memory_space<semaphore_mem>> -> memref<1x!tpu.dma_semaphore, #tpu.memory_space<semaphore_mem>>
    %dma_wait3A_36 = tpu.memref_squeeze %dma_wait3A_35 : memref<1x!tpu.dma_semaphore, #tpu.memory_space<semaphore_mem>> -> memref<!tpu.dma_semaphore, #tpu.memory_space<semaphore_mem>>
    tpu.wait_indirect_dma semaphore(%dma_wait3A_36 : memref<!tpu.dma_semaphore, #tpu.memory_space<semaphore_mem>>) src(%dma_wait3A_34 : memref<10000x128xf32, #tpu.memory_space<hbm>>) dst(%dma_wait3A_28 : memref<128x128xf32, #tpu.memory_space<vmem>>)
    %dma_start3A_37 = arith.constant 0 : i32
    %dma_start3A_38 = arith.constant 0 : i32
    %dma_start3A_39 = arith.constant 0 : i32
    %dma_start3A_40 = arith.constant 0 : i32
    %dma_start3A_41 = arith.constant 0 : i32
    %dma_start3A_42 = tpu.memref_slice %arg10[%dma_start3A_37, %dma_start3A_40, %dma_start3A_41] : memref<2x128x128xf32, #tpu.memory_space<vmem>> -> memref<1x128x128xf32, #tpu.memory_space<vmem>>
    %dma_start3A_43 = tpu.memref_squeeze %dma_start3A_42 : memref<1x128x128xf32, #tpu.memory_space<vmem>> -> memref<128x128xf32, #tpu.memory_space<vmem>>
    %dma_start3A_44 = arith.constant 0 : i32
    %dma_start3A_45 = tpu.memref_slice %arg9[%dma_start3A_38, %dma_start3A_44] : memref<40x128xi32, #tpu.memory_space<vmem>> -> memref<1x128xi32, #tpu.memory_space<vmem>>
    %dma_start3A_46 = tpu.memref_squeeze %dma_start3A_45 : memref<1x128xi32, #tpu.memory_space<vmem>> -> memref<128xi32, #tpu.memory_space<vmem>>
    %dma_start3A_47 = arith.constant 0 : i32
    %dma_start3A_48 = arith.constant 0 : i32
    %dma_start3A_49 = tpu.memref_slice %arg7[%dma_start3A_47, %dma_start3A_48] : memref<10000x128xf32, #tpu.memory_space<vmem_shared>> -> memref<10000x128xf32, #tpu.memory_space<vmem_shared>>
    %dma_start3A_50 = tpu.memref_slice %arg12[%dma_start3A_39] : memref<2x!tpu.dma_semaphore, #tpu.memory_space<semaphore_mem>> -> memref<1x!tpu.dma_semaphore, #tpu.memory_space<semaphore_mem>>
    %dma_start3A_51 = tpu.memref_squeeze %dma_start3A_50 : memref<1x!tpu.dma_semaphore, #tpu.memory_space<semaphore_mem>> -> memref<!tpu.dma_semaphore, #tpu.memory_space<semaphore_mem>>
    tpu.enqueue_indirect_dma source(%dma_start3A_43 : memref<128x128xf32, #tpu.memory_space<vmem>>) target(%dma_start3A_49 : memref<10000x128xf32, #tpu.memory_space<vmem_shared>>) offsets(%dma_start3A_46 : memref<128xi32, #tpu.memory_space<vmem>>) semaphore(%dma_start3A_51 : memref<!tpu.dma_semaphore, #tpu.memory_space<semaphore_mem>>) {add = true}
    %dma_start3A_52 = arith.constant 1 : i32
    %dma_start3A_53 = arith.constant 1 : i32
    %dma_start3A_54 = arith.constant 1 : i32
    %dma_start3A_55 = arith.constant 0 : i32
    %dma_start3A_56 = arith.constant 0 : i32
    %dma_start3A_57 = tpu.memref_slice %arg10[%dma_start3A_53, %dma_start3A_55, %dma_start3A_56] : memref<2x128x128xf32, #tpu.memory_space<vmem>> -> memref<1x128x128xf32, #tpu.memory_space<vmem>>
    %dma_start3A_58 = tpu.memref_squeeze %dma_start3A_57 : memref<1x128x128xf32, #tpu.memory_space<vmem>> -> memref<128x128xf32, #tpu.memory_space<vmem>>
    %dma_start3A_59 = arith.constant 0 : i32
    %dma_start3A_60 = tpu.memref_slice %arg8[%dma_start3A_52, %dma_start3A_59] : memref<40x128xi32, #tpu.memory_space<vmem>> -> memref<1x128xi32, #tpu.memory_space<vmem>>
    %dma_start3A_61 = tpu.memref_squeeze %dma_start3A_60 : memref<1x128xi32, #tpu.memory_space<vmem>> -> memref<128xi32, #tpu.memory_space<vmem>>
    %dma_start3A_62 = arith.constant 0 : i32
    %dma_start3A_63 = arith.constant 0 : i32
    %dma_start3A_64 = tpu.memref_slice %arg4[%dma_start3A_62, %dma_start3A_63] : memref<10000x128xf32, #tpu.memory_space<hbm>> -> memref<10000x128xf32, #tpu.memory_space<hbm>>
    %dma_start3A_65 = tpu.memref_slice %arg11[%dma_start3A_54] : memref<2x!tpu.dma_semaphore, #tpu.memory_space<semaphore_mem>> -> memref<1x!tpu.dma_semaphore, #tpu.memory_space<semaphore_mem>>
    %dma_start3A_66 = tpu.memref_squeeze %dma_start3A_65 : memref<1x!tpu.dma_semaphore, #tpu.memory_space<semaphore_mem>> -> memref<!tpu.dma_semaphore, #tpu.memory_space<semaphore_mem>>
    tpu.enqueue_indirect_dma source(%dma_start3A_64 : memref<10000x128xf32, #tpu.memory_space<hbm>>) target(%dma_start3A_58 : memref<128x128xf32, #tpu.memory_space<vmem>>) offsets(%dma_start3A_61 : memref<128xi32, #tpu.memory_space<vmem>>) semaphore(%dma_start3A_66 : memref<!tpu.dma_semaphore, #tpu.memory_space<semaphore_mem>>)
    %scan3A = arith.constant 0 : i32
    %scan3A_67 = arith.constant 0 : i32
    %scan3A_68 = arith.constant 19 : i32
    %scan3A_69 = arith.addi %scan3A_67, %scan3A_68 : i32
    %scan3A_70 = arith.constant 1 : i32
    scf.for %scan3A_273 = %scan3A_67 to %scan3A_69 step %scan3A_70  : i32 {
      %mul3A_274 = arith.constant 2 : i32
      %mul3A_275 = arith.muli %mul3A_274, %scan3A_273 : i32
      %add3A_276 = arith.constant 1 : i32
      %add3A_277 = arith.addi %mul3A_275, %add3A_276 : i32
      %dma_wait3A_278 = arith.constant 1 : i32
      %dma_wait3A_279 = arith.constant 1 : i32
      %dma_wait3A_280 = arith.constant 0 : i32
      %dma_wait3A_281 = arith.constant 0 : i32
      %dma_wait3A_282 = tpu.memref_slice %arg10[%dma_wait3A_278, %dma_wait3A_280, %dma_wait3A_281] : memref<2x128x128xf32, #tpu.memory_space<vmem>> -> memref<1x128x128xf32, #tpu.memory_space<vmem>>
      %dma_wait3A_283 = tpu.memref_squeeze %dma_wait3A_282 : memref<1x128x128xf32, #tpu.memory_space<vmem>> -> memref<128x128xf32, #tpu.memory_space<vmem>>
      %dma_wait3A_284 = arith.constant 0 : i32
      %dma_wait3A_285 = tpu.memref_slice %arg8[%add3A_277, %dma_wait3A_284] : memref<40x128xi32, #tpu.memory_space<vmem>> -> memref<1x128xi32, #tpu.memory_space<vmem>>
      %dma_wait3A_286 = tpu.memref_squeeze %dma_wait3A_285 : memref<1x128xi32, #tpu.memory_space<vmem>> -> memref<128xi32, #tpu.memory_space<vmem>>
      %dma_wait3A_287 = arith.constant 0 : i32
      %dma_wait3A_288 = arith.constant 0 : i32
      %dma_wait3A_289 = tpu.memref_slice %arg4[%dma_wait3A_287, %dma_wait3A_288] : memref<10000x128xf32, #tpu.memory_space<hbm>> -> memref<10000x128xf32, #tpu.memory_space<hbm>>
      %dma_wait3A_290 = tpu.memref_slice %arg11[%dma_wait3A_279] : memref<2x!tpu.dma_semaphore, #tpu.memory_space<semaphore_mem>> -> memref<1x!tpu.dma_semaphore, #tpu.memory_space<semaphore_mem>>
      %dma_wait3A_291 = tpu.memref_squeeze %dma_wait3A_290 : memref<1x!tpu.dma_semaphore, #tpu.memory_space<semaphore_mem>> -> memref<!tpu.dma_semaphore, #tpu.memory_space<semaphore_mem>>
      tpu.wait_indirect_dma semaphore(%dma_wait3A_291 : memref<!tpu.dma_semaphore, #tpu.memory_space<semaphore_mem>>) src(%dma_wait3A_289 : memref<10000x128xf32, #tpu.memory_space<hbm>>) dst(%dma_wait3A_283 : memref<128x128xf32, #tpu.memory_space<vmem>>)
      %dma_start3A_292 = arith.constant 1 : i32
      %dma_start3A_293 = arith.constant 1 : i32
      %dma_start3A_294 = arith.constant 0 : i32
      %dma_start3A_295 = arith.constant 0 : i32
      %dma_start3A_296 = tpu.memref_slice %arg10[%dma_start3A_292, %dma_start3A_294, %dma_start3A_295] : memref<2x128x128xf32, #tpu.memory_space<vmem>> -> memref<1x128x128xf32, #tpu.memory_space<vmem>>
      %dma_start3A_297 = tpu.memref_squeeze %dma_start3A_296 : memref<1x128x128xf32, #tpu.memory_space<vmem>> -> memref<128x128xf32, #tpu.memory_space<vmem>>
      %dma_start3A_298 = arith.constant 0 : i32
      %dma_start3A_299 = tpu.memref_slice %arg9[%add3A_277, %dma_start3A_298] : memref<40x128xi32, #tpu.memory_space<vmem>> -> memref<1x128xi32, #tpu.memory_space<vmem>>
      %dma_start3A_300 = tpu.memref_squeeze %dma_start3A_299 : memref<1x128xi32, #tpu.memory_space<vmem>> -> memref<128xi32, #tpu.memory_space<vmem>>
      %dma_start3A_301 = arith.constant 0 : i32
      %dma_start3A_302 = arith.constant 0 : i32
      %dma_start3A_303 = tpu.memref_slice %arg7[%dma_start3A_301, %dma_start3A_302] : memref<10000x128xf32, #tpu.memory_space<vmem_shared>> -> memref<10000x128xf32, #tpu.memory_space<vmem_shared>>
      %dma_start3A_304 = tpu.memref_slice %arg12[%dma_start3A_293] : memref<2x!tpu.dma_semaphore, #tpu.memory_space<semaphore_mem>> -> memref<1x!tpu.dma_semaphore, #tpu.memory_space<semaphore_mem>>
      %dma_start3A_305 = tpu.memref_squeeze %dma_start3A_304 : memref<1x!tpu.dma_semaphore, #tpu.memory_space<semaphore_mem>> -> memref<!tpu.dma_semaphore, #tpu.memory_space<semaphore_mem>>
      tpu.enqueue_indirect_dma source(%dma_start3A_297 : memref<128x128xf32, #tpu.memory_space<vmem>>) target(%dma_start3A_303 : memref<10000x128xf32, #tpu.memory_space<vmem_shared>>) offsets(%dma_start3A_300 : memref<128xi32, #tpu.memory_space<vmem>>) semaphore(%dma_start3A_305 : memref<!tpu.dma_semaphore, #tpu.memory_space<semaphore_mem>>) {add = true}
      %sub3A = arith.constant 1 : i32
      %sub3A_306 = arith.subi %add3A_277, %sub3A : i32
      %dma_wait3A_307 = arith.constant 0 : i32
      %dma_wait3A_308 = arith.constant 0 : i32
      %dma_wait3A_309 = arith.constant 0 : i32
      %dma_wait3A_310 = arith.constant 0 : i32
      %dma_wait3A_311 = tpu.memref_slice %arg10[%dma_wait3A_307, %dma_wait3A_309, %dma_wait3A_310] : memref<2x128x128xf32, #tpu.memory_space<vmem>> -> memref<1x128x128xf32, #tpu.memory_space<vmem>>
      %dma_wait3A_312 = tpu.memref_squeeze %dma_wait3A_311 : memref<1x128x128xf32, #tpu.memory_space<vmem>> -> memref<128x128xf32, #tpu.memory_space<vmem>>
      %dma_wait3A_313 = arith.constant 0 : i32
      %dma_wait3A_314 = tpu.memref_slice %arg9[%sub3A_306, %dma_wait3A_313] : memref<40x128xi32, #tpu.memory_space<vmem>> -> memref<1x128xi32, #tpu.memory_space<vmem>>
      %dma_wait3A_315 = tpu.memref_squeeze %dma_wait3A_314 : memref<1x128xi32, #tpu.memory_space<vmem>> -> memref<128xi32, #tpu.memory_space<vmem>>
      %dma_wait3A_316 = arith.constant 0 : i32
      %dma_wait3A_317 = arith.constant 0 : i32
      %dma_wait3A_318 = tpu.memref_slice %arg7[%dma_wait3A_316, %dma_wait3A_317] : memref<10000x128xf32, #tpu.memory_space<vmem_shared>> -> memref<10000x128xf32, #tpu.memory_space<vmem_shared>>
      %dma_wait3A_319 = tpu.memref_slice %arg12[%dma_wait3A_308] : memref<2x!tpu.dma_semaphore, #tpu.memory_space<semaphore_mem>> -> memref<1x!tpu.dma_semaphore, #tpu.memory_space<semaphore_mem>>
      %dma_wait3A_320 = tpu.memref_squeeze %dma_wait3A_319 : memref<1x!tpu.dma_semaphore, #tpu.memory_space<semaphore_mem>> -> memref<!tpu.dma_semaphore, #tpu.memory_space<semaphore_mem>>
      tpu.wait_indirect_dma semaphore(%dma_wait3A_320 : memref<!tpu.dma_semaphore, #tpu.memory_space<semaphore_mem>>) src(%dma_wait3A_312 : memref<128x128xf32, #tpu.memory_space<vmem>>) dst(%dma_wait3A_318 : memref<10000x128xf32, #tpu.memory_space<vmem_shared>>)
      %add3A_321 = arith.constant 1 : i32
      %add3A_322 = arith.addi %add3A_277, %add3A_321 : i32
      %dma_start3A_323 = arith.constant 0 : i32
      %dma_start3A_324 = arith.constant 0 : i32
      %dma_start3A_325 = arith.constant 0 : i32
      %dma_start3A_326 = arith.constant 0 : i32
      %dma_start3A_327 = tpu.memref_slice %arg10[%dma_start3A_323, %dma_start3A_325, %dma_start3A_326] : memref<2x128x128xf32, #tpu.memory_space<vmem>> -> memref<1x128x128xf32, #tpu.memory_space<vmem>>
      %dma_start3A_328 = tpu.memref_squeeze %dma_start3A_327 : memref<1x128x128xf32, #tpu.memory_space<vmem>> -> memref<128x128xf32, #tpu.memory_space<vmem>>
      %dma_start3A_329 = arith.constant 0 : i32
      %dma_start3A_330 = tpu.memref_slice %arg8[%add3A_322, %dma_start3A_329] : memref<40x128xi32, #tpu.memory_space<vmem>> -> memref<1x128xi32, #tpu.memory_space<vmem>>
      %dma_start3A_331 = tpu.memref_squeeze %dma_start3A_330 : memref<1x128xi32, #tpu.memory_space<vmem>> -> memref<128xi32, #tpu.memory_space<vmem>>
      %dma_start3A_332 = arith.constant 0 : i32
      %dma_start3A_333 = arith.constant 0 : i32
      %dma_start3A_334 = tpu.memref_slice %arg4[%dma_start3A_332, %dma_start3A_333] : memref<10000x128xf32, #tpu.memory_space<hbm>> -> memref<10000x128xf32, #tpu.memory_space<hbm>>
      %dma_start3A_335 = tpu.memref_slice %arg11[%dma_start3A_324] : memref<2x!tpu.dma_semaphore, #tpu.memory_space<semaphore_mem>> -> memref<1x!tpu.dma_semaphore, #tpu.memory_space<semaphore_mem>>
      %dma_start3A_336 = tpu.memref_squeeze %dma_start3A_335 : memref<1x!tpu.dma_semaphore, #tpu.memory_space<semaphore_mem>> -> memref<!tpu.dma_semaphore, #tpu.memory_space<semaphore_mem>>
      tpu.enqueue_indirect_dma source(%dma_start3A_334 : memref<10000x128xf32, #tpu.memory_space<hbm>>) target(%dma_start3A_328 : memref<128x128xf32, #tpu.memory_space<vmem>>) offsets(%dma_start3A_331 : memref<128xi32, #tpu.memory_space<vmem>>) semaphore(%dma_start3A_336 : memref<!tpu.dma_semaphore, #tpu.memory_space<semaphore_mem>>)
      %add3A_337 = arith.constant 1 : i32
      %add3A_338 = arith.addi %add3A_277, %add3A_337 : i32
      %dma_wait3A_339 = arith.constant 0 : i32
      %dma_wait3A_340 = arith.constant 0 : i32
      %dma_wait3A_341 = arith.constant 0 : i32
      %dma_wait3A_342 = arith.constant 0 : i32
      %dma_wait3A_343 = tpu.memref_slice %arg10[%dma_wait3A_339, %dma_wait3A_341, %dma_wait3A_342] : memref<2x128x128xf32, #tpu.memory_space<vmem>> -> memref<1x128x128xf32, #tpu.memory_space<vmem>>
      %dma_wait3A_344 = tpu.memref_squeeze %dma_wait3A_343 : memref<1x128x128xf32, #tpu.memory_space<vmem>> -> memref<128x128xf32, #tpu.memory_space<vmem>>
      %dma_wait3A_345 = arith.constant 0 : i32
      %dma_wait3A_346 = tpu.memref_slice %arg8[%add3A_338, %dma_wait3A_345] : memref<40x128xi32, #tpu.memory_space<vmem>> -> memref<1x128xi32, #tpu.memory_space<vmem>>
      %dma_wait3A_347 = tpu.memref_squeeze %dma_wait3A_346 : memref<1x128xi32, #tpu.memory_space<vmem>> -> memref<128xi32, #tpu.memory_space<vmem>>
      %dma_wait3A_348 = arith.constant 0 : i32
      %dma_wait3A_349 = arith.constant 0 : i32
      %dma_wait3A_350 = tpu.memref_slice %arg4[%dma_wait3A_348, %dma_wait3A_349] : memref<10000x128xf32, #tpu.memory_space<hbm>> -> memref<10000x128xf32, #tpu.memory_space<hbm>>
      %dma_wait3A_351 = tpu.memref_slice %arg11[%dma_wait3A_340] : memref<2x!tpu.dma_semaphore, #tpu.memory_space<semaphore_mem>> -> memref<1x!tpu.dma_semaphore, #tpu.memory_space<semaphore_mem>>
      %dma_wait3A_352 = tpu.memref_squeeze %dma_wait3A_351 : memref<1x!tpu.dma_semaphore, #tpu.memory_space<semaphore_mem>> -> memref<!tpu.dma_semaphore, #tpu.memory_space<semaphore_mem>>
      tpu.wait_indirect_dma semaphore(%dma_wait3A_352 : memref<!tpu.dma_semaphore, #tpu.memory_space<semaphore_mem>>) src(%dma_wait3A_350 : memref<10000x128xf32, #tpu.memory_space<hbm>>) dst(%dma_wait3A_344 : memref<128x128xf32, #tpu.memory_space<vmem>>)
      %add3A_353 = arith.constant 1 : i32
      %add3A_354 = arith.addi %add3A_277, %add3A_353 : i32
      %dma_start3A_355 = arith.constant 0 : i32
      %dma_start3A_356 = arith.constant 0 : i32
      %dma_start3A_357 = arith.constant 0 : i32
      %dma_start3A_358 = arith.constant 0 : i32
      %dma_start3A_359 = tpu.memref_slice %arg10[%dma_start3A_355, %dma_start3A_357, %dma_start3A_358] : memref<2x128x128xf32, #tpu.memory_space<vmem>> -> memref<1x128x128xf32, #tpu.memory_space<vmem>>
      %dma_start3A_360 = tpu.memref_squeeze %dma_start3A_359 : memref<1x128x128xf32, #tpu.memory_space<vmem>> -> memref<128x128xf32, #tpu.memory_space<vmem>>
      %dma_start3A_361 = arith.constant 0 : i32
      %dma_start3A_362 = tpu.memref_slice %arg9[%add3A_354, %dma_start3A_361] : memref<40x128xi32, #tpu.memory_space<vmem>> -> memref<1x128xi32, #tpu.memory_space<vmem>>
      %dma_start3A_363 = tpu.memref_squeeze %dma_start3A_362 : memref<1x128xi32, #tpu.memory_space<vmem>> -> memref<128xi32, #tpu.memory_space<vmem>>
      %dma_start3A_364 = arith.constant 0 : i32
      %dma_start3A_365 = arith.constant 0 : i32
      %dma_start3A_366 = tpu.memref_slice %arg7[%dma_start3A_364, %dma_start3A_365] : memref<10000x128xf32, #tpu.memory_space<vmem_shared>> -> memref<10000x128xf32, #tpu.memory_space<vmem_shared>>
      %dma_start3A_367 = tpu.memref_slice %arg12[%dma_start3A_356] : memref<2x!tpu.dma_semaphore, #tpu.memory_space<semaphore_mem>> -> memref<1x!tpu.dma_semaphore, #tpu.memory_space<semaphore_mem>>
      %dma_start3A_368 = tpu.memref_squeeze %dma_start3A_367 : memref<1x!tpu.dma_semaphore, #tpu.memory_space<semaphore_mem>> -> memref<!tpu.dma_semaphore, #tpu.memory_space<semaphore_mem>>
      tpu.enqueue_indirect_dma source(%dma_start3A_360 : memref<128x128xf32, #tpu.memory_space<vmem>>) target(%dma_start3A_366 : memref<10000x128xf32, #tpu.memory_space<vmem_shared>>) offsets(%dma_start3A_363 : memref<128xi32, #tpu.memory_space<vmem>>) semaphore(%dma_start3A_368 : memref<!tpu.dma_semaphore, #tpu.memory_space<semaphore_mem>>) {add = true}
      %dma_wait3A_369 = arith.constant 1 : i32
      %dma_wait3A_370 = arith.constant 1 : i32
      %dma_wait3A_371 = arith.constant 0 : i32
      %dma_wait3A_372 = arith.constant 0 : i32
      %dma_wait3A_373 = tpu.memref_slice %arg10[%dma_wait3A_369, %dma_wait3A_371, %dma_wait3A_372] : memref<2x128x128xf32, #tpu.memory_space<vmem>> -> memref<1x128x128xf32, #tpu.memory_space<vmem>>
      %dma_wait3A_374 = tpu.memref_squeeze %dma_wait3A_373 : memref<1x128x128xf32, #tpu.memory_space<vmem>> -> memref<128x128xf32, #tpu.memory_space<vmem>>
      %dma_wait3A_375 = arith.constant 0 : i32
      %dma_wait3A_376 = tpu.memref_slice %arg9[%add3A_277, %dma_wait3A_375] : memref<40x128xi32, #tpu.memory_space<vmem>> -> memref<1x128xi32, #tpu.memory_space<vmem>>
      %dma_wait3A_377 = tpu.memref_squeeze %dma_wait3A_376 : memref<1x128xi32, #tpu.memory_space<vmem>> -> memref<128xi32, #tpu.memory_space<vmem>>
      %dma_wait3A_378 = arith.constant 0 : i32
      %dma_wait3A_379 = arith.constant 0 : i32
      %dma_wait3A_380 = tpu.memref_slice %arg7[%dma_wait3A_378, %dma_wait3A_379] : memref<10000x128xf32, #tpu.memory_space<vmem_shared>> -> memref<10000x128xf32, #tpu.memory_space<vmem_shared>>
      %dma_wait3A_381 = tpu.memref_slice %arg12[%dma_wait3A_370] : memref<2x!tpu.dma_semaphore, #tpu.memory_space<semaphore_mem>> -> memref<1x!tpu.dma_semaphore, #tpu.memory_space<semaphore_mem>>
      %dma_wait3A_382 = tpu.memref_squeeze %dma_wait3A_381 : memref<1x!tpu.dma_semaphore, #tpu.memory_space<semaphore_mem>> -> memref<!tpu.dma_semaphore, #tpu.memory_space<semaphore_mem>>
      tpu.wait_indirect_dma semaphore(%dma_wait3A_382 : memref<!tpu.dma_semaphore, #tpu.memory_space<semaphore_mem>>) src(%dma_wait3A_374 : memref<128x128xf32, #tpu.memory_space<vmem>>) dst(%dma_wait3A_380 : memref<10000x128xf32, #tpu.memory_space<vmem_shared>>)
      %add3A_383 = arith.constant 2 : i32
      %add3A_384 = arith.addi %add3A_277, %add3A_383 : i32
      %dma_start3A_385 = arith.constant 1 : i32
      %dma_start3A_386 = arith.constant 1 : i32
      %dma_start3A_387 = arith.constant 0 : i32
      %dma_start3A_388 = arith.constant 0 : i32
      %dma_start3A_389 = tpu.memref_slice %arg10[%dma_start3A_385, %dma_start3A_387, %dma_start3A_388] : memref<2x128x128xf32, #tpu.memory_space<vmem>> -> memref<1x128x128xf32, #tpu.memory_space<vmem>>
      %dma_start3A_390 = tpu.memref_squeeze %dma_start3A_389 : memref<1x128x128xf32, #tpu.memory_space<vmem>> -> memref<128x128xf32, #tpu.memory_space<vmem>>
      %dma_start3A_391 = arith.constant 0 : i32
      %dma_start3A_392 = tpu.memref_slice %arg8[%add3A_384, %dma_start3A_391] : memref<40x128xi32, #tpu.memory_space<vmem>> -> memref<1x128xi32, #tpu.memory_space<vmem>>
      %dma_start3A_393 = tpu.memref_squeeze %dma_start3A_392 : memref<1x128xi32, #tpu.memory_space<vmem>> -> memref<128xi32, #tpu.memory_space<vmem>>
      %dma_start3A_394 = arith.constant 0 : i32
      %dma_start3A_395 = arith.constant 0 : i32
      %dma_start3A_396 = tpu.memref_slice %arg4[%dma_start3A_394, %dma_start3A_395] : memref<10000x128xf32, #tpu.memory_space<hbm>> -> memref<10000x128xf32, #tpu.memory_space<hbm>>
      %dma_start3A_397 = tpu.memref_slice %arg11[%dma_start3A_386] : memref<2x!tpu.dma_semaphore, #tpu.memory_space<semaphore_mem>> -> memref<1x!tpu.dma_semaphore, #tpu.memory_space<semaphore_mem>>
      %dma_start3A_398 = tpu.memref_squeeze %dma_start3A_397 : memref<1x!tpu.dma_semaphore, #tpu.memory_space<semaphore_mem>> -> memref<!tpu.dma_semaphore, #tpu.memory_space<semaphore_mem>>
      tpu.enqueue_indirect_dma source(%dma_start3A_396 : memref<10000x128xf32, #tpu.memory_space<hbm>>) target(%dma_start3A_390 : memref<128x128xf32, #tpu.memory_space<vmem>>) offsets(%dma_start3A_393 : memref<128xi32, #tpu.memory_space<vmem>>) semaphore(%dma_start3A_398 : memref<!tpu.dma_semaphore, #tpu.memory_space<semaphore_mem>>)
    }
    %scan3A_71 = arith.constant 19 : i32
    %dma_wait3A_72 = arith.constant 39 : i32
    %dma_wait3A_73 = arith.constant 1 : i32
    %dma_wait3A_74 = arith.constant 1 : i32
    %dma_wait3A_75 = arith.constant 0 : i32
    %dma_wait3A_76 = arith.constant 0 : i32
    %dma_wait3A_77 = tpu.memref_slice %arg10[%dma_wait3A_73, %dma_wait3A_75, %dma_wait3A_76] : memref<2x128x128xf32, #tpu.memory_space<vmem>> -> memref<1x128x128xf32, #tpu.memory_space<vmem>>
    %dma_wait3A_78 = tpu.memref_squeeze %dma_wait3A_77 : memref<1x128x128xf32, #tpu.memory_space<vmem>> -> memref<128x128xf32, #tpu.memory_space<vmem>>
    %dma_wait3A_79 = arith.constant 0 : i32
    %dma_wait3A_80 = tpu.memref_slice %arg8[%dma_wait3A_72, %dma_wait3A_79] : memref<40x128xi32, #tpu.memory_space<vmem>> -> memref<1x128xi32, #tpu.memory_space<vmem>>
    %dma_wait3A_81 = tpu.memref_squeeze %dma_wait3A_80 : memref<1x128xi32, #tpu.memory_space<vmem>> -> memref<128xi32, #tpu.memory_space<vmem>>
    %dma_wait3A_82 = arith.constant 0 : i32
    %dma_wait3A_83 = arith.constant 0 : i32
    %dma_wait3A_84 = tpu.memref_slice %arg4[%dma_wait3A_82, %dma_wait3A_83] : memref<10000x128xf32, #tpu.memory_space<hbm>> -> memref<10000x128xf32, #tpu.memory_space<hbm>>
    %dma_wait3A_85 = tpu.memref_slice %arg11[%dma_wait3A_74] : memref<2x!tpu.dma_semaphore, #tpu.memory_space<semaphore_mem>> -> memref<1x!tpu.dma_semaphore, #tpu.memory_space<semaphore_mem>>
    %dma_wait3A_86 = tpu.memref_squeeze %dma_wait3A_85 : memref<1x!tpu.dma_semaphore, #tpu.memory_space<semaphore_mem>> -> memref<!tpu.dma_semaphore, #tpu.memory_space<semaphore_mem>>
    tpu.wait_indirect_dma semaphore(%dma_wait3A_86 : memref<!tpu.dma_semaphore, #tpu.memory_space<semaphore_mem>>) src(%dma_wait3A_84 : memref<10000x128xf32, #tpu.memory_space<hbm>>) dst(%dma_wait3A_78 : memref<128x128xf32, #tpu.memory_space<vmem>>)
    %dma_start3A_87 = arith.constant 1 : i32
    %dma_start3A_88 = arith.constant 39 : i32
    %dma_start3A_89 = arith.constant 1 : i32
    %dma_start3A_90 = arith.constant 0 : i32
    %dma_start3A_91 = arith.constant 0 : i32
    %dma_start3A_92 = tpu.memref_slice %arg10[%dma_start3A_87, %dma_start3A_90, %dma_start3A_91] : memref<2x128x128xf32, #tpu.memory_space<vmem>> -> memref<1x128x128xf32, #tpu.memory_space<vmem>>
    %dma_start3A_93 = tpu.memref_squeeze %dma_start3A_92 : memref<1x128x128xf32, #tpu.memory_space<vmem>> -> memref<128x128xf32, #tpu.memory_space<vmem>>
    %dma_start3A_94 = arith.constant 0 : i32
    %dma_start3A_95 = tpu.memref_slice %arg9[%dma_start3A_88, %dma_start3A_94] : memref<40x128xi32, #tpu.memory_space<vmem>> -> memref<1x128xi32, #tpu.memory_space<vmem>>
    %dma_start3A_96 = tpu.memref_squeeze %dma_start3A_95 : memref<1x128xi32, #tpu.memory_space<vmem>> -> memref<128xi32, #tpu.memory_space<vmem>>
    %dma_start3A_97 = arith.constant 0 : i32
    %dma_start3A_98 = arith.constant 0 : i32
    %dma_start3A_99 = tpu.memref_slice %arg7[%dma_start3A_97, %dma_start3A_98] : memref<10000x128xf32, #tpu.memory_space<vmem_shared>> -> memref<10000x128xf32, #tpu.memory_space<vmem_shared>>
    %dma_start3A_100 = tpu.memref_slice %arg12[%dma_start3A_89] : memref<2x!tpu.dma_semaphore, #tpu.memory_space<semaphore_mem>> -> memref<1x!tpu.dma_semaphore, #tpu.memory_space<semaphore_mem>>
    %dma_start3A_101 = tpu.memref_squeeze %dma_start3A_100 : memref<1x!tpu.dma_semaphore, #tpu.memory_space<semaphore_mem>> -> memref<!tpu.dma_semaphore, #tpu.memory_space<semaphore_mem>>
    tpu.enqueue_indirect_dma source(%dma_start3A_93 : memref<128x128xf32, #tpu.memory_space<vmem>>) target(%dma_start3A_99 : memref<10000x128xf32, #tpu.memory_space<vmem_shared>>) offsets(%dma_start3A_96 : memref<128xi32, #tpu.memory_space<vmem>>) semaphore(%dma_start3A_101 : memref<!tpu.dma_semaphore, #tpu.memory_space<semaphore_mem>>) {add = true}
    %dma_wait3A_102 = arith.constant 0 : i32
    %dma_wait3A_103 = arith.constant 38 : i32
    %dma_wait3A_104 = arith.constant 0 : i32
    %dma_wait3A_105 = arith.constant 0 : i32
    %dma_wait3A_106 = arith.constant 0 : i32
    %dma_wait3A_107 = tpu.memref_slice %arg10[%dma_wait3A_102, %dma_wait3A_105, %dma_wait3A_106] : memref<2x128x128xf32, #tpu.memory_space<vmem>> -> memref<1x128x128xf32, #tpu.memory_space<vmem>>
    %dma_wait3A_108 = tpu.memref_squeeze %dma_wait3A_107 : memref<1x128x128xf32, #tpu.memory_space<vmem>> -> memref<128x128xf32, #tpu.memory_space<vmem>>
    %dma_wait3A_109 = arith.constant 0 : i32
    %dma_wait3A_110 = tpu.memref_slice %arg9[%dma_wait3A_103, %dma_wait3A_109] : memref<40x128xi32, #tpu.memory_space<vmem>> -> memref<1x128xi32, #tpu.memory_space<vmem>>
    %dma_wait3A_111 = tpu.memref_squeeze %dma_wait3A_110 : memref<1x128xi32, #tpu.memory_space<vmem>> -> memref<128xi32, #tpu.memory_space<vmem>>
    %dma_wait3A_112 = arith.constant 0 : i32
    %dma_wait3A_113 = arith.constant 0 : i32
    %dma_wait3A_114 = tpu.memref_slice %arg7[%dma_wait3A_112, %dma_wait3A_113] : memref<10000x128xf32, #tpu.memory_space<vmem_shared>> -> memref<10000x128xf32, #tpu.memory_space<vmem_shared>>
    %dma_wait3A_115 = tpu.memref_slice %arg12[%dma_wait3A_104] : memref<2x!tpu.dma_semaphore, #tpu.memory_space<semaphore_mem>> -> memref<1x!tpu.dma_semaphore, #tpu.memory_space<semaphore_mem>>
    %dma_wait3A_116 = tpu.memref_squeeze %dma_wait3A_115 : memref<1x!tpu.dma_semaphore, #tpu.memory_space<semaphore_mem>> -> memref<!tpu.dma_semaphore, #tpu.memory_space<semaphore_mem>>
    tpu.wait_indirect_dma semaphore(%dma_wait3A_116 : memref<!tpu.dma_semaphore, #tpu.memory_space<semaphore_mem>>) src(%dma_wait3A_108 : memref<128x128xf32, #tpu.memory_space<vmem>>) dst(%dma_wait3A_114 : memref<10000x128xf32, #tpu.memory_space<vmem_shared>>)
    %dma_wait3A_117 = arith.constant 1 : i32
    %dma_wait3A_118 = arith.constant 39 : i32
    %dma_wait3A_119 = arith.constant 1 : i32
    %dma_wait3A_120 = arith.constant 0 : i32
    %dma_wait3A_121 = arith.constant 0 : i32
    %dma_wait3A_122 = tpu.memref_slice %arg10[%dma_wait3A_117, %dma_wait3A_120, %dma_wait3A_121] : memref<2x128x128xf32, #tpu.memory_space<vmem>> -> memref<1x128x128xf32, #tpu.memory_space<vmem>>
    %dma_wait3A_123 = tpu.memref_squeeze %dma_wait3A_122 : memref<1x128x128xf32, #tpu.memory_space<vmem>> -> memref<128x128xf32, #tpu.memory_space<vmem>>
    %dma_wait3A_124 = arith.constant 0 : i32
    %dma_wait3A_125 = tpu.memref_slice %arg9[%dma_wait3A_118, %dma_wait3A_124] : memref<40x128xi32, #tpu.memory_space<vmem>> -> memref<1x128xi32, #tpu.memory_space<vmem>>
    %dma_wait3A_126 = tpu.memref_squeeze %dma_wait3A_125 : memref<1x128xi32, #tpu.memory_space<vmem>> -> memref<128xi32, #tpu.memory_space<vmem>>
    %dma_wait3A_127 = arith.constant 0 : i32
    %dma_wait3A_128 = arith.constant 0 : i32
    %dma_wait3A_129 = tpu.memref_slice %arg7[%dma_wait3A_127, %dma_wait3A_128] : memref<10000x128xf32, #tpu.memory_space<vmem_shared>> -> memref<10000x128xf32, #tpu.memory_space<vmem_shared>>
    %dma_wait3A_130 = tpu.memref_slice %arg12[%dma_wait3A_119] : memref<2x!tpu.dma_semaphore, #tpu.memory_space<semaphore_mem>> -> memref<1x!tpu.dma_semaphore, #tpu.memory_space<semaphore_mem>>
    %dma_wait3A_131 = tpu.memref_squeeze %dma_wait3A_130 : memref<1x!tpu.dma_semaphore, #tpu.memory_space<semaphore_mem>> -> memref<!tpu.dma_semaphore, #tpu.memory_space<semaphore_mem>>
    tpu.wait_indirect_dma semaphore(%dma_wait3A_131 : memref<!tpu.dma_semaphore, #tpu.memory_space<semaphore_mem>>) src(%dma_wait3A_123 : memref<128x128xf32, #tpu.memory_space<vmem>>) dst(%dma_wait3A_129 : memref<10000x128xf32, #tpu.memory_space<vmem_shared>>)
    %add3A_132 = arith.constant 40 : i32
    %add3A_133 = arith.addi %mul3A_2, %add3A_132 : i32
    "tpu.region"() ({
      %run_scoped3A = tpu.sem_alloc : memref<!tpu.dma_semaphore, #tpu.memory_space<semaphore_mem>>
      %dma_start3A_273 = arith.constant 0 : i32
      %dma_start3A_274 = tpu.memref_slice %arg2[%add3A_133, %dma_start3A_273] : memref<2560x128xi32, #tpu.memory_space<hbm>> -> memref<40x128xi32, #tpu.memory_space<hbm>>
      %dma_start3A_275 = arith.constant 0 : i32
      %dma_start3A_276 = tpu.memref_slice %arg2[%add3A_133, %dma_start3A_275] : memref<2560x128xi32, #tpu.memory_space<hbm>> -> memref<40x128xi32, #tpu.memory_space<hbm>>
      tpu.enqueue_dma source(%dma_start3A_276 : memref<40x128xi32, #tpu.memory_space<hbm>>) target(%arg8 : memref<40x128xi32, #tpu.memory_space<vmem>>) target_semaphore(%run_scoped3A : memref<!tpu.dma_semaphore, #tpu.memory_space<semaphore_mem>>)
      %dma_wait3A_277 = arith.constant 0 : i32
      %dma_wait3A_278 = tpu.memref_slice %arg2[%add3A_133, %dma_wait3A_277] : memref<2560x128xi32, #tpu.memory_space<hbm>> -> memref<40x128xi32, #tpu.memory_space<hbm>>
      %dma_wait3A_279 = arith.constant 0 : i32
      %dma_wait3A_280 = tpu.memref_slice %arg2[%add3A_133, %dma_wait3A_279] : memref<2560x128xi32, #tpu.memory_space<hbm>> -> memref<40x128xi32, #tpu.memory_space<hbm>>
      tpu.wait_dma2 semaphore(%run_scoped3A : memref<!tpu.dma_semaphore, #tpu.memory_space<semaphore_mem>>) src(%dma_wait3A_280 : memref<40x128xi32, #tpu.memory_space<hbm>>) dst(%arg8 : memref<40x128xi32, #tpu.memory_space<vmem>>)
      tpu.yield
    }) : () -> ()
    %add3A_134 = arith.constant 40 : i32
    %add3A_135 = arith.addi %mul3A_2, %add3A_134 : i32
    "tpu.region"() ({
      %run_scoped3A = tpu.sem_alloc : memref<!tpu.dma_semaphore, #tpu.memory_space<semaphore_mem>>
      %dma_start3A_273 = arith.constant 0 : i32
      %dma_start3A_274 = tpu.memref_slice %arg3[%add3A_135, %dma_start3A_273] : memref<2560x128xi32, #tpu.memory_space<hbm>> -> memref<40x128xi32, #tpu.memory_space<hbm>>
      %dma_start3A_275 = arith.constant 0 : i32
      %dma_start3A_276 = tpu.memref_slice %arg3[%add3A_135, %dma_start3A_275] : memref<2560x128xi32, #tpu.memory_space<hbm>> -> memref<40x128xi32, #tpu.memory_space<hbm>>
      tpu.enqueue_dma source(%dma_start3A_276 : memref<40x128xi32, #tpu.memory_space<hbm>>) target(%arg9 : memref<40x128xi32, #tpu.memory_space<vmem>>) target_semaphore(%run_scoped3A : memref<!tpu.dma_semaphore, #tpu.memory_space<semaphore_mem>>)
      %dma_wait3A_277 = arith.constant 0 : i32
      %dma_wait3A_278 = tpu.memref_slice %arg3[%add3A_135, %dma_wait3A_277] : memref<2560x128xi32, #tpu.memory_space<hbm>> -> memref<40x128xi32, #tpu.memory_space<hbm>>
      %dma_wait3A_279 = arith.constant 0 : i32
      %dma_wait3A_280 = tpu.memref_slice %arg3[%add3A_135, %dma_wait3A_279] : memref<2560x128xi32, #tpu.memory_space<hbm>> -> memref<40x128xi32, #tpu.memory_space<hbm>>
      tpu.wait_dma2 semaphore(%run_scoped3A : memref<!tpu.dma_semaphore, #tpu.memory_space<semaphore_mem>>) src(%dma_wait3A_280 : memref<40x128xi32, #tpu.memory_space<hbm>>) dst(%arg9 : memref<40x128xi32, #tpu.memory_space<vmem>>)
      tpu.yield
    }) : () -> ()
    %dma_start3A_136 = arith.constant 0 : i32
    %dma_start3A_137 = arith.constant 0 : i32
    %dma_start3A_138 = arith.constant 0 : i32
    %dma_start3A_139 = arith.constant 0 : i32
    %dma_start3A_140 = arith.constant 0 : i32
    %dma_start3A_141 = tpu.memref_slice %arg10[%dma_start3A_137, %dma_start3A_139, %dma_start3A_140] : memref<2x128x128xf32, #tpu.memory_space<vmem>> -> memref<1x128x128xf32, #tpu.memory_space<vmem>>
    %dma_start3A_142 = tpu.memref_squeeze %dma_start3A_141 : memref<1x128x128xf32, #tpu.memory_space<vmem>> -> memref<128x128xf32, #tpu.memory_space<vmem>>
    %dma_start3A_143 = arith.constant 0 : i32
    %dma_start3A_144 = tpu.memref_slice %arg8[%dma_start3A_136, %dma_start3A_143] : memref<40x128xi32, #tpu.memory_space<vmem>> -> memref<1x128xi32, #tpu.memory_space<vmem>>
    %dma_start3A_145 = tpu.memref_squeeze %dma_start3A_144 : memref<1x128xi32, #tpu.memory_space<vmem>> -> memref<128xi32, #tpu.memory_space<vmem>>
    %dma_start3A_146 = arith.constant 0 : i32
    %dma_start3A_147 = arith.constant 0 : i32
    %dma_start3A_148 = tpu.memref_slice %arg4[%dma_start3A_146, %dma_start3A_147] : memref<10000x128xf32, #tpu.memory_space<hbm>> -> memref<10000x128xf32, #tpu.memory_space<hbm>>
    %dma_start3A_149 = tpu.memref_slice %arg11[%dma_start3A_138] : memref<2x!tpu.dma_semaphore, #tpu.memory_space<semaphore_mem>> -> memref<1x!tpu.dma_semaphore, #tpu.memory_space<semaphore_mem>>
    %dma_start3A_150 = tpu.memref_squeeze %dma_start3A_149 : memref<1x!tpu.dma_semaphore, #tpu.memory_space<semaphore_mem>> -> memref<!tpu.dma_semaphore, #tpu.memory_space<semaphore_mem>>
    tpu.enqueue_indirect_dma source(%dma_start3A_148 : memref<10000x128xf32, #tpu.memory_space<hbm>>) target(%dma_start3A_142 : memref<128x128xf32, #tpu.memory_space<vmem>>) offsets(%dma_start3A_145 : memref<128xi32, #tpu.memory_space<vmem>>) semaphore(%dma_start3A_150 : memref<!tpu.dma_semaphore, #tpu.memory_space<semaphore_mem>>)
    %dma_wait3A_151 = arith.constant 0 : i32
    %dma_wait3A_152 = arith.constant 0 : i32
    %dma_wait3A_153 = arith.constant 0 : i32
    %dma_wait3A_154 = arith.constant 0 : i32
    %dma_wait3A_155 = arith.constant 0 : i32
    %dma_wait3A_156 = tpu.memref_slice %arg10[%dma_wait3A_152, %dma_wait3A_154, %dma_wait3A_155] : memref<2x128x128xf32, #tpu.memory_space<vmem>> -> memref<1x128x128xf32, #tpu.memory_space<vmem>>
    %dma_wait3A_157 = tpu.memref_squeeze %dma_wait3A_156 : memref<1x128x128xf32, #tpu.memory_space<vmem>> -> memref<128x128xf32, #tpu.memory_space<vmem>>
    %dma_wait3A_158 = arith.constant 0 : i32
    %dma_wait3A_159 = tpu.memref_slice %arg8[%dma_wait3A_151, %dma_wait3A_158] : memref<40x128xi32, #tpu.memory_space<vmem>> -> memref<1x128xi32, #tpu.memory_space<vmem>>
    %dma_wait3A_160 = tpu.memref_squeeze %dma_wait3A_159 : memref<1x128xi32, #tpu.memory_space<vmem>> -> memref<128xi32, #tpu.memory_space<vmem>>
    %dma_wait3A_161 = arith.constant 0 : i32
    %dma_wait3A_162 = arith.constant 0 : i32
    %dma_wait3A_163 = tpu.memref_slice %arg4[%dma_wait3A_161, %dma_wait3A_162] : memref<10000x128xf32, #tpu.memory_space<hbm>> -> memref<10000x128xf32, #tpu.memory_space<hbm>>
    %dma_wait3A_164 = tpu.memref_slice %arg11[%dma_wait3A_153] : memref<2x!tpu.dma_semaphore, #tpu.memory_space<semaphore_mem>> -> memref<1x!tpu.dma_semaphore, #tpu.memory_space<semaphore_mem>>
    %dma_wait3A_165 = tpu.memref_squeeze %dma_wait3A_164 : memref<1x!tpu.dma_semaphore, #tpu.memory_space<semaphore_mem>> -> memref<!tpu.dma_semaphore, #tpu.memory_space<semaphore_mem>>
    tpu.wait_indirect_dma semaphore(%dma_wait3A_165 : memref<!tpu.dma_semaphore, #tpu.memory_space<semaphore_mem>>) src(%dma_wait3A_163 : memref<10000x128xf32, #tpu.memory_space<hbm>>) dst(%dma_wait3A_157 : memref<128x128xf32, #tpu.memory_space<vmem>>)
    %dma_start3A_166 = arith.constant 0 : i32
    %dma_start3A_167 = arith.constant 0 : i32
    %dma_start3A_168 = arith.constant 0 : i32
    %dma_start3A_169 = arith.constant 0 : i32
    %dma_start3A_170 = arith.constant 0 : i32
    %dma_start3A_171 = tpu.memref_slice %arg10[%dma_start3A_166, %dma_start3A_169, %dma_start3A_170] : memref<2x128x128xf32, #tpu.memory_space<vmem>> -> memref<1x128x128xf32, #tpu.memory_space<vmem>>
    %dma_start3A_172 = tpu.memref_squeeze %dma_start3A_171 : memref<1x128x128xf32, #tpu.memory_space<vmem>> -> memref<128x128xf32, #tpu.memory_space<vmem>>
    %dma_start3A_173 = arith.constant 0 : i32
    %dma_start3A_174 = tpu.memref_slice %arg9[%dma_start3A_167, %dma_start3A_173] : memref<40x128xi32, #tpu.memory_space<vmem>> -> memref<1x128xi32, #tpu.memory_space<vmem>>
    %dma_start3A_175 = tpu.memref_squeeze %dma_start3A_174 : memref<1x128xi32, #tpu.memory_space<vmem>> -> memref<128xi32, #tpu.memory_space<vmem>>
    %dma_start3A_176 = arith.constant 0 : i32
    %dma_start3A_177 = arith.constant 0 : i32
    %dma_start3A_178 = tpu.memref_slice %arg7[%dma_start3A_176, %dma_start3A_177] : memref<10000x128xf32, #tpu.memory_space<vmem_shared>> -> memref<10000x128xf32, #tpu.memory_space<vmem_shared>>
    %dma_start3A_179 = tpu.memref_slice %arg12[%dma_start3A_168] : memref<2x!tpu.dma_semaphore, #tpu.memory_space<semaphore_mem>> -> memref<1x!tpu.dma_semaphore, #tpu.memory_space<semaphore_mem>>
    %dma_start3A_180 = tpu.memref_squeeze %dma_start3A_179 : memref<1x!tpu.dma_semaphore, #tpu.memory_space<semaphore_mem>> -> memref<!tpu.dma_semaphore, #tpu.memory_space<semaphore_mem>>
    tpu.enqueue_indirect_dma source(%dma_start3A_172 : memref<128x128xf32, #tpu.memory_space<vmem>>) target(%dma_start3A_178 : memref<10000x128xf32, #tpu.memory_space<vmem_shared>>) offsets(%dma_start3A_175 : memref<128xi32, #tpu.memory_space<vmem>>) semaphore(%dma_start3A_180 : memref<!tpu.dma_semaphore, #tpu.memory_space<semaphore_mem>>) {add = true}
    %dma_start3A_181 = arith.constant 1 : i32
    %dma_start3A_182 = arith.constant 1 : i32
    %dma_start3A_183 = arith.constant 1 : i32
    %dma_start3A_184 = arith.constant 0 : i32
    %dma_start3A_185 = arith.constant 0 : i32
    %dma_start3A_186 = tpu.memref_slice %arg10[%dma_start3A_182, %dma_start3A_184, %dma_start3A_185] : memref<2x128x128xf32, #tpu.memory_space<vmem>> -> memref<1x128x128xf32, #tpu.memory_space<vmem>>
    %dma_start3A_187 = tpu.memref_squeeze %dma_start3A_186 : memref<1x128x128xf32, #tpu.memory_space<vmem>> -> memref<128x128xf32, #tpu.memory_space<vmem>>
    %dma_start3A_188 = arith.constant 0 : i32
    %dma_start3A_189 = tpu.memref_slice %arg8[%dma_start3A_181, %dma_start3A_188] : memref<40x128xi32, #tpu.memory_space<vmem>> -> memref<1x128xi32, #tpu.memory_space<vmem>>
    %dma_start3A_190 = tpu.memref_squeeze %dma_start3A_189 : memref<1x128xi32, #tpu.memory_space<vmem>> -> memref<128xi32, #tpu.memory_space<vmem>>
    %dma_start3A_191 = arith.constant 0 : i32
    %dma_start3A_192 = arith.constant 0 : i32
    %dma_start3A_193 = tpu.memref_slice %arg4[%dma_start3A_191, %dma_start3A_192] : memref<10000x128xf32, #tpu.memory_space<hbm>> -> memref<10000x128xf32, #tpu.memory_space<hbm>>
    %dma_start3A_194 = tpu.memref_slice %arg11[%dma_start3A_183] : memref<2x!tpu.dma_semaphore, #tpu.memory_space<semaphore_mem>> -> memref<1x!tpu.dma_semaphore, #tpu.memory_space<semaphore_mem>>
    %dma_start3A_195 = tpu.memref_squeeze %dma_start3A_194 : memref<1x!tpu.dma_semaphore, #tpu.memory_space<semaphore_mem>> -> memref<!tpu.dma_semaphore, #tpu.memory_space<semaphore_mem>>
    tpu.enqueue_indirect_dma source(%dma_start3A_193 : memref<10000x128xf32, #tpu.memory_space<hbm>>) target(%dma_start3A_187 : memref<128x128xf32, #tpu.memory_space<vmem>>) offsets(%dma_start3A_190 : memref<128xi32, #tpu.memory_space<vmem>>) semaphore(%dma_start3A_195 : memref<!tpu.dma_semaphore, #tpu.memory_space<semaphore_mem>>)
    %scan3A_196 = arith.constant 0 : i32
    %scan3A_197 = arith.constant 0 : i32
    %scan3A_198 = arith.constant 18 : i32
    %scan3A_199 = arith.addi %scan3A_197, %scan3A_198 : i32
    %scan3A_200 = arith.constant 1 : i32
    scf.for %scan3A_273 = %scan3A_197 to %scan3A_199 step %scan3A_200  : i32 {
      %mul3A_274 = arith.constant 2 : i32
      %mul3A_275 = arith.muli %mul3A_274, %scan3A_273 : i32
      %add3A_276 = arith.constant 1 : i32
      %add3A_277 = arith.addi %mul3A_275, %add3A_276 : i32
      %dma_wait3A_278 = arith.constant 1 : i32
      %dma_wait3A_279 = arith.constant 1 : i32
      %dma_wait3A_280 = arith.constant 0 : i32
      %dma_wait3A_281 = arith.constant 0 : i32
      %dma_wait3A_282 = tpu.memref_slice %arg10[%dma_wait3A_278, %dma_wait3A_280, %dma_wait3A_281] : memref<2x128x128xf32, #tpu.memory_space<vmem>> -> memref<1x128x128xf32, #tpu.memory_space<vmem>>
      %dma_wait3A_283 = tpu.memref_squeeze %dma_wait3A_282 : memref<1x128x128xf32, #tpu.memory_space<vmem>> -> memref<128x128xf32, #tpu.memory_space<vmem>>
      %dma_wait3A_284 = arith.constant 0 : i32
      %dma_wait3A_285 = tpu.memref_slice %arg8[%add3A_277, %dma_wait3A_284] : memref<40x128xi32, #tpu.memory_space<vmem>> -> memref<1x128xi32, #tpu.memory_space<vmem>>
      %dma_wait3A_286 = tpu.memref_squeeze %dma_wait3A_285 : memref<1x128xi32, #tpu.memory_space<vmem>> -> memref<128xi32, #tpu.memory_space<vmem>>
      %dma_wait3A_287 = arith.constant 0 : i32
      %dma_wait3A_288 = arith.constant 0 : i32
      %dma_wait3A_289 = tpu.memref_slice %arg4[%dma_wait3A_287, %dma_wait3A_288] : memref<10000x128xf32, #tpu.memory_space<hbm>> -> memref<10000x128xf32, #tpu.memory_space<hbm>>
      %dma_wait3A_290 = tpu.memref_slice %arg11[%dma_wait3A_279] : memref<2x!tpu.dma_semaphore, #tpu.memory_space<semaphore_mem>> -> memref<1x!tpu.dma_semaphore, #tpu.memory_space<semaphore_mem>>
      %dma_wait3A_291 = tpu.memref_squeeze %dma_wait3A_290 : memref<1x!tpu.dma_semaphore, #tpu.memory_space<semaphore_mem>> -> memref<!tpu.dma_semaphore, #tpu.memory_space<semaphore_mem>>
      tpu.wait_indirect_dma semaphore(%dma_wait3A_291 : memref<!tpu.dma_semaphore, #tpu.memory_space<semaphore_mem>>) src(%dma_wait3A_289 : memref<10000x128xf32, #tpu.memory_space<hbm>>) dst(%dma_wait3A_283 : memref<128x128xf32, #tpu.memory_space<vmem>>)
      %dma_start3A_292 = arith.constant 1 : i32
      %dma_start3A_293 = arith.constant 1 : i32
      %dma_start3A_294 = arith.constant 0 : i32
      %dma_start3A_295 = arith.constant 0 : i32
      %dma_start3A_296 = tpu.memref_slice %arg10[%dma_start3A_292, %dma_start3A_294, %dma_start3A_295] : memref<2x128x128xf32, #tpu.memory_space<vmem>> -> memref<1x128x128xf32, #tpu.memory_space<vmem>>
      %dma_start3A_297 = tpu.memref_squeeze %dma_start3A_296 : memref<1x128x128xf32, #tpu.memory_space<vmem>> -> memref<128x128xf32, #tpu.memory_space<vmem>>
      %dma_start3A_298 = arith.constant 0 : i32
      %dma_start3A_299 = tpu.memref_slice %arg9[%add3A_277, %dma_start3A_298] : memref<40x128xi32, #tpu.memory_space<vmem>> -> memref<1x128xi32, #tpu.memory_space<vmem>>
      %dma_start3A_300 = tpu.memref_squeeze %dma_start3A_299 : memref<1x128xi32, #tpu.memory_space<vmem>> -> memref<128xi32, #tpu.memory_space<vmem>>
      %dma_start3A_301 = arith.constant 0 : i32
      %dma_start3A_302 = arith.constant 0 : i32
      %dma_start3A_303 = tpu.memref_slice %arg7[%dma_start3A_301, %dma_start3A_302] : memref<10000x128xf32, #tpu.memory_space<vmem_shared>> -> memref<10000x128xf32, #tpu.memory_space<vmem_shared>>
      %dma_start3A_304 = tpu.memref_slice %arg12[%dma_start3A_293] : memref<2x!tpu.dma_semaphore, #tpu.memory_space<semaphore_mem>> -> memref<1x!tpu.dma_semaphore, #tpu.memory_space<semaphore_mem>>
      %dma_start3A_305 = tpu.memref_squeeze %dma_start3A_304 : memref<1x!tpu.dma_semaphore, #tpu.memory_space<semaphore_mem>> -> memref<!tpu.dma_semaphore, #tpu.memory_space<semaphore_mem>>
      tpu.enqueue_indirect_dma source(%dma_start3A_297 : memref<128x128xf32, #tpu.memory_space<vmem>>) target(%dma_start3A_303 : memref<10000x128xf32, #tpu.memory_space<vmem_shared>>) offsets(%dma_start3A_300 : memref<128xi32, #tpu.memory_space<vmem>>) semaphore(%dma_start3A_305 : memref<!tpu.dma_semaphore, #tpu.memory_space<semaphore_mem>>) {add = true}
      %sub3A = arith.constant 1 : i32
      %sub3A_306 = arith.subi %add3A_277, %sub3A : i32
      %dma_wait3A_307 = arith.constant 0 : i32
      %dma_wait3A_308 = arith.constant 0 : i32
      %dma_wait3A_309 = arith.constant 0 : i32
      %dma_wait3A_310 = arith.constant 0 : i32
      %dma_wait3A_311 = tpu.memref_slice %arg10[%dma_wait3A_307, %dma_wait3A_309, %dma_wait3A_310] : memref<2x128x128xf32, #tpu.memory_space<vmem>> -> memref<1x128x128xf32, #tpu.memory_space<vmem>>
      %dma_wait3A_312 = tpu.memref_squeeze %dma_wait3A_311 : memref<1x128x128xf32, #tpu.memory_space<vmem>> -> memref<128x128xf32, #tpu.memory_space<vmem>>
      %dma_wait3A_313 = arith.constant 0 : i32
      %dma_wait3A_314 = tpu.memref_slice %arg9[%sub3A_306, %dma_wait3A_313] : memref<40x128xi32, #tpu.memory_space<vmem>> -> memref<1x128xi32, #tpu.memory_space<vmem>>
      %dma_wait3A_315 = tpu.memref_squeeze %dma_wait3A_314 : memref<1x128xi32, #tpu.memory_space<vmem>> -> memref<128xi32, #tpu.memory_space<vmem>>
      %dma_wait3A_316 = arith.constant 0 : i32
      %dma_wait3A_317 = arith.constant 0 : i32
      %dma_wait3A_318 = tpu.memref_slice %arg7[%dma_wait3A_316, %dma_wait3A_317] : memref<10000x128xf32, #tpu.memory_space<vmem_shared>> -> memref<10000x128xf32, #tpu.memory_space<vmem_shared>>
      %dma_wait3A_319 = tpu.memref_slice %arg12[%dma_wait3A_308] : memref<2x!tpu.dma_semaphore, #tpu.memory_space<semaphore_mem>> -> memref<1x!tpu.dma_semaphore, #tpu.memory_space<semaphore_mem>>
      %dma_wait3A_320 = tpu.memref_squeeze %dma_wait3A_319 : memref<1x!tpu.dma_semaphore, #tpu.memory_space<semaphore_mem>> -> memref<!tpu.dma_semaphore, #tpu.memory_space<semaphore_mem>>
      tpu.wait_indirect_dma semaphore(%dma_wait3A_320 : memref<!tpu.dma_semaphore, #tpu.memory_space<semaphore_mem>>) src(%dma_wait3A_312 : memref<128x128xf32, #tpu.memory_space<vmem>>) dst(%dma_wait3A_318 : memref<10000x128xf32, #tpu.memory_space<vmem_shared>>)
      %add3A_321 = arith.constant 1 : i32
      %add3A_322 = arith.addi %add3A_277, %add3A_321 : i32
      %dma_start3A_323 = arith.constant 0 : i32
      %dma_start3A_324 = arith.constant 0 : i32
      %dma_start3A_325 = arith.constant 0 : i32
      %dma_start3A_326 = arith.constant 0 : i32
      %dma_start3A_327 = tpu.memref_slice %arg10[%dma_start3A_323, %dma_start3A_325, %dma_start3A_326] : memref<2x128x128xf32, #tpu.memory_space<vmem>> -> memref<1x128x128xf32, #tpu.memory_space<vmem>>
      %dma_start3A_328 = tpu.memref_squeeze %dma_start3A_327 : memref<1x128x128xf32, #tpu.memory_space<vmem>> -> memref<128x128xf32, #tpu.memory_space<vmem>>
      %dma_start3A_329 = arith.constant 0 : i32
      %dma_start3A_330 = tpu.memref_slice %arg8[%add3A_322, %dma_start3A_329] : memref<40x128xi32, #tpu.memory_space<vmem>> -> memref<1x128xi32, #tpu.memory_space<vmem>>
      %dma_start3A_331 = tpu.memref_squeeze %dma_start3A_330 : memref<1x128xi32, #tpu.memory_space<vmem>> -> memref<128xi32, #tpu.memory_space<vmem>>
      %dma_start3A_332 = arith.constant 0 : i32
      %dma_start3A_333 = arith.constant 0 : i32
      %dma_start3A_334 = tpu.memref_slice %arg4[%dma_start3A_332, %dma_start3A_333] : memref<10000x128xf32, #tpu.memory_space<hbm>> -> memref<10000x128xf32, #tpu.memory_space<hbm>>
      %dma_start3A_335 = tpu.memref_slice %arg11[%dma_start3A_324] : memref<2x!tpu.dma_semaphore, #tpu.memory_space<semaphore_mem>> -> memref<1x!tpu.dma_semaphore, #tpu.memory_space<semaphore_mem>>
      %dma_start3A_336 = tpu.memref_squeeze %dma_start3A_335 : memref<1x!tpu.dma_semaphore, #tpu.memory_space<semaphore_mem>> -> memref<!tpu.dma_semaphore, #tpu.memory_space<semaphore_mem>>
      tpu.enqueue_indirect_dma source(%dma_start3A_334 : memref<10000x128xf32, #tpu.memory_space<hbm>>) target(%dma_start3A_328 : memref<128x128xf32, #tpu.memory_space<vmem>>) offsets(%dma_start3A_331 : memref<128xi32, #tpu.memory_space<vmem>>) semaphore(%dma_start3A_336 : memref<!tpu.dma_semaphore, #tpu.memory_space<semaphore_mem>>)
      %add3A_337 = arith.constant 1 : i32
      %add3A_338 = arith.addi %add3A_277, %add3A_337 : i32
      %dma_wait3A_339 = arith.constant 0 : i32
      %dma_wait3A_340 = arith.constant 0 : i32
      %dma_wait3A_341 = arith.constant 0 : i32
      %dma_wait3A_342 = arith.constant 0 : i32
      %dma_wait3A_343 = tpu.memref_slice %arg10[%dma_wait3A_339, %dma_wait3A_341, %dma_wait3A_342] : memref<2x128x128xf32, #tpu.memory_space<vmem>> -> memref<1x128x128xf32, #tpu.memory_space<vmem>>
      %dma_wait3A_344 = tpu.memref_squeeze %dma_wait3A_343 : memref<1x128x128xf32, #tpu.memory_space<vmem>> -> memref<128x128xf32, #tpu.memory_space<vmem>>
      %dma_wait3A_345 = arith.constant 0 : i32
      %dma_wait3A_346 = tpu.memref_slice %arg8[%add3A_338, %dma_wait3A_345] : memref<40x128xi32, #tpu.memory_space<vmem>> -> memref<1x128xi32, #tpu.memory_space<vmem>>
      %dma_wait3A_347 = tpu.memref_squeeze %dma_wait3A_346 : memref<1x128xi32, #tpu.memory_space<vmem>> -> memref<128xi32, #tpu.memory_space<vmem>>
      %dma_wait3A_348 = arith.constant 0 : i32
      %dma_wait3A_349 = arith.constant 0 : i32
      %dma_wait3A_350 = tpu.memref_slice %arg4[%dma_wait3A_348, %dma_wait3A_349] : memref<10000x128xf32, #tpu.memory_space<hbm>> -> memref<10000x128xf32, #tpu.memory_space<hbm>>
      %dma_wait3A_351 = tpu.memref_slice %arg11[%dma_wait3A_340] : memref<2x!tpu.dma_semaphore, #tpu.memory_space<semaphore_mem>> -> memref<1x!tpu.dma_semaphore, #tpu.memory_space<semaphore_mem>>
      %dma_wait3A_352 = tpu.memref_squeeze %dma_wait3A_351 : memref<1x!tpu.dma_semaphore, #tpu.memory_space<semaphore_mem>> -> memref<!tpu.dma_semaphore, #tpu.memory_space<semaphore_mem>>
      tpu.wait_indirect_dma semaphore(%dma_wait3A_352 : memref<!tpu.dma_semaphore, #tpu.memory_space<semaphore_mem>>) src(%dma_wait3A_350 : memref<10000x128xf32, #tpu.memory_space<hbm>>) dst(%dma_wait3A_344 : memref<128x128xf32, #tpu.memory_space<vmem>>)
      %add3A_353 = arith.constant 1 : i32
      %add3A_354 = arith.addi %add3A_277, %add3A_353 : i32
      %dma_start3A_355 = arith.constant 0 : i32
      %dma_start3A_356 = arith.constant 0 : i32
      %dma_start3A_357 = arith.constant 0 : i32
      %dma_start3A_358 = arith.constant 0 : i32
      %dma_start3A_359 = tpu.memref_slice %arg10[%dma_start3A_355, %dma_start3A_357, %dma_start3A_358] : memref<2x128x128xf32, #tpu.memory_space<vmem>> -> memref<1x128x128xf32, #tpu.memory_space<vmem>>
      %dma_start3A_360 = tpu.memref_squeeze %dma_start3A_359 : memref<1x128x128xf32, #tpu.memory_space<vmem>> -> memref<128x128xf32, #tpu.memory_space<vmem>>
      %dma_start3A_361 = arith.constant 0 : i32
      %dma_start3A_362 = tpu.memref_slice %arg9[%add3A_354, %dma_start3A_361] : memref<40x128xi32, #tpu.memory_space<vmem>> -> memref<1x128xi32, #tpu.memory_space<vmem>>
      %dma_start3A_363 = tpu.memref_squeeze %dma_start3A_362 : memref<1x128xi32, #tpu.memory_space<vmem>> -> memref<128xi32, #tpu.memory_space<vmem>>
      %dma_start3A_364 = arith.constant 0 : i32
      %dma_start3A_365 = arith.constant 0 : i32
      %dma_start3A_366 = tpu.memref_slice %arg7[%dma_start3A_364, %dma_start3A_365] : memref<10000x128xf32, #tpu.memory_space<vmem_shared>> -> memref<10000x128xf32, #tpu.memory_space<vmem_shared>>
      %dma_start3A_367 = tpu.memref_slice %arg12[%dma_start3A_356] : memref<2x!tpu.dma_semaphore, #tpu.memory_space<semaphore_mem>> -> memref<1x!tpu.dma_semaphore, #tpu.memory_space<semaphore_mem>>
      %dma_start3A_368 = tpu.memref_squeeze %dma_start3A_367 : memref<1x!tpu.dma_semaphore, #tpu.memory_space<semaphore_mem>> -> memref<!tpu.dma_semaphore, #tpu.memory_space<semaphore_mem>>
      tpu.enqueue_indirect_dma source(%dma_start3A_360 : memref<128x128xf32, #tpu.memory_space<vmem>>) target(%dma_start3A_366 : memref<10000x128xf32, #tpu.memory_space<vmem_shared>>) offsets(%dma_start3A_363 : memref<128xi32, #tpu.memory_space<vmem>>) semaphore(%dma_start3A_368 : memref<!tpu.dma_semaphore, #tpu.memory_space<semaphore_mem>>) {add = true}
      %dma_wait3A_369 = arith.constant 1 : i32
      %dma_wait3A_370 = arith.constant 1 : i32
      %dma_wait3A_371 = arith.constant 0 : i32
      %dma_wait3A_372 = arith.constant 0 : i32
      %dma_wait3A_373 = tpu.memref_slice %arg10[%dma_wait3A_369, %dma_wait3A_371, %dma_wait3A_372] : memref<2x128x128xf32, #tpu.memory_space<vmem>> -> memref<1x128x128xf32, #tpu.memory_space<vmem>>
      %dma_wait3A_374 = tpu.memref_squeeze %dma_wait3A_373 : memref<1x128x128xf32, #tpu.memory_space<vmem>> -> memref<128x128xf32, #tpu.memory_space<vmem>>
      %dma_wait3A_375 = arith.constant 0 : i32
      %dma_wait3A_376 = tpu.memref_slice %arg9[%add3A_277, %dma_wait3A_375] : memref<40x128xi32, #tpu.memory_space<vmem>> -> memref<1x128xi32, #tpu.memory_space<vmem>>
      %dma_wait3A_377 = tpu.memref_squeeze %dma_wait3A_376 : memref<1x128xi32, #tpu.memory_space<vmem>> -> memref<128xi32, #tpu.memory_space<vmem>>
      %dma_wait3A_378 = arith.constant 0 : i32
      %dma_wait3A_379 = arith.constant 0 : i32
      %dma_wait3A_380 = tpu.memref_slice %arg7[%dma_wait3A_378, %dma_wait3A_379] : memref<10000x128xf32, #tpu.memory_space<vmem_shared>> -> memref<10000x128xf32, #tpu.memory_space<vmem_shared>>
      %dma_wait3A_381 = tpu.memref_slice %arg12[%dma_wait3A_370] : memref<2x!tpu.dma_semaphore, #tpu.memory_space<semaphore_mem>> -> memref<1x!tpu.dma_semaphore, #tpu.memory_space<semaphore_mem>>
      %dma_wait3A_382 = tpu.memref_squeeze %dma_wait3A_381 : memref<1x!tpu.dma_semaphore, #tpu.memory_space<semaphore_mem>> -> memref<!tpu.dma_semaphore, #tpu.memory_space<semaphore_mem>>
      tpu.wait_indirect_dma semaphore(%dma_wait3A_382 : memref<!tpu.dma_semaphore, #tpu.memory_space<semaphore_mem>>) src(%dma_wait3A_374 : memref<128x128xf32, #tpu.memory_space<vmem>>) dst(%dma_wait3A_380 : memref<10000x128xf32, #tpu.memory_space<vmem_shared>>)
      %add3A_383 = arith.constant 2 : i32
      %add3A_384 = arith.addi %add3A_277, %add3A_383 : i32
      %dma_start3A_385 = arith.constant 1 : i32
      %dma_start3A_386 = arith.constant 1 : i32
      %dma_start3A_387 = arith.constant 0 : i32
      %dma_start3A_388 = arith.constant 0 : i32
      %dma_start3A_389 = tpu.memref_slice %arg10[%dma_start3A_385, %dma_start3A_387, %dma_start3A_388] : memref<2x128x128xf32, #tpu.memory_space<vmem>> -> memref<1x128x128xf32, #tpu.memory_space<vmem>>
      %dma_start3A_390 = tpu.memref_squeeze %dma_start3A_389 : memref<1x128x128xf32, #tpu.memory_space<vmem>> -> memref<128x128xf32, #tpu.memory_space<vmem>>
      %dma_start3A_391 = arith.constant 0 : i32
      %dma_start3A_392 = tpu.memref_slice %arg8[%add3A_384, %dma_start3A_391] : memref<40x128xi32, #tpu.memory_space<vmem>> -> memref<1x128xi32, #tpu.memory_space<vmem>>
      %dma_start3A_393 = tpu.memref_squeeze %dma_start3A_392 : memref<1x128xi32, #tpu.memory_space<vmem>> -> memref<128xi32, #tpu.memory_space<vmem>>
      %dma_start3A_394 = arith.constant 0 : i32
      %dma_start3A_395 = arith.constant 0 : i32
      %dma_start3A_396 = tpu.memref_slice %arg4[%dma_start3A_394, %dma_start3A_395] : memref<10000x128xf32, #tpu.memory_space<hbm>> -> memref<10000x128xf32, #tpu.memory_space<hbm>>
      %dma_start3A_397 = tpu.memref_slice %arg11[%dma_start3A_386] : memref<2x!tpu.dma_semaphore, #tpu.memory_space<semaphore_mem>> -> memref<1x!tpu.dma_semaphore, #tpu.memory_space<semaphore_mem>>
      %dma_start3A_398 = tpu.memref_squeeze %dma_start3A_397 : memref<1x!tpu.dma_semaphore, #tpu.memory_space<semaphore_mem>> -> memref<!tpu.dma_semaphore, #tpu.memory_space<semaphore_mem>>
      tpu.enqueue_indirect_dma source(%dma_start3A_396 : memref<10000x128xf32, #tpu.memory_space<hbm>>) target(%dma_start3A_390 : memref<128x128xf32, #tpu.memory_space<vmem>>) offsets(%dma_start3A_393 : memref<128xi32, #tpu.memory_space<vmem>>) semaphore(%dma_start3A_398 : memref<!tpu.dma_semaphore, #tpu.memory_space<semaphore_mem>>)
    }
    %scan3A_201 = arith.constant 18 : i32
    %dma_wait3A_202 = arith.constant 37 : i32
    %dma_wait3A_203 = arith.constant 1 : i32
    %dma_wait3A_204 = arith.constant 1 : i32
    %dma_wait3A_205 = arith.constant 0 : i32
    %dma_wait3A_206 = arith.constant 0 : i32
    %dma_wait3A_207 = tpu.memref_slice %arg10[%dma_wait3A_203, %dma_wait3A_205, %dma_wait3A_206] : memref<2x128x128xf32, #tpu.memory_space<vmem>> -> memref<1x128x128xf32, #tpu.memory_space<vmem>>
    %dma_wait3A_208 = tpu.memref_squeeze %dma_wait3A_207 : memref<1x128x128xf32, #tpu.memory_space<vmem>> -> memref<128x128xf32, #tpu.memory_space<vmem>>
    %dma_wait3A_209 = arith.constant 0 : i32
    %dma_wait3A_210 = tpu.memref_slice %arg8[%dma_wait3A_202, %dma_wait3A_209] : memref<40x128xi32, #tpu.memory_space<vmem>> -> memref<1x128xi32, #tpu.memory_space<vmem>>
    %dma_wait3A_211 = tpu.memref_squeeze %dma_wait3A_210 : memref<1x128xi32, #tpu.memory_space<vmem>> -> memref<128xi32, #tpu.memory_space<vmem>>
    %dma_wait3A_212 = arith.constant 0 : i32
    %dma_wait3A_213 = arith.constant 0 : i32
    %dma_wait3A_214 = tpu.memref_slice %arg4[%dma_wait3A_212, %dma_wait3A_213] : memref<10000x128xf32, #tpu.memory_space<hbm>> -> memref<10000x128xf32, #tpu.memory_space<hbm>>
    %dma_wait3A_215 = tpu.memref_slice %arg11[%dma_wait3A_204] : memref<2x!tpu.dma_semaphore, #tpu.memory_space<semaphore_mem>> -> memref<1x!tpu.dma_semaphore, #tpu.memory_space<semaphore_mem>>
    %dma_wait3A_216 = tpu.memref_squeeze %dma_wait3A_215 : memref<1x!tpu.dma_semaphore, #tpu.memory_space<semaphore_mem>> -> memref<!tpu.dma_semaphore, #tpu.memory_space<semaphore_mem>>
    tpu.wait_indirect_dma semaphore(%dma_wait3A_216 : memref<!tpu.dma_semaphore, #tpu.memory_space<semaphore_mem>>) src(%dma_wait3A_214 : memref<10000x128xf32, #tpu.memory_space<hbm>>) dst(%dma_wait3A_208 : memref<128x128xf32, #tpu.memory_space<vmem>>)
    %dma_start3A_217 = arith.constant 1 : i32
    %dma_start3A_218 = arith.constant 37 : i32
    %dma_start3A_219 = arith.constant 1 : i32
    %dma_start3A_220 = arith.constant 0 : i32
    %dma_start3A_221 = arith.constant 0 : i32
    %dma_start3A_222 = tpu.memref_slice %arg10[%dma_start3A_217, %dma_start3A_220, %dma_start3A_221] : memref<2x128x128xf32, #tpu.memory_space<vmem>> -> memref<1x128x128xf32, #tpu.memory_space<vmem>>
    %dma_start3A_223 = tpu.memref_squeeze %dma_start3A_222 : memref<1x128x128xf32, #tpu.memory_space<vmem>> -> memref<128x128xf32, #tpu.memory_space<vmem>>
    %dma_start3A_224 = arith.constant 0 : i32
    %dma_start3A_225 = tpu.memref_slice %arg9[%dma_start3A_218, %dma_start3A_224] : memref<40x128xi32, #tpu.memory_space<vmem>> -> memref<1x128xi32, #tpu.memory_space<vmem>>
    %dma_start3A_226 = tpu.memref_squeeze %dma_start3A_225 : memref<1x128xi32, #tpu.memory_space<vmem>> -> memref<128xi32, #tpu.memory_space<vmem>>
    %dma_start3A_227 = arith.constant 0 : i32
    %dma_start3A_228 = arith.constant 0 : i32
    %dma_start3A_229 = tpu.memref_slice %arg7[%dma_start3A_227, %dma_start3A_228] : memref<10000x128xf32, #tpu.memory_space<vmem_shared>> -> memref<10000x128xf32, #tpu.memory_space<vmem_shared>>
    %dma_start3A_230 = tpu.memref_slice %arg12[%dma_start3A_219] : memref<2x!tpu.dma_semaphore, #tpu.memory_space<semaphore_mem>> -> memref<1x!tpu.dma_semaphore, #tpu.memory_space<semaphore_mem>>
    %dma_start3A_231 = tpu.memref_squeeze %dma_start3A_230 : memref<1x!tpu.dma_semaphore, #tpu.memory_space<semaphore_mem>> -> memref<!tpu.dma_semaphore, #tpu.memory_space<semaphore_mem>>
    tpu.enqueue_indirect_dma source(%dma_start3A_223 : memref<128x128xf32, #tpu.memory_space<vmem>>) target(%dma_start3A_229 : memref<10000x128xf32, #tpu.memory_space<vmem_shared>>) offsets(%dma_start3A_226 : memref<128xi32, #tpu.memory_space<vmem>>) semaphore(%dma_start3A_231 : memref<!tpu.dma_semaphore, #tpu.memory_space<semaphore_mem>>) {add = true}
    %dma_wait3A_232 = arith.constant 0 : i32
    %dma_wait3A_233 = arith.constant 36 : i32
    %dma_wait3A_234 = arith.constant 0 : i32
    %dma_wait3A_235 = arith.constant 0 : i32
    %dma_wait3A_236 = arith.constant 0 : i32
    %dma_wait3A_237 = tpu.memref_slice %arg10[%dma_wait3A_232, %dma_wait3A_235, %dma_wait3A_236] : memref<2x128x128xf32, #tpu.memory_space<vmem>> -> memref<1x128x128xf32, #tpu.memory_space<vmem>>
    %dma_wait3A_238 = tpu.memref_squeeze %dma_wait3A_237 : memref<1x128x128xf32, #tpu.memory_space<vmem>> -> memref<128x128xf32, #tpu.memory_space<vmem>>
    %dma_wait3A_239 = arith.constant 0 : i32
    %dma_wait3A_240 = tpu.memref_slice %arg9[%dma_wait3A_233, %dma_wait3A_239] : memref<40x128xi32, #tpu.memory_space<vmem>> -> memref<1x128xi32, #tpu.memory_space<vmem>>
    %dma_wait3A_241 = tpu.memref_squeeze %dma_wait3A_240 : memref<1x128xi32, #tpu.memory_space<vmem>> -> memref<128xi32, #tpu.memory_space<vmem>>
    %dma_wait3A_242 = arith.constant 0 : i32
    %dma_wait3A_243 = arith.constant 0 : i32
    %dma_wait3A_244 = tpu.memref_slice %arg7[%dma_wait3A_242, %dma_wait3A_243] : memref<10000x128xf32, #tpu.memory_space<vmem_shared>> -> memref<10000x128xf32, #tpu.memory_space<vmem_shared>>
    %dma_wait3A_245 = tpu.memref_slice %arg12[%dma_wait3A_234] : memref<2x!tpu.dma_semaphore, #tpu.memory_space<semaphore_mem>> -> memref<1x!tpu.dma_semaphore, #tpu.memory_space<semaphore_mem>>
    %dma_wait3A_246 = tpu.memref_squeeze %dma_wait3A_245 : memref<1x!tpu.dma_semaphore, #tpu.memory_space<semaphore_mem>> -> memref<!tpu.dma_semaphore, #tpu.memory_space<semaphore_mem>>
    tpu.wait_indirect_dma semaphore(%dma_wait3A_246 : memref<!tpu.dma_semaphore, #tpu.memory_space<semaphore_mem>>) src(%dma_wait3A_238 : memref<128x128xf32, #tpu.memory_space<vmem>>) dst(%dma_wait3A_244 : memref<10000x128xf32, #tpu.memory_space<vmem_shared>>)
    %dma_wait3A_247 = arith.constant 1 : i32
    %dma_wait3A_248 = arith.constant 37 : i32
    %dma_wait3A_249 = arith.constant 1 : i32
    %dma_wait3A_250 = arith.constant 0 : i32
    %dma_wait3A_251 = arith.constant 0 : i32
    %dma_wait3A_252 = tpu.memref_slice %arg10[%dma_wait3A_247, %dma_wait3A_250, %dma_wait3A_251] : memref<2x128x128xf32, #tpu.memory_space<vmem>> -> memref<1x128x128xf32, #tpu.memory_space<vmem>>
    %dma_wait3A_253 = tpu.memref_squeeze %dma_wait3A_252 : memref<1x128x128xf32, #tpu.memory_space<vmem>> -> memref<128x128xf32, #tpu.memory_space<vmem>>
    %dma_wait3A_254 = arith.constant 0 : i32
    %dma_wait3A_255 = tpu.memref_slice %arg9[%dma_wait3A_248, %dma_wait3A_254] : memref<40x128xi32, #tpu.memory_space<vmem>> -> memref<1x128xi32, #tpu.memory_space<vmem>>
    %dma_wait3A_256 = tpu.memref_squeeze %dma_wait3A_255 : memref<1x128xi32, #tpu.memory_space<vmem>> -> memref<128xi32, #tpu.memory_space<vmem>>
    %dma_wait3A_257 = arith.constant 0 : i32
    %dma_wait3A_258 = arith.constant 0 : i32
    %dma_wait3A_259 = tpu.memref_slice %arg7[%dma_wait3A_257, %dma_wait3A_258] : memref<10000x128xf32, #tpu.memory_space<vmem_shared>> -> memref<10000x128xf32, #tpu.memory_space<vmem_shared>>
    %dma_wait3A_260 = tpu.memref_slice %arg12[%dma_wait3A_249] : memref<2x!tpu.dma_semaphore, #tpu.memory_space<semaphore_mem>> -> memref<1x!tpu.dma_semaphore, #tpu.memory_space<semaphore_mem>>
    %dma_wait3A_261 = tpu.memref_squeeze %dma_wait3A_260 : memref<1x!tpu.dma_semaphore, #tpu.memory_space<semaphore_mem>> -> memref<!tpu.dma_semaphore, #tpu.memory_space<semaphore_mem>>
    tpu.wait_indirect_dma semaphore(%dma_wait3A_261 : memref<!tpu.dma_semaphore, #tpu.memory_space<semaphore_mem>>) src(%dma_wait3A_253 : memref<128x128xf32, #tpu.memory_space<vmem>>) dst(%dma_wait3A_259 : memref<10000x128xf32, #tpu.memory_space<vmem_shared>>)
    %lt3A_262 = arith.constant 4 : i32
    %lt3A_263 = arith.cmpi slt, %add3A, %lt3A_262 : i32
    %convert_element_type3A_264 = arith.extui %lt3A_263 : i1 to i32
    %cond3A_265 = arith.constant 0 : i32
    %cond3A_266 = arith.cmpi ne, %convert_element_type3A_264, %cond3A_265 : i32
    scf.if %cond3A_266 {
      %dma_start3A_273 = arith.constant 38 : i32
      %dma_start3A_274 = arith.constant 0 : i32
      %dma_start3A_275 = arith.constant 0 : i32
      %dma_start3A_276 = arith.constant 0 : i32
      %dma_start3A_277 = arith.constant 0 : i32
      %dma_start3A_278 = tpu.memref_slice %arg10[%dma_start3A_274, %dma_start3A_276, %dma_start3A_277] : memref<2x128x128xf32, #tpu.memory_space<vmem>> -> memref<1x128x128xf32, #tpu.memory_space<vmem>>
      %dma_start3A_279 = tpu.memref_squeeze %dma_start3A_278 : memref<1x128x128xf32, #tpu.memory_space<vmem>> -> memref<128x128xf32, #tpu.memory_space<vmem>>
      %dma_start3A_280 = arith.constant 0 : i32
      %dma_start3A_281 = tpu.memref_slice %arg8[%dma_start3A_273, %dma_start3A_280] : memref<40x128xi32, #tpu.memory_space<vmem>> -> memref<1x128xi32, #tpu.memory_space<vmem>>
      %dma_start3A_282 = tpu.memref_squeeze %dma_start3A_281 : memref<1x128xi32, #tpu.memory_space<vmem>> -> memref<128xi32, #tpu.memory_space<vmem>>
      %dma_start3A_283 = arith.constant 0 : i32
      %dma_start3A_284 = arith.constant 0 : i32
      %dma_start3A_285 = tpu.memref_slice %arg4[%dma_start3A_283, %dma_start3A_284] : memref<10000x128xf32, #tpu.memory_space<hbm>> -> memref<10000x128xf32, #tpu.memory_space<hbm>>
      %dma_start3A_286 = tpu.memref_slice %arg11[%dma_start3A_275] : memref<2x!tpu.dma_semaphore, #tpu.memory_space<semaphore_mem>> -> memref<1x!tpu.dma_semaphore, #tpu.memory_space<semaphore_mem>>
      %dma_start3A_287 = tpu.memref_squeeze %dma_start3A_286 : memref<1x!tpu.dma_semaphore, #tpu.memory_space<semaphore_mem>> -> memref<!tpu.dma_semaphore, #tpu.memory_space<semaphore_mem>>
      tpu.enqueue_indirect_dma source(%dma_start3A_285 : memref<10000x128xf32, #tpu.memory_space<hbm>>) target(%dma_start3A_279 : memref<128x128xf32, #tpu.memory_space<vmem>>) offsets(%dma_start3A_282 : memref<128xi32, #tpu.memory_space<vmem>>) semaphore(%dma_start3A_287 : memref<!tpu.dma_semaphore, #tpu.memory_space<semaphore_mem>>)
      %dma_wait3A_288 = arith.constant 38 : i32
      %dma_wait3A_289 = arith.constant 0 : i32
      %dma_wait3A_290 = arith.constant 0 : i32
      %dma_wait3A_291 = arith.constant 0 : i32
      %dma_wait3A_292 = arith.constant 0 : i32
      %dma_wait3A_293 = tpu.memref_slice %arg10[%dma_wait3A_289, %dma_wait3A_291, %dma_wait3A_292] : memref<2x128x128xf32, #tpu.memory_space<vmem>> -> memref<1x128x128xf32, #tpu.memory_space<vmem>>
      %dma_wait3A_294 = tpu.memref_squeeze %dma_wait3A_293 : memref<1x128x128xf32, #tpu.memory_space<vmem>> -> memref<128x128xf32, #tpu.memory_space<vmem>>
      %dma_wait3A_295 = arith.constant 0 : i32
      %dma_wait3A_296 = tpu.memref_slice %arg8[%dma_wait3A_288, %dma_wait3A_295] : memref<40x128xi32, #tpu.memory_space<vmem>> -> memref<1x128xi32, #tpu.memory_space<vmem>>
      %dma_wait3A_297 = tpu.memref_squeeze %dma_wait3A_296 : memref<1x128xi32, #tpu.memory_space<vmem>> -> memref<128xi32, #tpu.memory_space<vmem>>
      %dma_wait3A_298 = arith.constant 0 : i32
      %dma_wait3A_299 = arith.constant 0 : i32
      %dma_wait3A_300 = tpu.memref_slice %arg4[%dma_wait3A_298, %dma_wait3A_299] : memref<10000x128xf32, #tpu.memory_space<hbm>> -> memref<10000x128xf32, #tpu.memory_space<hbm>>
      %dma_wait3A_301 = tpu.memref_slice %arg11[%dma_wait3A_290] : memref<2x!tpu.dma_semaphore, #tpu.memory_space<semaphore_mem>> -> memref<1x!tpu.dma_semaphore, #tpu.memory_space<semaphore_mem>>
      %dma_wait3A_302 = tpu.memref_squeeze %dma_wait3A_301 : memref<1x!tpu.dma_semaphore, #tpu.memory_space<semaphore_mem>> -> memref<!tpu.dma_semaphore, #tpu.memory_space<semaphore_mem>>
      tpu.wait_indirect_dma semaphore(%dma_wait3A_302 : memref<!tpu.dma_semaphore, #tpu.memory_space<semaphore_mem>>) src(%dma_wait3A_300 : memref<10000x128xf32, #tpu.memory_space<hbm>>) dst(%dma_wait3A_294 : memref<128x128xf32, #tpu.memory_space<vmem>>)
      %run_scoped3A = arith.constant 0 : i32
      %run_scoped3A_303 = arith.constant 38 : i32
      "tpu.region"() ({
        %run_scoped3A_304 = tpu.sem_alloc : memref<!tpu.dma_semaphore, #tpu.memory_space<semaphore_mem>>
        %dma_start3A_305 = arith.constant 0 : i32
        %dma_start3A_306 = arith.constant 0 : i32
        %dma_start3A_307 = tpu.memref_slice %arg10[%run_scoped3A, %dma_start3A_305, %dma_start3A_306] : memref<2x128x128xf32, #tpu.memory_space<vmem>> -> memref<1x128x128xf32, #tpu.memory_space<vmem>>
        %dma_start3A_308 = tpu.memref_squeeze %dma_start3A_307 : memref<1x128x128xf32, #tpu.memory_space<vmem>> -> memref<128x128xf32, #tpu.memory_space<vmem>>
        %dma_start3A_309 = arith.constant 0 : i32
        %dma_start3A_310 = tpu.memref_slice %arg9[%run_scoped3A_303, %dma_start3A_309] : memref<40x128xi32, #tpu.memory_space<vmem>> -> memref<1x128xi32, #tpu.memory_space<vmem>>
        %dma_start3A_311 = tpu.memref_squeeze %dma_start3A_310 : memref<1x128xi32, #tpu.memory_space<vmem>> -> memref<128xi32, #tpu.memory_space<vmem>>
        %dma_start3A_312 = arith.constant 0 : i32
        %dma_start3A_313 = arith.constant 0 : i32
        %dma_start3A_314 = tpu.memref_slice %arg7[%dma_start3A_312, %dma_start3A_313] : memref<10000x128xf32, #tpu.memory_space<vmem_shared>> -> memref<10000x128xf32, #tpu.memory_space<vmem_shared>>
        tpu.enqueue_indirect_dma source(%dma_start3A_308 : memref<128x128xf32, #tpu.memory_space<vmem>>) target(%dma_start3A_314 : memref<10000x128xf32, #tpu.memory_space<vmem_shared>>) offsets(%dma_start3A_311 : memref<128xi32, #tpu.memory_space<vmem>>) semaphore(%run_scoped3A_304 : memref<!tpu.dma_semaphore, #tpu.memory_space<semaphore_mem>>) {add = true}
        %dma_wait3A_315 = arith.constant 0 : i32
        %dma_wait3A_316 = arith.constant 0 : i32
        %dma_wait3A_317 = tpu.memref_slice %arg10[%run_scoped3A, %dma_wait3A_315, %dma_wait3A_316] : memref<2x128x128xf32, #tpu.memory_space<vmem>> -> memref<1x128x128xf32, #tpu.memory_space<vmem>>
        %dma_wait3A_318 = tpu.memref_squeeze %dma_wait3A_317 : memref<1x128x128xf32, #tpu.memory_space<vmem>> -> memref<128x128xf32, #tpu.memory_space<vmem>>
        %dma_wait3A_319 = arith.constant 0 : i32
        %dma_wait3A_320 = tpu.memref_slice %arg9[%run_scoped3A_303, %dma_wait3A_319] : memref<40x128xi32, #tpu.memory_space<vmem>> -> memref<1x128xi32, #tpu.memory_space<vmem>>
        %dma_wait3A_321 = tpu.memref_squeeze %dma_wait3A_320 : memref<1x128xi32, #tpu.memory_space<vmem>> -> memref<128xi32, #tpu.memory_space<vmem>>
        %dma_wait3A_322 = arith.constant 0 : i32
        %dma_wait3A_323 = arith.constant 0 : i32
        %dma_wait3A_324 = tpu.memref_slice %arg7[%dma_wait3A_322, %dma_wait3A_323] : memref<10000x128xf32, #tpu.memory_space<vmem_shared>> -> memref<10000x128xf32, #tpu.memory_space<vmem_shared>>
        tpu.wait_indirect_dma semaphore(%run_scoped3A_304 : memref<!tpu.dma_semaphore, #tpu.memory_space<semaphore_mem>>) src(%dma_wait3A_318 : memref<128x128xf32, #tpu.memory_space<vmem>>) dst(%dma_wait3A_324 : memref<10000x128xf32, #tpu.memory_space<vmem_shared>>)
        tpu.yield
      }) : () -> ()
    } else {
    }
    %barrier3A_267 = arith.constant 0 : index
    tpu.barrier barrier_id(%barrier3A_267)
    %lt3A_268 = arith.constant 10 : i32
    %lt3A_269 = arith.cmpi slt, %arg1, %lt3A_268 : i32
    %convert_element_type3A_270 = arith.extui %lt3A_269 : i1 to i32
    %cond3A_271 = arith.constant 0 : i32
    %cond3A_272 = arith.cmpi ne, %convert_element_type3A_270, %cond3A_271 : i32
    scf.if %cond3A_272 {
      %mul3A_273 = arith.constant 1000 : i32
      %mul3A_274 = arith.muli %arg1, %mul3A_273 : i32
      %mul3A_275 = arith.constant 1000 : i32
      %mul3A_276 = arith.muli %arg1, %mul3A_275 : i32
      "tpu.region"() ({
        %run_scoped3A = tpu.sem_alloc : memref<!tpu.dma_semaphore, #tpu.memory_space<semaphore_mem>>
        %dma_start3A_277 = arith.constant 0 : i32
        %dma_start3A_278 = tpu.memref_slice %arg6[%arg0, %mul3A_276, %dma_start3A_277] : memref<2x10000x128xf32, #tpu.memory_space<hbm>> -> memref<1x1000x128xf32, #tpu.memory_space<hbm>>
        %dma_start3A_279 = tpu.memref_squeeze %dma_start3A_278 : memref<1x1000x128xf32, #tpu.memory_space<hbm>> -> memref<1000x128xf32, #tpu.memory_space<hbm>>
        %dma_start3A_280 = arith.constant 0 : i32
        %dma_start3A_281 = tpu.memref_slice %arg7[%mul3A_274, %dma_start3A_280] : memref<10000x128xf32, #tpu.memory_space<vmem_shared>> -> memref<1000x128xf32, #tpu.memory_space<vmem_shared>>
        tpu.enqueue_dma source(%dma_start3A_281 : memref<1000x128xf32, #tpu.memory_space<vmem_shared>>) target(%dma_start3A_279 : memref<1000x128xf32, #tpu.memory_space<hbm>>) target_semaphore(%run_scoped3A : memref<!tpu.dma_semaphore, #tpu.memory_space<semaphore_mem>>)
        %dma_wait3A_282 = arith.constant 0 : i32
        %dma_wait3A_283 = tpu.memref_slice %arg6[%arg0, %mul3A_276, %dma_wait3A_282] : memref<2x10000x128xf32, #tpu.memory_space<hbm>> -> memref<1x1000x128xf32, #tpu.memory_space<hbm>>
        %dma_wait3A_284 = tpu.memref_squeeze %dma_wait3A_283 : memref<1x1000x128xf32, #tpu.memory_space<hbm>> -> memref<1000x128xf32, #tpu.memory_space<hbm>>
        %dma_wait3A_285 = arith.constant 0 : i32
        %dma_wait3A_286 = tpu.memref_slice %arg7[%mul3A_274, %dma_wait3A_285] : memref<10000x128xf32, #tpu.memory_space<vmem_shared>> -> memref<1000x128xf32, #tpu.memory_space<vmem_shared>>
        tpu.wait_dma2 semaphore(%run_scoped3A : memref<!tpu.dma_semaphore, #tpu.memory_space<semaphore_mem>>) src(%dma_wait3A_286 : memref<1000x128xf32, #tpu.memory_space<vmem_shared>>) dst(%dma_wait3A_284 : memref<1000x128xf32, #tpu.memory_space<hbm>>)
        tpu.yield
      }) : () -> ()
    } else {
    }
    return
  }
}

module attributes {stable_mosaic.version = 14 : i64} {
  func.func @_tc_a_body(%arg0: i32, %arg1: memref<2x1000x128xf32, #tpu.memory_space<vmem>>, %arg2: memref<1000x128xf32, #tpu.memory_space<vmem>>, %arg3: memref<128x128xf32, #tpu.memory_space<vmem>>, %arg4: memref<1000x128xf32, #tpu.memory_space<vmem>>, %arg5: memref<1000x128xf32, #tpu.memory_space<vmem>>) attributes {dimension_semantics = [#tpu.dimension_semantics<arbitrary>], iteration_bounds = array<i64: 10>, scalar_prefetch = 0 : i64, scratch_operands = 0 : i64, tpu.core_type = #tpu.core_type<tc>, window_params = [{transform_indices = @transform_0, window_bounds = array<i64: 2, 1000, 128>}, {transform_indices = @transform_1, window_bounds = array<i64: 1000, 128>}, {pipeline_mode = #tpu.pipeline_mode<synchronous>, transform_indices = @transform_2, window_bounds = array<i64: 128, 128>}, {transform_indices = @transform_3, window_bounds = array<i64: 1000, 128>}, {transform_indices = @transform_4, window_bounds = array<i64: 1000, 128>}]} {
    %get3A = arith.constant 0 : index
    %get3A_0 = arith.constant 0 : index
    %get3A_1 = arith.constant 0 : index
    %get3A_2 = vector.load %arg1[%get3A, %get3A_0, %get3A_1] : memref<2x1000x128xf32, #tpu.memory_space<vmem>>, vector<1x1000x1xf32>
    %get3A_3 = vector.shape_cast %get3A_2 : vector<1x1000x1xf32> to vector<1000xf32>
    %get3A_4 = arith.constant 1 : index
    %get3A_5 = arith.constant 0 : index
    %get3A_6 = arith.constant 0 : index
    %get3A_7 = vector.load %arg1[%get3A_4, %get3A_5, %get3A_6] : memref<2x1000x128xf32, #tpu.memory_space<vmem>>, vector<1x1000x1xf32>
    %get3A_8 = vector.shape_cast %get3A_7 : vector<1x1000x1xf32> to vector<1000xf32>
    %add3A = arith.addf %get3A_3, %get3A_8 : vector<1000xf32>
    %gt3A = arith.constant 0.000000e+00 : f32
    %gt3A_9 = vector.broadcast %gt3A : f32 to vector<1000xf32>
    %gt3A_10 = arith.cmpf ogt, %add3A, %gt3A_9 : vector<1000xf32>
    %rsqrt3A = math.rsqrt %add3A : vector<1000xf32>
    %jit3A = arith.constant 0.000000e+00 : f32
    %broadcast_in_dim3A = vector.broadcast %jit3A : f32 to vector<1000xf32>
    %select_n3A = arith.select %gt3A_10, %rsqrt3A, %broadcast_in_dim3A : vector<1000xi1>, vector<1000xf32>
    %get3A_11 = arith.constant 0 : index
    %get3A_12 = arith.constant 0 : index
    %get3A_13 = vector.load %arg2[%get3A_11, %get3A_12] : memref<1000x128xf32, #tpu.memory_space<vmem>>, vector<1000x128xf32>
    %broadcast_in_dim3A_14 = vector.shape_cast %select_n3A : vector<1000xf32> to vector<1000x1xf32>
    %mul3A = vector.broadcast %broadcast_in_dim3A_14 : vector<1000x1xf32> to vector<1000x128xf32>
    %mul3A_15 = arith.mulf %get3A_13, %mul3A : vector<1000x128xf32>
    %swap3A = arith.constant 0 : index
    %swap3A_16 = arith.constant 0 : index
    %swap3A_17 = vector.load %arg4[%swap3A, %swap3A_16] : memref<1000x128xf32, #tpu.memory_space<vmem>>, vector<1000x128xf32>
    tpu.vector_store %arg4[%swap3A, %swap3A_16], %mul3A_15 {strides = array<i32>} : memref<1000x128xf32, #tpu.memory_space<vmem>>, vector<1000x128xf32>,
    %get3A_18 = arith.constant 0 : index
    %get3A_19 = arith.constant 0 : index
    %get3A_20 = vector.load %arg3[%get3A_18, %get3A_19] : memref<128x128xf32, #tpu.memory_space<vmem>>, vector<128x128xf32>
    %dot_general3A = arith.constant dense<0.000000e+00> : vector<1000x128xf32>
    %dot_general3A_21 = tpu.matmul %get3A_13, %get3A_20, %dot_general3A {dimension_numbers = #tpu.dot_dimension_numbers<[1], [0], [0], [1], [0, 0, 1, 1], [], []>, transpose_lhs_hint = false} : vector<1000x128xf32>, vector<128x128xf32>, vector<1000x128xf32> -> vector<1000x128xf32>
    %swap3A_22 = arith.constant 0 : index
    %swap3A_23 = arith.constant 0 : index
    %swap3A_24 = vector.load %arg5[%swap3A_22, %swap3A_23] : memref<1000x128xf32, #tpu.memory_space<vmem>>, vector<1000x128xf32>
    tpu.vector_store %arg5[%swap3A_22, %swap3A_23], %dot_general3A_21 {strides = array<i32>} : memref<1000x128xf32, #tpu.memory_space<vmem>>, vector<1000x128xf32>,
    return
  }
  func.func @transform_0(%arg0: i32) -> (i32, i32, i32) {
    %c0_i32 = arith.constant 0 : i32
    %c0_i32_0 = arith.constant 0 : i32
    %c0_i32_1 = arith.constant 0 : i32
    return %c0_i32, %arg0, %c0_i32_0 : i32, i32, i32
  }
  func.func @transform_1(%arg0: i32) -> (i32, i32) {
    %c0_i32 = arith.constant 0 : i32
    %c0_i32_0 = arith.constant 0 : i32
    return %arg0, %c0_i32 : i32, i32
  }
  func.func @transform_2(%arg0: i32) -> (i32, i32) {
    %c0_i32 = arith.constant 0 : i32
    %c0_i32_0 = arith.constant 0 : i32
    %c0_i32_1 = arith.constant 0 : i32
    return %c0_i32, %c0_i32_0 : i32, i32
  }
  func.func @transform_3(%arg0: i32) -> (i32, i32) {
    %c0_i32 = arith.constant 0 : i32
    %c0_i32_0 = arith.constant 0 : i32
    return %arg0, %c0_i32 : i32, i32
  }
  func.func @transform_4(%arg0: i32) -> (i32, i32) {
    %c0_i32 = arith.constant 0 : i32
    %c0_i32_0 = arith.constant 0 : i32
    return %arg0, %c0_i32 : i32, i32
  }
}

module attributes {stable_mosaic.version = 14 : i64} {
  func.func @_tc_b_body(%arg0: i32, %arg1: memref<2x1000x128xf32, #tpu.memory_space<vmem>>, %arg2: memref<1000x128xf32, #tpu.memory_space<vmem>>, %arg3: memref<2x1000x128xf32, #tpu.memory_space<vmem>>, %arg4: memref<128x128xf32, #tpu.memory_space<vmem>>, %arg5: memref<1x128xf32, #tpu.memory_space<vmem>>, %arg6: memref<1x128xf32, #tpu.memory_space<vmem>>, %arg7: memref<1x128xf32, #tpu.memory_space<vmem>>, %arg8: memref<128x128xf32, #tpu.memory_space<vmem>>, %arg9: memref<1000x128xf32, #tpu.memory_space<vmem>>, %arg10: memref<1000x128xf32, #tpu.memory_space<vmem>>) attributes {dimension_semantics = [#tpu.dimension_semantics<arbitrary>], iteration_bounds = array<i64: 10>, scalar_prefetch = 0 : i64, scratch_operands = 0 : i64, tpu.core_type = #tpu.core_type<tc>, window_params = [{transform_indices = @transform_0, window_bounds = array<i64: 2, 1000, 128>}, {transform_indices = @transform_1, window_bounds = array<i64: 1000, 128>}, {transform_indices = @transform_2, window_bounds = array<i64: 2, 1000, 128>}, {pipeline_mode = #tpu.pipeline_mode<synchronous>, transform_indices = @transform_3, window_bounds = array<i64: 128, 128>}, {pipeline_mode = #tpu.pipeline_mode<synchronous>, transform_indices = @transform_4, window_bounds = array<i64: 1, 128>}, {pipeline_mode = #tpu.pipeline_mode<synchronous>, transform_indices = @transform_5, window_bounds = array<i64: 1, 128>}, {pipeline_mode = #tpu.pipeline_mode<synchronous>, transform_indices = @transform_6, window_bounds = array<i64: 1, 128>}, {pipeline_mode = #tpu.pipeline_mode<synchronous>, transform_indices = @transform_7, window_bounds = array<i64: 128, 128>}, {transform_indices = @transform_8, window_bounds = array<i64: 1000, 128>}, {transform_indices = @transform_9, window_bounds = array<i64: 1000, 128>}]} {
    %get3A = arith.constant 0 : index
    %get3A_0 = arith.constant 0 : index
    %get3A_1 = arith.constant 0 : index
    %get3A_2 = vector.load %arg1[%get3A, %get3A_0, %get3A_1] : memref<2x1000x128xf32, #tpu.memory_space<vmem>>, vector<1x1000x1xf32>
    %get3A_3 = vector.shape_cast %get3A_2 : vector<1x1000x1xf32> to vector<1000xf32>
    %get3A_4 = arith.constant 1 : index
    %get3A_5 = arith.constant 0 : index
    %get3A_6 = arith.constant 0 : index
    %get3A_7 = vector.load %arg1[%get3A_4, %get3A_5, %get3A_6] : memref<2x1000x128xf32, #tpu.memory_space<vmem>>, vector<1x1000x1xf32>
    %get3A_8 = vector.shape_cast %get3A_7 : vector<1x1000x1xf32> to vector<1000xf32>
    %add3A = arith.addf %get3A_3, %get3A_8 : vector<1000xf32>
    %gt3A = arith.constant 0.000000e+00 : f32
    %gt3A_9 = vector.broadcast %gt3A : f32 to vector<1000xf32>
    %gt3A_10 = arith.cmpf ogt, %add3A, %gt3A_9 : vector<1000xf32>
    %rsqrt3A = math.rsqrt %add3A : vector<1000xf32>
    %jit3A = arith.constant 0.000000e+00 : f32
    %broadcast_in_dim3A = vector.broadcast %jit3A : f32 to vector<1000xf32>
    %select_n3A = arith.select %gt3A_10, %rsqrt3A, %broadcast_in_dim3A : vector<1000xi1>, vector<1000xf32>
    %get3A_11 = arith.constant 0 : index
    %get3A_12 = arith.constant 0 : index
    %get3A_13 = arith.constant 0 : index
    %get3A_14 = vector.load %arg3[%get3A_11, %get3A_12, %get3A_13] : memref<2x1000x128xf32, #tpu.memory_space<vmem>>, vector<1x1000x128xf32>
    %get3A_15 = vector.shape_cast %get3A_14 : vector<1x1000x128xf32> to vector<1000x128xf32>
    %get3A_16 = arith.constant 1 : index
    %get3A_17 = arith.constant 0 : index
    %get3A_18 = arith.constant 0 : index
    %get3A_19 = vector.load %arg3[%get3A_16, %get3A_17, %get3A_18] : memref<2x1000x128xf32, #tpu.memory_space<vmem>>, vector<1x1000x128xf32>
    %get3A_20 = vector.shape_cast %get3A_19 : vector<1x1000x128xf32> to vector<1000x128xf32>
    %add3A_21 = arith.addf %get3A_15, %get3A_20 : vector<1000x128xf32>
    %broadcast_in_dim3A_22 = vector.shape_cast %select_n3A : vector<1000xf32> to vector<1000x1xf32>
    %neg3A = arith.constant 0.000000e+00 : f32
    %neg3A_23 = vector.broadcast %neg3A : f32 to vector<1000x1xf32>
    %neg3A_24 = arith.subf %neg3A_23, %broadcast_in_dim3A_22 : vector<1000x1xf32>
    %mul3A = vector.broadcast %neg3A_24 : vector<1000x1xf32> to vector<1000x128xf32>
    %mul3A_25 = arith.mulf %add3A_21, %mul3A : vector<1000x128xf32>
    %get3A_26 = arith.constant 0 : index
    %get3A_27 = arith.constant 0 : index
    %get3A_28 = vector.load %arg2[%get3A_26, %get3A_27] : memref<1000x128xf32, #tpu.memory_space<vmem>>, vector<1000x128xf32>
    %get3A_29 = arith.constant 0 : index
    %get3A_30 = arith.constant 0 : index
    %get3A_31 = vector.load %arg5[%get3A_29, %get3A_30] : memref<1x128xf32, #tpu.memory_space<vmem>>, vector<1x128xf32>
    %add3A_32 = vector.broadcast %get3A_31 : vector<1x128xf32> to vector<1000x128xf32>
    %add3A_33 = arith.addf %get3A_28, %add3A_32 : vector<1000x128xf32>
    %get3A_34 = arith.constant 0 : index
    %get3A_35 = arith.constant 0 : index
    %get3A_36 = vector.load %arg4[%get3A_34, %get3A_35] : memref<128x128xf32, #tpu.memory_space<vmem>>, vector<128x128xf32>
    %dot_general3A = arith.constant dense<0.000000e+00> : vector<1000x128xf32>
    %dot_general3A_37 = tpu.matmul %mul3A_25, %get3A_36, %dot_general3A {dimension_numbers = #tpu.dot_dimension_numbers<[1], [0], [0], [1], [0, 0, 1, 1], [], []>, transpose_lhs_hint = false} : vector<1000x128xf32>, vector<128x128xf32>, vector<1000x128xf32> -> vector<1000x128xf32>
    %add3A_38 = arith.addf %add3A_33, %dot_general3A_37 : vector<1000x128xf32>
    %reduce_sum3A = arith.constant dense<0.000000e+00> : vector<1000xf32>
    %reduce_sum3A_39 = vector.multi_reduction <add>, %add3A_38, %reduce_sum3A [1] : vector<1000x128xf32> to vector<1000xf32>
    %broadcast_in_dim3A_40 = vector.shape_cast %reduce_sum3A_39 : vector<1000xf32> to vector<1000x1xf32>
    %div3A = arith.constant 1.280000e+02 : f32
    %div3A_41 = vector.broadcast %div3A : f32 to vector<1000x1xf32>
    %div3A_42 = arith.divf %broadcast_in_dim3A_40, %div3A_41 : vector<1000x1xf32>
    %sub3A = vector.broadcast %div3A_42 : vector<1000x1xf32> to vector<1000x128xf32>
    %sub3A_43 = arith.subf %add3A_38, %sub3A : vector<1000x128xf32>
    %mul3A_44 = arith.mulf %sub3A_43, %sub3A_43 : vector<1000x128xf32>
    %reduce_sum3A_45 = arith.constant dense<0.000000e+00> : vector<1000xf32>
    %reduce_sum3A_46 = vector.multi_reduction <add>, %mul3A_44, %reduce_sum3A_45 [1] : vector<1000x128xf32> to vector<1000xf32>
    %broadcast_in_dim3A_47 = vector.shape_cast %reduce_sum3A_46 : vector<1000xf32> to vector<1000x1xf32>
    %div3A_48 = arith.constant 1.280000e+02 : f32
    %div3A_49 = vector.broadcast %div3A_48 : f32 to vector<1000x1xf32>
    %div3A_50 = arith.divf %broadcast_in_dim3A_47, %div3A_49 : vector<1000x1xf32>
    %add3A_51 = arith.constant 9.99999974E-6 : f32
    %add3A_52 = vector.broadcast %add3A_51 : f32 to vector<1000x1xf32>
    %add3A_53 = arith.addf %div3A_50, %add3A_52 : vector<1000x1xf32>
    %rsqrt3A_54 = math.rsqrt %add3A_53 : vector<1000x1xf32>
    %mul3A_55 = vector.broadcast %rsqrt3A_54 : vector<1000x1xf32> to vector<1000x128xf32>
    %mul3A_56 = arith.mulf %sub3A_43, %mul3A_55 : vector<1000x128xf32>
    %get3A_57 = arith.constant 0 : index
    %get3A_58 = arith.constant 0 : index
    %get3A_59 = vector.load %arg6[%get3A_57, %get3A_58] : memref<1x128xf32, #tpu.memory_space<vmem>>, vector<1x128xf32>
    %mul3A_60 = vector.broadcast %get3A_59 : vector<1x128xf32> to vector<1000x128xf32>
    %mul3A_61 = arith.mulf %mul3A_56, %mul3A_60 : vector<1000x128xf32>
    %get3A_62 = arith.constant 0 : index
    %get3A_63 = arith.constant 0 : index
    %get3A_64 = vector.load %arg7[%get3A_62, %get3A_63] : memref<1x128xf32, #tpu.memory_space<vmem>>, vector<1x128xf32>
    %add3A_65 = vector.broadcast %get3A_64 : vector<1x128xf32> to vector<1000x128xf32>
    %add3A_66 = arith.addf %mul3A_61, %add3A_65 : vector<1000x128xf32>
    %ge3A = arith.constant 0.000000e+00 : f32
    %ge3A_67 = vector.broadcast %ge3A : f32 to vector<1000x128xf32>
    %ge3A_68 = arith.cmpf oge, %add3A_66, %ge3A_67 : vector<1000x128xf32>
    %mul3A_69 = arith.constant 0.00999999977 : f32
    %mul3A_70 = vector.broadcast %mul3A_69 : f32 to vector<1000x128xf32>
    %mul3A_71 = arith.mulf %mul3A_70, %add3A_66 : vector<1000x128xf32>
    %select_n3A_72 = arith.select %ge3A_68, %add3A_66, %mul3A_71 : vector<1000x128xi1>, vector<1000x128xf32>
    %broadcast_in_dim3A_73 = vector.shape_cast %select_n3A : vector<1000xf32> to vector<1000x1xf32>
    %mul3A_74 = vector.broadcast %broadcast_in_dim3A_73 : vector<1000x1xf32> to vector<1000x128xf32>
    %mul3A_75 = arith.mulf %select_n3A_72, %mul3A_74 : vector<1000x128xf32>
    %swap3A = arith.constant 0 : index
    %swap3A_76 = arith.constant 0 : index
    %swap3A_77 = vector.load %arg9[%swap3A, %swap3A_76] : memref<1000x128xf32, #tpu.memory_space<vmem>>, vector<1000x128xf32>
    tpu.vector_store %arg9[%swap3A, %swap3A_76], %mul3A_75 {strides = array<i32>} : memref<1000x128xf32, #tpu.memory_space<vmem>>, vector<1000x128xf32>,
    %get3A_78 = arith.constant 0 : index
    %get3A_79 = arith.constant 0 : index
    %get3A_80 = vector.load %arg8[%get3A_78, %get3A_79] : memref<128x128xf32, #tpu.memory_space<vmem>>, vector<128x128xf32>
    %dot_general3A_81 = arith.constant dense<0.000000e+00> : vector<1000x128xf32>
    %dot_general3A_82 = tpu.matmul %select_n3A_72, %get3A_80, %dot_general3A_81 {dimension_numbers = #tpu.dot_dimension_numbers<[1], [0], [0], [1], [0, 0, 1, 1], [], []>, transpose_lhs_hint = false} : vector<1000x128xf32>, vector<128x128xf32>, vector<1000x128xf32> -> vector<1000x128xf32>
    %swap3A_83 = arith.constant 0 : index
    %swap3A_84 = arith.constant 0 : index
    %swap3A_85 = vector.load %arg10[%swap3A_83, %swap3A_84] : memref<1000x128xf32, #tpu.memory_space<vmem>>, vector<1000x128xf32>
    tpu.vector_store %arg10[%swap3A_83, %swap3A_84], %dot_general3A_82 {strides = array<i32>} : memref<1000x128xf32, #tpu.memory_space<vmem>>, vector<1000x128xf32>,
    return
  }
  func.func @transform_0(%arg0: i32) -> (i32, i32, i32) {
    %c0_i32 = arith.constant 0 : i32
    %c0_i32_0 = arith.constant 0 : i32
    %c0_i32_1 = arith.constant 0 : i32
    return %c0_i32, %arg0, %c0_i32_0 : i32, i32, i32
  }
  func.func @transform_1(%arg0: i32) -> (i32, i32) {
    %c0_i32 = arith.constant 0 : i32
    %c0_i32_0 = arith.constant 0 : i32
    return %arg0, %c0_i32 : i32, i32
  }
  func.func @transform_2(%arg0: i32) -> (i32, i32, i32) {
    %c0_i32 = arith.constant 0 : i32
    %c0_i32_0 = arith.constant 0 : i32
    %c0_i32_1 = arith.constant 0 : i32
    return %c0_i32, %arg0, %c0_i32_0 : i32, i32, i32
  }
  func.func @transform_3(%arg0: i32) -> (i32, i32) {
    %c0_i32 = arith.constant 0 : i32
    %c0_i32_0 = arith.constant 0 : i32
    %c0_i32_1 = arith.constant 0 : i32
    return %c0_i32, %c0_i32_0 : i32, i32
  }
  func.func @transform_4(%arg0: i32) -> (i32, i32) {
    %c0_i32 = arith.constant 0 : i32
    %c0_i32_0 = arith.constant 0 : i32
    %c0_i32_1 = arith.constant 0 : i32
    return %c0_i32, %c0_i32_0 : i32, i32
  }
  func.func @transform_5(%arg0: i32) -> (i32, i32) {
    %c0_i32 = arith.constant 0 : i32
    %c0_i32_0 = arith.constant 0 : i32
    %c0_i32_1 = arith.constant 0 : i32
    return %c0_i32, %c0_i32_0 : i32, i32
  }
  func.func @transform_6(%arg0: i32) -> (i32, i32) {
    %c0_i32 = arith.constant 0 : i32
    %c0_i32_0 = arith.constant 0 : i32
    %c0_i32_1 = arith.constant 0 : i32
    return %c0_i32, %c0_i32_0 : i32, i32
  }
  func.func @transform_7(%arg0: i32) -> (i32, i32) {
    %c0_i32 = arith.constant 0 : i32
    %c0_i32_0 = arith.constant 0 : i32
    %c0_i32_1 = arith.constant 0 : i32
    return %c0_i32, %c0_i32_0 : i32, i32
  }
  func.func @transform_8(%arg0: i32) -> (i32, i32) {
    %c0_i32 = arith.constant 0 : i32
    %c0_i32_0 = arith.constant 0 : i32
    return %arg0, %c0_i32 : i32, i32
  }
  func.func @transform_9(%arg0: i32) -> (i32, i32) {
    %c0_i32 = arith.constant 0 : i32
    %c0_i32_0 = arith.constant 0 : i32
    return %arg0, %c0_i32 : i32, i32
  }
}

module attributes {stable_mosaic.version = 14 : i64} {
  func.func @_tc_c_body(%arg0: i32, %arg1: memref<2x1000x128xf32, #tpu.memory_space<vmem>>, %arg2: memref<1000x128xf32, #tpu.memory_space<vmem>>, %arg3: memref<2x1000x128xf32, #tpu.memory_space<vmem>>, %arg4: memref<128x128xf32, #tpu.memory_space<vmem>>, %arg5: memref<1x128xf32, #tpu.memory_space<vmem>>, %arg6: memref<128x128xf32, #tpu.memory_space<vmem>>, %arg7: memref<1x128xf32, #tpu.memory_space<vmem>>, %arg8: memref<128x128xf32, #tpu.memory_space<vmem>>, %arg9: memref<1x128xf32, #tpu.memory_space<vmem>>, %arg10: memref<128x128xf32, #tpu.memory_space<vmem>>, %arg11: memref<1x128xf32, #tpu.memory_space<vmem>>, %arg12: memref<1000x128xf32, #tpu.memory_space<vmem>>, %arg13: memref<1000x128xf32, #tpu.memory_space<vmem>>, %arg14: memref<1000x128xf32, #tpu.memory_space<vmem>>) attributes {dimension_semantics = [#tpu.dimension_semantics<arbitrary>], iteration_bounds = array<i64: 10>, scalar_prefetch = 0 : i64, scratch_operands = 0 : i64, tpu.core_type = #tpu.core_type<tc>, window_params = [{transform_indices = @transform_0, window_bounds = array<i64: 2, 1000, 128>}, {transform_indices = @transform_1, window_bounds = array<i64: 1000, 128>}, {transform_indices = @transform_2, window_bounds = array<i64: 2, 1000, 128>}, {pipeline_mode = #tpu.pipeline_mode<synchronous>, transform_indices = @transform_3, window_bounds = array<i64: 128, 128>}, {pipeline_mode = #tpu.pipeline_mode<synchronous>, transform_indices = @transform_4, window_bounds = array<i64: 1, 128>}, {pipeline_mode = #tpu.pipeline_mode<synchronous>, transform_indices = @transform_5, window_bounds = array<i64: 128, 128>}, {pipeline_mode = #tpu.pipeline_mode<synchronous>, transform_indices = @transform_6, window_bounds = array<i64: 1, 128>}, {pipeline_mode = #tpu.pipeline_mode<synchronous>, transform_indices = @transform_7, window_bounds = array<i64: 128, 128>}, {pipeline_mode = #tpu.pipeline_mode<synchronous>, transform_indices = @transform_8, window_bounds = array<i64: 1, 128>}, {pipeline_mode = #tpu.pipeline_mode<synchronous>, transform_indices = @transform_9, window_bounds = array<i64: 128, 128>}, {pipeline_mode = #tpu.pipeline_mode<synchronous>, transform_indices = @transform_10, window_bounds = array<i64: 1, 128>}, {transform_indices = @transform_11, window_bounds = array<i64: 1000, 128>}, {transform_indices = @transform_12, window_bounds = array<i64: 1000, 128>}, {transform_indices = @transform_13, window_bounds = array<i64: 1000, 128>}]} {
    %get3A = arith.constant 0 : index
    %get3A_0 = arith.constant 0 : index
    %get3A_1 = arith.constant 0 : index
    %get3A_2 = vector.load %arg1[%get3A, %get3A_0, %get3A_1] : memref<2x1000x128xf32, #tpu.memory_space<vmem>>, vector<1x1000x1xf32>
    %get3A_3 = vector.shape_cast %get3A_2 : vector<1x1000x1xf32> to vector<1000xf32>
    %get3A_4 = arith.constant 1 : index
    %get3A_5 = arith.constant 0 : index
    %get3A_6 = arith.constant 0 : index
    %get3A_7 = vector.load %arg1[%get3A_4, %get3A_5, %get3A_6] : memref<2x1000x128xf32, #tpu.memory_space<vmem>>, vector<1x1000x1xf32>
    %get3A_8 = vector.shape_cast %get3A_7 : vector<1x1000x1xf32> to vector<1000xf32>
    %add3A = arith.addf %get3A_3, %get3A_8 : vector<1000xf32>
    %gt3A = arith.constant 0.000000e+00 : f32
    %gt3A_9 = vector.broadcast %gt3A : f32 to vector<1000xf32>
    %gt3A_10 = arith.cmpf ogt, %add3A, %gt3A_9 : vector<1000xf32>
    %rsqrt3A = math.rsqrt %add3A : vector<1000xf32>
    %jit3A = arith.constant 0.000000e+00 : f32
    %broadcast_in_dim3A = vector.broadcast %jit3A : f32 to vector<1000xf32>
    %select_n3A = arith.select %gt3A_10, %rsqrt3A, %broadcast_in_dim3A : vector<1000xi1>, vector<1000xf32>
    %get3A_11 = arith.constant 0 : index
    %get3A_12 = arith.constant 0 : index
    %get3A_13 = arith.constant 0 : index
    %get3A_14 = vector.load %arg3[%get3A_11, %get3A_12, %get3A_13] : memref<2x1000x128xf32, #tpu.memory_space<vmem>>, vector<1x1000x128xf32>
    %get3A_15 = vector.shape_cast %get3A_14 : vector<1x1000x128xf32> to vector<1000x128xf32>
    %get3A_16 = arith.constant 1 : index
    %get3A_17 = arith.constant 0 : index
    %get3A_18 = arith.constant 0 : index
    %get3A_19 = vector.load %arg3[%get3A_16, %get3A_17, %get3A_18] : memref<2x1000x128xf32, #tpu.memory_space<vmem>>, vector<1x1000x128xf32>
    %get3A_20 = vector.shape_cast %get3A_19 : vector<1x1000x128xf32> to vector<1000x128xf32>
    %add3A_21 = arith.addf %get3A_15, %get3A_20 : vector<1000x128xf32>
    %broadcast_in_dim3A_22 = vector.shape_cast %select_n3A : vector<1000xf32> to vector<1000x1xf32>
    %neg3A = arith.constant 0.000000e+00 : f32
    %neg3A_23 = vector.broadcast %neg3A : f32 to vector<1000x1xf32>
    %neg3A_24 = arith.subf %neg3A_23, %broadcast_in_dim3A_22 : vector<1000x1xf32>
    %mul3A = vector.broadcast %neg3A_24 : vector<1000x1xf32> to vector<1000x128xf32>
    %mul3A_25 = arith.mulf %add3A_21, %mul3A : vector<1000x128xf32>
    %get3A_26 = arith.constant 0 : index
    %get3A_27 = arith.constant 0 : index
    %get3A_28 = vector.load %arg2[%get3A_26, %get3A_27] : memref<1000x128xf32, #tpu.memory_space<vmem>>, vector<1000x128xf32>
    %get3A_29 = arith.constant 0 : index
    %get3A_30 = arith.constant 0 : index
    %get3A_31 = vector.load %arg5[%get3A_29, %get3A_30] : memref<1x128xf32, #tpu.memory_space<vmem>>, vector<1x128xf32>
    %add3A_32 = vector.broadcast %get3A_31 : vector<1x128xf32> to vector<1000x128xf32>
    %add3A_33 = arith.addf %get3A_28, %add3A_32 : vector<1000x128xf32>
    %get3A_34 = arith.constant 0 : index
    %get3A_35 = arith.constant 0 : index
    %get3A_36 = vector.load %arg4[%get3A_34, %get3A_35] : memref<128x128xf32, #tpu.memory_space<vmem>>, vector<128x128xf32>
    %dot_general3A = arith.constant dense<0.000000e+00> : vector<1000x128xf32>
    %dot_general3A_37 = tpu.matmul %mul3A_25, %get3A_36, %dot_general3A {dimension_numbers = #tpu.dot_dimension_numbers<[1], [0], [0], [1], [0, 0, 1, 1], [], []>, transpose_lhs_hint = false} : vector<1000x128xf32>, vector<128x128xf32>, vector<1000x128xf32> -> vector<1000x128xf32>
    %add3A_38 = arith.addf %add3A_33, %dot_general3A_37 : vector<1000x128xf32>
    %swap3A = arith.constant 0 : index
    %swap3A_39 = arith.constant 0 : index
    %swap3A_40 = vector.load %arg13[%swap3A, %swap3A_39] : memref<1000x128xf32, #tpu.memory_space<vmem>>, vector<1000x128xf32>
    tpu.vector_store %arg13[%swap3A, %swap3A_39], %add3A_38 {strides = array<i32>} : memref<1000x128xf32, #tpu.memory_space<vmem>>, vector<1000x128xf32>,
    %get3A_41 = arith.constant 0 : index
    %get3A_42 = arith.constant 0 : index
    %get3A_43 = vector.load %arg6[%get3A_41, %get3A_42] : memref<128x128xf32, #tpu.memory_space<vmem>>, vector<128x128xf32>
    %dot_general3A_44 = arith.constant dense<0.000000e+00> : vector<1000x128xf32>
    %dot_general3A_45 = tpu.matmul %add3A_38, %get3A_43, %dot_general3A_44 {dimension_numbers = #tpu.dot_dimension_numbers<[1], [0], [0], [1], [0, 0, 1, 1], [], []>, transpose_lhs_hint = false} : vector<1000x128xf32>, vector<128x128xf32>, vector<1000x128xf32> -> vector<1000x128xf32>
    %get3A_46 = arith.constant 0 : index
    %get3A_47 = arith.constant 0 : index
    %get3A_48 = vector.load %arg7[%get3A_46, %get3A_47] : memref<1x128xf32, #tpu.memory_space<vmem>>, vector<1x128xf32>
    %add3A_49 = vector.broadcast %get3A_48 : vector<1x128xf32> to vector<1000x128xf32>
    %add3A_50 = arith.addf %dot_general3A_45, %add3A_49 : vector<1000x128xf32>
    %tanh3A = math.tanh %add3A_50 : vector<1000x128xf32>
    %swap3A_51 = arith.constant 0 : index
    %swap3A_52 = arith.constant 0 : index
    %swap3A_53 = vector.load %arg12[%swap3A_51, %swap3A_52] : memref<1000x128xf32, #tpu.memory_space<vmem>>, vector<1000x128xf32>
    tpu.vector_store %arg12[%swap3A_51, %swap3A_52], %tanh3A {strides = array<i32>} : memref<1000x128xf32, #tpu.memory_space<vmem>>, vector<1000x128xf32>,
    %get3A_54 = arith.constant 0 : index
    %get3A_55 = arith.constant 0 : index
    %get3A_56 = vector.load %arg8[%get3A_54, %get3A_55] : memref<128x128xf32, #tpu.memory_space<vmem>>, vector<128x128xf32>
    %dot_general3A_57 = arith.constant dense<0.000000e+00> : vector<1000x128xf32>
    %dot_general3A_58 = tpu.matmul %add3A_38, %get3A_56, %dot_general3A_57 {dimension_numbers = #tpu.dot_dimension_numbers<[1], [0], [0], [1], [0, 0, 1, 1], [], []>, transpose_lhs_hint = false} : vector<1000x128xf32>, vector<128x128xf32>, vector<1000x128xf32> -> vector<1000x128xf32>
    %get3A_59 = arith.constant 0 : index
    %get3A_60 = arith.constant 0 : index
    %get3A_61 = vector.load %arg9[%get3A_59, %get3A_60] : memref<1x128xf32, #tpu.memory_space<vmem>>, vector<1x128xf32>
    %add3A_62 = vector.broadcast %get3A_61 : vector<1x128xf32> to vector<1000x128xf32>
    %add3A_63 = arith.addf %dot_general3A_58, %add3A_62 : vector<1000x128xf32>
    %max3A = arith.constant 0.000000e+00 : f32
    %max3A_64 = vector.broadcast %max3A : f32 to vector<1000x128xf32>
    %max3A_65 = arith.maximumf %add3A_63, %max3A_64 : vector<1000x128xf32>
    %get3A_66 = arith.constant 0 : index
    %get3A_67 = arith.constant 0 : index
    %get3A_68 = vector.load %arg10[%get3A_66, %get3A_67] : memref<128x128xf32, #tpu.memory_space<vmem>>, vector<128x128xf32>
    %dot_general3A_69 = arith.constant dense<0.000000e+00> : vector<1000x128xf32>
    %dot_general3A_70 = tpu.matmul %max3A_65, %get3A_68, %dot_general3A_69 {dimension_numbers = #tpu.dot_dimension_numbers<[1], [0], [0], [1], [0, 0, 1, 1], [], []>, transpose_lhs_hint = false} : vector<1000x128xf32>, vector<128x128xf32>, vector<1000x128xf32> -> vector<1000x128xf32>
    %get3A_71 = arith.constant 0 : index
    %get3A_72 = arith.constant 0 : index
    %get3A_73 = vector.load %arg11[%get3A_71, %get3A_72] : memref<1x128xf32, #tpu.memory_space<vmem>>, vector<1x128xf32>
    %add3A_74 = vector.broadcast %get3A_73 : vector<1x128xf32> to vector<1000x128xf32>
    %add3A_75 = arith.addf %dot_general3A_70, %add3A_74 : vector<1000x128xf32>
    %swap3A_76 = arith.constant 0 : index
    %swap3A_77 = arith.constant 0 : index
    %swap3A_78 = vector.load %arg14[%swap3A_76, %swap3A_77] : memref<1000x128xf32, #tpu.memory_space<vmem>>, vector<1000x128xf32>
    tpu.vector_store %arg14[%swap3A_76, %swap3A_77], %add3A_75 {strides = array<i32>} : memref<1000x128xf32, #tpu.memory_space<vmem>>, vector<1000x128xf32>,
    return
  }
  func.func @transform_0(%arg0: i32) -> (i32, i32, i32) {
    %c0_i32 = arith.constant 0 : i32
    %c0_i32_0 = arith.constant 0 : i32
    %c0_i32_1 = arith.constant 0 : i32
    return %c0_i32, %arg0, %c0_i32_0 : i32, i32, i32
  }
  func.func @transform_1(%arg0: i32) -> (i32, i32) {
    %c0_i32 = arith.constant 0 : i32
    %c0_i32_0 = arith.constant 0 : i32
    return %arg0, %c0_i32 : i32, i32
  }
  func.func @transform_2(%arg0: i32) -> (i32, i32, i32) {
    %c0_i32 = arith.constant 0 : i32
    %c0_i32_0 = arith.constant 0 : i32
    %c0_i32_1 = arith.constant 0 : i32
    return %c0_i32, %arg0, %c0_i32_0 : i32, i32, i32
  }
  func.func @transform_3(%arg0: i32) -> (i32, i32) {
    %c0_i32 = arith.constant 0 : i32
    %c0_i32_0 = arith.constant 0 : i32
    %c0_i32_1 = arith.constant 0 : i32
    return %c0_i32, %c0_i32_0 : i32, i32
  }
  func.func @transform_4(%arg0: i32) -> (i32, i32) {
    %c0_i32 = arith.constant 0 : i32
    %c0_i32_0 = arith.constant 0 : i32
    %c0_i32_1 = arith.constant 0 : i32
    return %c0_i32, %c0_i32_0 : i32, i32
  }
  func.func @transform_5(%arg0: i32) -> (i32, i32) {
    %c0_i32 = arith.constant 0 : i32
    %c0_i32_0 = arith.constant 0 : i32
    %c0_i32_1 = arith.constant 0 : i32
    return %c0_i32, %c0_i32_0 : i32, i32
  }
  func.func @transform_6(%arg0: i32) -> (i32, i32) {
    %c0_i32 = arith.constant 0 : i32
    %c0_i32_0 = arith.constant 0 : i32
    %c0_i32_1 = arith.constant 0 : i32
    return %c0_i32, %c0_i32_0 : i32, i32
  }
  func.func @transform_7(%arg0: i32) -> (i32, i32) {
    %c0_i32 = arith.constant 0 : i32
    %c0_i32_0 = arith.constant 0 : i32
    %c0_i32_1 = arith.constant 0 : i32
    return %c0_i32, %c0_i32_0 : i32, i32
  }
  func.func @transform_8(%arg0: i32) -> (i32, i32) {
    %c0_i32 = arith.constant 0 : i32
    %c0_i32_0 = arith.constant 0 : i32
    %c0_i32_1 = arith.constant 0 : i32
    return %c0_i32, %c0_i32_0 : i32, i32
  }
  func.func @transform_9(%arg0: i32) -> (i32, i32) {
    %c0_i32 = arith.constant 0 : i32
    %c0_i32_0 = arith.constant 0 : i32
    %c0_i32_1 = arith.constant 0 : i32
    return %c0_i32, %c0_i32_0 : i32, i32
  }
  func.func @transform_10(%arg0: i32) -> (i32, i32) {
    %c0_i32 = arith.constant 0 : i32
    %c0_i32_0 = arith.constant 0 : i32
    %c0_i32_1 = arith.constant 0 : i32
    return %c0_i32, %c0_i32_0 : i32, i32
  }
  func.func @transform_11(%arg0: i32) -> (i32, i32) {
    %c0_i32 = arith.constant 0 : i32
    %c0_i32_0 = arith.constant 0 : i32
    return %arg0, %c0_i32 : i32, i32
  }
  func.func @transform_12(%arg0: i32) -> (i32, i32) {
    %c0_i32 = arith.constant 0 : i32
    %c0_i32_0 = arith.constant 0 : i32
    return %arg0, %c0_i32 : i32, i32
  }
  func.func @transform_13(%arg0: i32) -> (i32, i32) {
    %c0_i32 = arith.constant 0 : i32
    %c0_i32_0 = arith.constant 0 : i32
    return %arg0, %c0_i32 : i32, i32
  }
}

</mosaic_0001>

<sc_bundles>
// kernel: kernel.11.cloned.1.call-start
scs
__scs_entry_jumppad:
0x0: {  	(pc) =	sbr.rel $0x88, $3  }
0x1: {  	(tag) =	ssettag $0x0;
	lr =	simm.s32 $0x1  }
0x2: {  	[smem:$0x3F91] =	sst lr;
	_ =	strace $0xD0000000  }
0x3: {  	_ = 	snop  }
0x4: {  	_ = 	snop  }
0x5: {  	_ = 	snop  }
0x6: {  	_ = 	snop  }
0x7: {  	_ = 	snop  }
__scs_overlays_trampoline_lowered:
0x8: {  	[smem:$0x3FA0] =	sst s0  }
0x9: {  	[smem:$0x3FA1] =	sst s1  }
0xa: {  	[smem:$0x3FA2] =	sst s2  }
0xb: {  	[smem:$0x3FA3] =	sst s3  }
0xc: {  	[smem:$0x3FA4] =	sst s4  }
0xd: {  	[smem:$0x3FA5] =	sst s5  }
0xe: {  	[smem:$0x3FA6] =	sst s6  }
0xf: {  	[smem:$0x3FA7] =	sst s7  }
0x10: {  	[smem:$0x3FA8] =	sst s8  }
0x11: {  	[smem:$0x3FA9] =	sst s9;
	s0 =	simm.s32 @!p0 $0x0  }
0x12: {  	s1 =	sld [smem:$0x3F8F];
	s0 =	simm.s32 @p0 $0x1  }
0x13: {  	[smem:$0x3FAA] =	sst s0;
	s0 =	simm.s32 @!p1 $0x0  }
0x14: {  	s2 =	sld [smem:$0x3F8E];
	s0 =	simm.s32 @p1 $0x1  }
0x15: {  	[smem:$0x3FAB] =	sst s0;
	s0 =	simm.s32 @!p2 $0x0  }
0x16: {  	s3 =	sld [smem:$0x3FDB];
	s0 =	simm.s32 @p2 $0x1  }
0x17: {  	s4 =	simm.s32 $0x1BF5;
	[smem:$0x3FAD] =	sst s0  }
0x18: {  	s0 =	sld [smem:$0x3F90];
	_ =	swait.ge [sflag:s4], $0x0  }
0x19: {  	s7 =	sld [smem:$0x3F91]  }
0x1a: {  	s8 =	sadd.s32 $0xFFFFE003, lr  }
0x1b: {  	s9 =	sadd.s32 $0xFFFFFEF7, lr;
	s5 =	simm.s32 $0xFFFFFFFF;
	p2 =	slt.u32 s8, $0xFFFFF086  }
0x1c: {  	p1 =	slt.u32 s9, $0xF7A;
	s5 =	simm.s32 @!p2 $0x0  }
0x1d: {  	s5 =	simm.s32 @p1 $0x1;
	p0 =	seq.s32 s7, s2  }
0x1e: {  	s7 =	smul.u32 @!p0 $0xF7A, s2;
	p2 =	seq.s32 @!p0 s5, $0x0  }
0x1f: {  	s9 =	smul.u32 $0xF7A, s1;
	s8 =	simm.s32 @!p0 $0x1BF5;
	p2 =	por !p2, p0  }
0x20: {  	[sflag:s8] =	ssyncset.s32 @!p0 $0xFFFFF086;
	s6 =	sadd.s32 @!p0 s3, s7;
	s7 =	simm.s32 @!p0 $0x108  }
0x21: {  	s3 =	sadd.s32 s3, s9;
	s6 =	sadd.s32 @!p0 $0x88, s6;
	s7 =	simm.s32 @p2 $0x1082  }
0x22: {  	[simem:s7], [sflag:s8] =	dma.local @!p0 [hbm:s6], $0xF7A  }
0x23: {  	s9 =	sor.u32 $0xD0000000, s2;
	s6 =	simm.s32 $0x108;
	_ =	swait.ge @!p0 [sflag:s8], $0x0  }
0x24: {  	s3 =	sadd.s32 $0x88, s3;
	s6 =	simm.s32 @!p1 $0x1082;
	[sflag:s4] =	ssyncset.s32 $0xFFFFF086  }
0x25: {  	[simem:s6], [sflag:s4] =	dma.local [hbm:s3], $0xF7A  }
0x26: {  	[smem:$0x3F91] =	sst s1;
	(tag) =	ssettag s2;
	_ =	strace s9  }
0x27: {  	s1 =	sld [smem:$0x3FA1]  }
0x28: {  	s2 =	sld [smem:$0x3FA2]  }
0x29: {  	s4 =	sld [smem:$0x3FA4]  }
0x2a: {  	p0 =	seq.s32 s5, $0x0;
	s5 =	sld [smem:$0x3FA5]  }
0x2b: {  	s6 =	sld [smem:$0x3FA6]  }
0x2c: {  	s7 =	sld [smem:$0x3FA7]  }
0x2d: {  	s3 =	simm.s32 $0x108;
	s8 =	sld [smem:$0x3FA8]  }
0x2e: {  	s3 =	simm.s32 @!p0 $0x1082;
	s9 =	sld [smem:$0x3FA9]  }
0x2f: {  	lr =	sadd.s32 s0, s3;
	s0 =	sld [smem:$0x3FA0]  }
0x30: {  	s3 =	sld [smem:$0x3FA3]  }
0x31: {  	[smem:$0x3FAC] =	sst s10  }
0x32: {  	s10 =	sld [smem:$0x3FAA];
	_ =	sdelay $0x3  }
0x33: {  	p0 =	seq.s32 s10, $0x1;
	s10 =	sld [smem:$0x3FAC];
	_ =	sdelay $0x3  }
0x34: {  	[smem:$0x3FAC] =	sst s10  }
0x35: {  	s10 =	sld [smem:$0x3FAB];
	_ =	sdelay $0x3  }
0x36: {  	p1 =	seq.s32 s10, $0x1;
	s10 =	sld [smem:$0x3FAC];
	_ =	sdelay $0x3  }
0x37: {  	[smem:$0x3FAC] =	sst s10  }
0x38: {  	s10 =	sld [smem:$0x3FAD]  }
0x39: {  	_ = 	snop;
	(pc) =	sbr.ind lr, $3  }
0x3a: {  	_ = 	snop  }
0x3b: {  	_ = 	snop  }
0x3c: {  	p2 =	seq.s32 s10, $0x1;
	s10 =	sld [smem:$0x3FAC]  }
0x3d: {  	_ =	shalt  }
0x3e: {  	_ =	shalt  }
0x3f: {  	_ =	shalt  }
0x40: {  	_ =	shalt  }
0x41: {  	_ =	shalt  }
0x42: {  	_ =	shalt  }
0x43: {  	_ =	shalt  }
0x44: {  	_ =	shalt  }
0x45: {  	_ =	shalt  }
0x46: {  	_ =	shalt  }
0x47: {  	_ =	shalt  }
0x48: {  	_ =	shalt  }
0x49: {  	_ =	shalt  }
0x4a: {  	_ =	shalt  }
0x4b: {  	_ =	shalt  }
0x4c: {  	_ =	shalt  }
0x4d: {  	_ =	shalt  }
0x4e: {  	_ =	shalt  }
0x4f: {  	_ =	shalt  }
0x50: {  	_ =	shalt  }
0x51: {  	_ =	shalt  }
0x52: {  	_ =	shalt  }
0x53: {  	_ =	shalt  }
0x54: {  	_ =	shalt  }
0x55: {  	_ =	shalt  }
0x56: {  	_ =	shalt  }
0x57: {  	_ =	shalt  }
0x58: {  	_ =	shalt  }
0x59: {  	_ =	shalt  }
0x5a: {  	_ =	shalt  }
0x5b: {  	_ =	shalt  }
0x5c: {  	_ =	shalt  }
0x5d: {  	_ =	shalt  }
0x5e: {  	_ =	shalt  }
0x5f: {  	_ =	shalt  }
0x60: {  	_ =	shalt  }
0x61: {  	_ =	shalt  }
0x62: {  	_ =	shalt  }
0x63: {  	_ =	shalt  }
0x64: {  	_ =	shalt  }
0x65: {  	_ =	shalt  }
0x66: {  	_ =	shalt  }
0x67: {  	_ =	shalt  }
0x68: {  	_ =	shalt  }
0x69: {  	_ =	shalt  }
0x6a: {  	_ =	shalt  }
0x6b: {  	_ =	shalt  }
0x6c: {  	_ =	shalt  }
0x6d: {  	_ =	shalt  }
0x6e: {  	_ =	shalt  }
0x6f: {  	_ =	shalt  }
0x70: {  	_ =	shalt  }
0x71: {  	_ =	shalt  }
0x72: {  	_ =	shalt  }
0x73: {  	_ =	shalt  }
0x74: {  	_ =	shalt  }
0x75: {  	_ =	shalt  }
0x76: {  	_ =	shalt  }
0x77: {  	_ =	shalt  }
0x78: {  	_ =	shalt  }
0x79: {  	_ =	shalt  }
0x7a: {  	_ =	shalt  }
0x7b: {  	_ =	shalt  }
0x7c: {  	_ =	shalt  }
0x7d: {  	_ =	shalt  }
0x7e: {  	_ =	shalt  }
0x7f: {  	_ =	shalt  }
0x80: {  	_ =	shalt  }
0x81: {  	_ =	shalt  }
0x82: {  	_ =	shalt  }
0x83: {  	_ =	shalt  }
0x84: {  	_ =	shalt  }
0x85: {  	_ =	shalt  }
0x86: {  	_ =	shalt  }
0x87: {  	_ =	shalt  }
.Lfunc_end0:
.L_simem_size_0:
called_computation.1_lowered:
.L_overlay_start_0:
0x88: {  	s2 =	sld [smem:$0x3FD9]  }
0x89: {  	s3 =	sld [smem:$0x3FFE];
	_ =	sdelay $0x1  }
0x8a: {  	s1 =	srdreg.scid  }
0x8b: {  	s0 =	sand.u32 $0x1, s1  }
0x8c: {  	s14 =	sshll.u32 s0, $0xA;
	s2 =	sadd.s32 s3, s2  }
0x8d: {  	s2 =	sadd.s32 s2, s14  }
0x8e: {  	[smem:$0x3FB8] =	sst s2  }
0x8f: {  	_ = 	snop  }
0x90: {  	s2 =	sld [smem:$0x3FD0];
	_ =	sdelay $0x2  }
0x91: {  	s15 =	simm.s32 $0xA;
	s4 =	simm.s32 $0x10  }
0x92: {  	[smem:s4], [sflag:s15] =	dma.local [hbm:s2], $0x1  }
0x93: {  	_ =	swait.eq [sflag:s15], $0x1  }
0x94: {  	s16 =	sld [smem:$0x10];
	[sflag:s15] =	ssyncset.done $0x0  }
0x95: {  	s17 =	sld [smem:$0x11];
	[sflag:s15] =	ssyncadd.s32 $0xFFFFFFFF  }
0x96: {  	s18 =	sld [smem:$0x12];
	(tm) =	ssettm $0x1  }
0x97: {  	s5 =	sld [smem:$0x3FFB];
	_ =	sdelay $0x3  }
0x98: {  	_ =	strace s5  }
0x99: {  	s5 =	sld [smem:$0x3FFC];
	_ =	sdelay $0x3  }
0x9a: {  	_ =	strace s5  }
0x9b: {  	s5 =	sld [smem:$0x3FFD];
	_ =	sdelay $0x3  }
0x9c: {  	_ =	strace s5  }
0x9d: {  	_ =	strace $0x8FFFFFFF  }
0x9e: {  	s19 =	sld [smem:$0x3FDB];
	_ =	sdelay $0x1  }
0x9f: {  	s6 =	simm.s32 $_scs_section_size  }
0xa0: {  	s7 =	simm.s32 $_size__tile_overlayer_lowered;
	s8 =	simm.s32 $_tile_overlayer_lowered  }
0xa1: {  	s22 =	simm.s32 $0x1BFF;
	s21 =	sshll.u32 s8, $0x1;
	s5 =	sadd.s32 s6, s19  }
0xa2: {  	s9 =	simm.s32 $0x0;
	s20 =	sshll.u32 s7, $0x1;
	s7 =	sadd.s32 s21, s5  }
0xa3: {  	[timem:s9], [sflag:s22] =	dma.local [hbm:s7], s20  }
0xa4: {  	_ =	swait.ge [sflag:s22], s20  }
0xa5: {  	s6 =	ssub.s32 $0x0, s20;
	[sflag:s22] =	ssyncset.done $0x0  }
0xa6: {  	[sflag:s22] =	ssyncadd.s32 s6;
	_ =	sdelay $0x1  }
0xa7: {  	s23 =	simm.s32 $0x1B8B  }
0xa8: {  	_ =	swait.ge [sflag:s23], $0x1  }
0xa9: {  	[sflag:s23] =	ssyncset.done $0x0  }
0xaa: {  	s25 =	simm.s32 $0x1B8E;
	s24 =	sld [smem:$0x3FFE];
	[sflag:s23] =	ssyncadd.s32 $0xFFFFFFFF  }
0xab: {  	s26 =	simm.s32 $execute0_lowered;
	[smem:$0x3FD2] =	sst s25  }
0xac: {  	s7 =	sshll.u32 s26, $0x1;
	_ =	strace $0x80000049;
	[dreg:$0x1] =	wrdreg $0xFFFFFFFF  }
0xad: {  	s28 =	simm.s32 $_size_execute0_lowered;
	s5 =	sadd.s32 s5, s7;
	[dreg:$0x0] =	wrdreg $0x0  }
0xae: {  	s7 =	sshll.u32 s28, $0x1;
	[dreg:$0x2] =	wrdreg s5  }
0xaf: {  	[dreg:$0x3] =	wrdreg s7  }
0xb0: {  	[dreg:$0x4] =	wrdreg $0xC0  }
0xb1: {  	_ =	task [dreg:s9], $0x5FFFF  }
0xb2: {  	[dreg:$0x1] =	wrdreg $0xFFFFFFFF  }
0xb3: {  	[dreg:$0x0] =	wrdreg $0x60  }
0xb4: {  	[dreg:$0x2] =	wrdreg s17  }
0xb5: {  	[dreg:$0x3] =	wrdreg s16  }
0xb6: {  	[dreg:$0x4] =	wrdreg s18  }
0xb7: {  	[dreg:$0x5] =	wrdreg s24  }
0xb8: {  	[dreg:$0x6] =	wrdreg $0x0  }
0xb9: {  	[dreg:$0x7] =	wrdreg $0x9  }
0xba: {  	_ =	task.clear_ibuf [dreg:s9], $0x8FFFF;
	_ =	strace $0x90000049  }
0xbb: {  	s29 =	simm.s32 $0x9;
	_ =	strace $0x8000004B  }
0xbc: {  	_ =	swait.ge [sflag:s29], $0x1  }
0xbd: {  	[sflag:s29] =	ssyncadd.s32 $0xFFFFFFFF  }
0xbe: {  	_ =	strace $0x9000004B  }
0xbf: {  	_ =	sfence  }
0xc0: {  	s30 =	sld [smem:$0x0];
	_ =	sdelay $0x2  }
0xc1: {  	s31 =	sshll.u32 s1, $0xD;
	s1 =	sshrl.u32 s1, $0x2  }
0xc2: {  	s3 =	sand.u32 $0x4000, s31;
	s1 =	sadd.s32 s1, s30  }
0xc3: {  	s0 =	sor.u32 s3, s0;
	s1 =	sshll.u32 s1, $0x11  }
0xc4: {  	s0 =	sor.u32 s1, s0  }
0xc5: {  	s0 =	sadd.s32 $0x8F2B, s0  }
0xc6: {  	[sflag:s0] =	ssyncadd.remote.s32 $0x1  }
0xc7: {  	_ =	sfence.sel $0xFFFF  }
0xc8: {  	[dreg:$0x0] =	wrdreg $0xFFFFFFFF;
	(pc) =	sbr.abs _section_cstart, $3  }
0xc9: {  	[dreg:$0x1] =	wrdreg $0xFFFFFFFF  }
0xca: {  	_ =	task.clear_ibuf [dreg:s9], $0x2FFFF;
	_ =	strace $0x9FFFFFFF  }
0xcb: {  	(tm) =	ssettm $0x7FFFFFFF  }
tec
execute0_lowered:
.L_overlay_start_1:
0x0: {  	(tag) =	ssettag $0x1  }
0x1: {  	s0 =	rddreg [dreg:$0x0]  }
0x2: {  	s10 =	rddreg [dreg:$0x1]  }
0x3: {  	s1 =	rddreg [dreg:$0x2]  }
0x4: {  	s6 =	rddreg [dreg:$0x3]  }
0x5: {  	s2 =	rddreg [dreg:$0x4];
	s4 =	simm.s32 $0x0;
	s3 =	srdreg.scid  }
0x6: {  	s15 =	simm.s32 $0x13880;
	s16 =	simm.s32 $0x5;
	s17 =	simm.s32 $0x14C80  }
0x7: {  	s18 =	simm.s32 $0x80;
	s19 =	simm.s32 $0x16080;
	s20 =	simm.s32 $0x1  }
0x8: {  	s21 =	simm.s32 $0x13900;
	s22 =	simm.s32 $0x1A080;
	s23 =	simm.s32 $0x2  }
0x9: {  	s28 =	simm.s32 $0x15F00;
	[smem:$0x7FF] =	sst s4;
	s7 =	sand.u32 $0x1, s3  }
0xa: {  	s31 =	simm.s32 $0x0;
	s3 =	stileid.u32;
	s8 =	smul.u32 $0x138800, s7  }
0xb: {  	s5 =	sadd.s32 $0x3000, s6;
	s9 =	smul.u32 $0x1F400, s3;
	s11 =	sshll.u32 s7, $0x4  }
0xc: {  	_ =	strace $0x8000004A;
	s24 =	smul.u32 $0x7D000, s3;
	s25 =	sor.u32 s3, s11  }
0xd: {  	s7 =	ssub.s32 $0x2, s7;
	p0 =	sgt.u32 s3, $0x9;
	s26 =	smul.u32 $0x500, s25  }
0xe: {  	s12 =	sshrl.u32 s7, $0x1;
	s8 =	sadd.s32 s9, s8;
	s13 =	smul.u32 $0x2800, s25  }
0xf: {  	s12 =	ssub.s32 s7, s12;
	s29 =	sshrl.u32 s24, $0x2;
	s24 =	simm.s32 $0x3  }
0x10: {  	p1 =	sgt.u32 s25, $0x3;
	s25 =	simm.s32 $0x4;
	s8 =	sshrl.u32 s8, $0x3  }
.Ltmp0:
0x11: {  	s12 =	smax.u32 s12, $0x1;
	s14 =	sadd.s32 s8, s6;
	(pc) =	sbr.rel .LBB2_1-.Ltmp0, $4  }
0x12: {  	s6 =	sadd.s32 s29, s2;
	s7 =	sadd.s32 s0, s26;
	s30 =	sshrl.u32 s13, $0x3  }
0x13: {  	s8 =	sadd.s32 s10, s26;
	s26 =	simm.s32 $0x16000;
	s11 =	sadd.s32 $0x280, s30  }
0x14: {  	s9 =	sadd.s32 s0, s11;
	s10 =	sadd.s32 s10, s11;
	s0 =	sshll.u32 @!p0 s3, $0x6  }
0x15: {  	s11 =	sadd.s32 $0x55200, s14;
	s14 =	sshrl.u32 @!p0 s6, $0x3;
	s13 =	sor.u32 @!p0 $0x1C05, s0  }
.LBB2_6:
0x16: {  	s0 =	simm.s32 $0x14B80  }
0x17: {  	[tilespmem:s19], [sflag:$0x1] =	stream.indirect.gather [hbm4b:s1+s18], $0x80, s0, s18, $0xb8;
	[tilespmem:$0x1E080] =	vst v63  }
0x18: {  	_ =	swait.ge [sflag:s20], $0x4000  }
0x19: {  	[sflag:s20] =	ssyncset.done $0x0  }
0x1a: {  	s30 =	simm.s32 $0x15F80;
	[sflag:s20] =	ssyncadd.s32 $0xFFFFC000  }
0x1b: {  	[spmem:s2] =	stream.indirect.scatter.add.f32 [tilespmem:s19], [sflag:$0x5], $0x80, s30, s18, $0xb8;
	[tilespmem:$0x1E080] =	vst v63  }
0x1c: {  	_ =	swait.ge [sflag:s16], $0x4000  }
0x1d: {  	[sflag:s16] =	ssyncset.done $0x0  }
0x1e: {  	[sflag:s16] =	ssyncadd.s32 $0xFFFFC000  }
0x1f: {  	[bflag:$0x0] =	sbarrier.arrive $0xFFFF  }
.LBB2_8:
0x20: {  	s0 =	sshll.u32 s3, $0x6  }
0x21: {  	s29 =	sshrl.u32 s6, $0x3;
	s0 =	sor.u32 $0x1C05, s0  }
0x22: {  	[hbm:s11], [sflag:s0] =	dma.local [spmem:s29], $0x3E80  }
0x23: {  	_ =	swait.ge [sflag:s16], $0x3E80  }
0x24: {  	[sflag:s16] =	ssyncset.done $0x0  }
0x25: {  	[sflag:s16] =	ssyncadd.s32 $0xFFFFC180  }
.LBB2_9:
0x26: {  	s31 =	sadd.s32 $0x1, s31  }
0x27: {  	p2 =	sne.s32 s31, s12  }
.Ltmp1:
0x28: {  	_ = 	snop;
	(pc) =	sbr.rel @!p2 .LBB2_10-.Ltmp1, $1  }
0x29: {  	_ =	sdelay $0x3  }
.LBB2_1:
0x2a: {  	[spmem:s14], [sflag:s13] =	dma.local @!p0 [hbm:s5], $0x3E80  }
0x2b: {  	s0 =	simm.s32 @!p0 $0x5  }
0x2c: {  	_ =	swait.ge @!p0 [sflag:s0], $0x3E80  }
0x2d: {  	[sflag:s0] =	ssyncset.done @!p0 $0x0  }
0x2e: {  	[sflag:s0] =	ssyncadd.s32 @!p0 $0xFFFFC180  }
0x2f: {  	[bflag:$0x0] =	sbarrier.arrive $0xFFFF  }
0x30: {  	[tilespmem:s15], [sflag:$0x5] =	stream.linear.gather [hbm4b:s7+s4], $0x1400, $0x38;
	[tilespmem:$0x1E080] =	vst v63  }
0x31: {  	_ =	swait.ge [sflag:s16], $0x1400  }
0x32: {  	[sflag:s16] =	ssyncset.done $0x0  }
0x33: {  	[sflag:s16] =	ssyncadd.s32 $0xFFFFEC00  }
0x34: {  	[tilespmem:s17], [sflag:$0x5] =	stream.linear.gather [hbm4b:s8+s4], $0x1400, $0x38;
	[tilespmem:$0x1E080] =	vst v63  }
0x35: {  	_ =	swait.ge [sflag:s16], $0x1400  }
0x36: {  	[sflag:s16] =	ssyncset.done $0x0  }
0x37: {  	[sflag:s16] =	ssyncadd.s32 $0xFFFFEC00  }
0x38: {  	[tilespmem:s19], [sflag:$0x1] =	stream.indirect.gather [hbm4b:s1+s18], $0x80, s15, s18, $0xb8;
	[tilespmem:$0x1E080] =	vst v63  }
0x39: {  	_ =	swait.ge [sflag:s20], $0x4000  }
0x3a: {  	[sflag:s20] =	ssyncset.done $0x0  }
0x3b: {  	[sflag:s20] =	ssyncadd.s32 $0xFFFFC000  }
0x3c: {  	[spmem:s2] =	stream.indirect.scatter.add.f32 [tilespmem:s19], [sflag:$0x3], $0x80, s17, s18, $0xb8;
	[tilespmem:$0x1E080] =	vst v63  }
0x3d: {  	_ = 	snop  }
0x3e: {  	[tilespmem:s22], [sflag:$0x2] =	stream.indirect.gather [hbm4b:s1+s18], $0x80, s21, s18, $0xb8;
	[tilespmem:$0x1E080] =	vst v63  }
0x3f: {  	_ =	swait.ge [sflag:s23], $0x4000  }
0x40: {  	[sflag:s23] =	ssyncset.done $0x0  }
0x41: {  	s30 =	simm.s32 $0x14D00;
	[sflag:s23] =	ssyncadd.s32 $0xFFFFC000  }
0x42: {  	[spmem:s2] =	stream.indirect.scatter.add.f32 [tilespmem:s22], [sflag:$0x4], $0x80, s30, s18, $0xb8;
	[tilespmem:$0x1E080] =	vst v63  }
0x43: {  	_ =	swait.ge [sflag:s24], $0x4000  }
0x44: {  	[sflag:s24] =	ssyncset.done $0x0  }
0x45: {  	s30 =	simm.s32 $0x13980;
	[sflag:s24] =	ssyncadd.s32 $0xFFFFC000  }
0x46: {  	[tilespmem:s19], [sflag:$0x1] =	stream.indirect.gather [hbm4b:s1+s18], $0x80, s30, s18, $0xb8;
	[tilespmem:$0x1E080] =	vst v63  }
0x47: {  	_ =	swait.ge [sflag:s20], $0x4000  }
0x48: {  	[sflag:s20] =	ssyncset.done $0x0  }
0x49: {  	s30 =	simm.s32 $0x14D80;
	[sflag:s20] =	ssyncadd.s32 $0xFFFFC000  }
0x4a: {  	[spmem:s2] =	stream.indirect.scatter.add.f32 [tilespmem:s19], [sflag:$0x3], $0x80, s30, s18, $0xb8;
	[tilespmem:$0x1E080] =	vst v63  }
0x4b: {  	_ =	swait.ge [sflag:s25], $0x4000  }
0x4c: {  	[sflag:s25] =	ssyncset.done $0x0  }
0x4d: {  	s29 =	simm.s32 $0x13A00;
	s0 =	simm.s32 $0xFFFFB800;
	[sflag:s25] =	ssyncadd.s32 $0xFFFFC000  }
.LBB2_2:
0x4e: {  	[tilespmem:s22], [sflag:$0x2] =	stream.indirect.gather [hbm4b:s1+s18], $0x80, s29, s18, $0xb8;
	[tilespmem:$0x1E080] =	vst v63  }
0x4f: {  	s29 =	smov.u32 s0  }
0x50: {  	p2 =	sne.s32 s0, $0xFFFFFC00;
	s0 =	sadd.s32 $0x400, s0;
	_ =	swait.ge [sflag:s23], $0x4000  }
0x51: {  	s29 =	sshra.s32 s29, $0x2;
	[sflag:s23] =	ssyncset.done $0x0  }
0x52: {  	s30 =	sadd.s32 $0x16000, s29;
	[sflag:s23] =	ssyncadd.s32 $0xFFFFC000  }
0x53: {  	[spmem:s2] =	stream.indirect.scatter.add.f32 [tilespmem:s22], [sflag:$0x4], $0x80, s30, s18, $0xb8;
	[tilespmem:$0x1E080] =	vst v63  }
0x54: {  	_ =	swait.ge [sflag:s24], $0x4000  }
0x55: {  	[sflag:s24] =	ssyncset.done $0x0  }
0x56: {  	s30 =	sadd.s32 $0x14C80, s29;
	[sflag:s24] =	ssyncadd.s32 $0xFFFFC000  }
0x57: {  	[tilespmem:s19], [sflag:$0x1] =	stream.indirect.gather [hbm4b:s1+s18], $0x80, s30, s18, $0xb8;
	[tilespmem:$0x1E080] =	vst v63  }
0x58: {  	_ =	swait.ge [sflag:s20], $0x4000  }
0x59: {  	[sflag:s20] =	ssyncset.done $0x0  }
.Ltmp2:
0x5a: {  	s30 =	sadd.s32 $0x16080, s29;
	[sflag:s20] =	ssyncadd.s32 $0xFFFFC000;
	(pc) =	sbr.rel @p2 .LBB2_2-.Ltmp2, $4  }
0x5b: {  	[spmem:s2] =	stream.indirect.scatter.add.f32 [tilespmem:s19], [sflag:$0x3], $0x80, s30, s18, $0xb8;
	[tilespmem:$0x1E080] =	vst v63  }
0x5c: {  	_ =	swait.ge [sflag:s25], $0x4000  }
0x5d: {  	[sflag:s25] =	ssyncset.done $0x0  }
0x5e: {  	s29 =	sadd.s32 $0x14D00, s29;
	[sflag:s25] =	ssyncadd.s32 $0xFFFFC000  }
0x5f: {  	[tilespmem:s22], [sflag:$0x2] =	stream.indirect.gather [hbm4b:s1+s18], $0x80, s29, s18, $0xb8;
	[tilespmem:$0x1E080] =	vst v63  }
0x60: {  	_ =	swait.ge [sflag:s23], $0x4000  }
0x61: {  	[sflag:s23] =	ssyncset.done $0x0  }
0x62: {  	[sflag:s23] =	ssyncadd.s32 $0xFFFFC000  }
0x63: {  	[spmem:s2] =	stream.indirect.scatter.add.f32 [tilespmem:s22], [sflag:$0x4], $0x80, s26, s18, $0xb8;
	[tilespmem:$0x1E080] =	vst v63  }
0x64: {  	_ =	swait.ge [sflag:s24], $0x4000  }
0x65: {  	[sflag:s24] =	ssyncset.done $0x0  }
0x66: {  	[sflag:s24] =	ssyncadd.s32 $0xFFFFC000  }
0x67: {  	_ =	swait.ge [sflag:s25], $0x4000  }
0x68: {  	[sflag:s25] =	ssyncset.done $0x0  }
0x69: {  	[sflag:s25] =	ssyncadd.s32 $0xFFFFC000  }
0x6a: {  	[tilespmem:s15], [sflag:$0x5] =	stream.linear.gather [hbm4b:s9+s4], $0x1400, $0x38;
	[tilespmem:$0x1E080] =	vst v63  }
0x6b: {  	_ =	swait.ge [sflag:s16], $0x1400  }
0x6c: {  	[sflag:s16] =	ssyncset.done $0x0  }
0x6d: {  	[sflag:s16] =	ssyncadd.s32 $0xFFFFEC00  }
0x6e: {  	[tilespmem:s17], [sflag:$0x5] =	stream.linear.gather [hbm4b:s10+s4], $0x1400, $0x38;
	[tilespmem:$0x1E080] =	vst v63  }
0x6f: {  	_ =	swait.ge [sflag:s16], $0x1400  }
0x70: {  	[sflag:s16] =	ssyncset.done $0x0  }
0x71: {  	[sflag:s16] =	ssyncadd.s32 $0xFFFFEC00  }
0x72: {  	[tilespmem:s19], [sflag:$0x1] =	stream.indirect.gather [hbm4b:s1+s18], $0x80, s15, s18, $0xb8;
	[tilespmem:$0x1E080] =	vst v63  }
0x73: {  	_ =	swait.ge [sflag:s20], $0x4000  }
0x74: {  	[sflag:s20] =	ssyncset.done $0x0  }
0x75: {  	[sflag:s20] =	ssyncadd.s32 $0xFFFFC000  }
0x76: {  	[spmem:s2] =	stream.indirect.scatter.add.f32 [tilespmem:s19], [sflag:$0x3], $0x80, s17, s18, $0xb8;
	[tilespmem:$0x1E080] =	vst v63  }
0x77: {  	_ = 	snop  }
0x78: {  	[tilespmem:s22], [sflag:$0x2] =	stream.indirect.gather [hbm4b:s1+s18], $0x80, s21, s18, $0xb8;
	[tilespmem:$0x1E080] =	vst v63  }
0x79: {  	_ =	swait.ge [sflag:s23], $0x4000  }
0x7a: {  	[sflag:s23] =	ssyncset.done $0x0  }
0x7b: {  	s0 =	simm.s32 $0x14D00;
	[sflag:s23] =	ssyncadd.s32 $0xFFFFC000  }
0x7c: {  	[spmem:s2] =	stream.indirect.scatter.add.f32 [tilespmem:s22], [sflag:$0x4], $0x80, s0, s18, $0xb8;
	[tilespmem:$0x1E080] =	vst v63  }
0x7d: {  	_ =	swait.ge [sflag:s24], $0x4000  }
0x7e: {  	[sflag:s24] =	ssyncset.done $0x0  }
0x7f: {  	s30 =	simm.s32 $0x13980;
	[sflag:s24] =	ssyncadd.s32 $0xFFFFC000  }
0x80: {  	[tilespmem:s19], [sflag:$0x1] =	stream.indirect.gather [hbm4b:s1+s18], $0x80, s30, s18, $0xb8;
	[tilespmem:$0x1E080] =	vst v63  }
0x81: {  	_ =	swait.ge [sflag:s20], $0x4000  }
0x82: {  	[sflag:s20] =	ssyncset.done $0x0  }
0x83: {  	s30 =	simm.s32 $0x14D80;
	[sflag:s20] =	ssyncadd.s32 $0xFFFFC000  }
0x84: {  	[spmem:s2] =	stream.indirect.scatter.add.f32 [tilespmem:s19], [sflag:$0x3], $0x80, s30, s18, $0xb8;
	[tilespmem:$0x1E080] =	vst v63  }
0x85: {  	_ =	swait.ge [sflag:s25], $0x4000  }
0x86: {  	[sflag:s25] =	ssyncset.done $0x0  }
0x87: {  	s29 =	simm.s32 $0x13A00;
	s0 =	simm.s32 $0xFFFFBC00;
	[sflag:s25] =	ssyncadd.s32 $0xFFFFC000  }
.LBB2_4:
0x88: {  	[tilespmem:s22], [sflag:$0x2] =	stream.indirect.gather [hbm4b:s1+s18], $0x80, s29, s18, $0xb8;
	[tilespmem:$0x1E080] =	vst v63  }
0x89: {  	s29 =	smov.u32 s0  }
0x8a: {  	p2 =	sne.s32 s0, $0xFFFFFC00;
	s0 =	sadd.s32 $0x400, s0;
	_ =	swait.ge [sflag:s23], $0x4000  }
0x8b: {  	s29 =	sshra.s32 s29, $0x2;
	[sflag:s23] =	ssyncset.done $0x0  }
0x8c: {  	s30 =	sadd.s32 $0x15F00, s29;
	[sflag:s23] =	ssyncadd.s32 $0xFFFFC000  }
0x8d: {  	[spmem:s2] =	stream.indirect.scatter.add.f32 [tilespmem:s22], [sflag:$0x4], $0x80, s30, s18, $0xb8;
	[tilespmem:$0x1E080] =	vst v63  }
0x8e: {  	_ =	swait.ge [sflag:s24], $0x4000  }
0x8f: {  	[sflag:s24] =	ssyncset.done $0x0  }
0x90: {  	s30 =	sadd.s32 $0x14B80, s29;
	[sflag:s24] =	ssyncadd.s32 $0xFFFFC000  }
0x91: {  	[tilespmem:s19], [sflag:$0x1] =	stream.indirect.gather [hbm4b:s1+s18], $0x80, s30, s18, $0xb8;
	[tilespmem:$0x1E080] =	vst v63  }
0x92: {  	_ =	swait.ge [sflag:s20], $0x4000  }
0x93: {  	[sflag:s20] =	ssyncset.done $0x0  }
.Ltmp3:
0x94: {  	s30 =	sadd.s32 $0x15F80, s29;
	[sflag:s20] =	ssyncadd.s32 $0xFFFFC000;
	(pc) =	sbr.rel @p2 .LBB2_4-.Ltmp3, $4  }
0x95: {  	[spmem:s2] =	stream.indirect.scatter.add.f32 [tilespmem:s19], [sflag:$0x3], $0x80, s30, s18, $0xb8;
	[tilespmem:$0x1E080] =	vst v63  }
0x96: {  	_ =	swait.ge [sflag:s25], $0x4000  }
0x97: {  	[sflag:s25] =	ssyncset.done $0x0  }
0x98: {  	s29 =	sadd.s32 $0x14C00, s29;
	[sflag:s25] =	ssyncadd.s32 $0xFFFFC000  }
0x99: {  	[tilespmem:s22], [sflag:$0x2] =	stream.indirect.gather [hbm4b:s1+s18], $0x80, s29, s18, $0xb8;
	[tilespmem:$0x1E080] =	vst v63  }
0x9a: {  	_ =	swait.ge [sflag:s23], $0x4000  }
0x9b: {  	[sflag:s23] =	ssyncset.done $0x0  }
0x9c: {  	[sflag:s23] =	ssyncadd.s32 $0xFFFFC000  }
0x9d: {  	[spmem:s2] =	stream.indirect.scatter.add.f32 [tilespmem:s22], [sflag:$0x4], $0x80, s28, s18, $0xb8;
	[tilespmem:$0x1E080] =	vst v63  }
0x9e: {  	_ =	swait.ge [sflag:s24], $0x4000  }
.Ltmp4:
0x9f: {  	[sflag:s24] =	ssyncset.done $0x0;
	(pc) =	sbr.rel @!p1 .LBB2_6-.Ltmp4, $4  }
0xa0: {  	[sflag:s24] =	ssyncadd.s32 $0xFFFFC000  }
0xa1: {  	_ =	swait.ge [sflag:s25], $0x4000  }
0xa2: {  	[sflag:s25] =	ssyncset.done $0x0  }
0xa3: {  	[sflag:s25] =	ssyncadd.s32 $0xFFFFC000  }
.Ltmp5:
0xa4: {  	(pc) =	sbr.rel @p0 .LBB2_9-.Ltmp5, $4  }
.Ltmp6:
0xa5: {  	(pc) =	sbr.rel @!p0 .LBB2_8-.Ltmp6, $4  }
0xa6: {  	_ = 	snop  }
0xa7: {  	[bflag:$0x0] =	sbarrier.arrive $0xFFFF  }
0xa8: {  	_ = 	snop  }
0xa9: {  	_ = 	snop  }
.LBB2_10:
0xaa: {  	_ =	sfence.sel $0x180000  }
0xab: {  	[bflag:$0x0] =	sbarrier.arrive $0xFFFF  }
0xac: {  	_ =	strace $0x9000004A  }
0xad: {  	[bflag:$0x2] =	sbarrier.arrive $0xFFFF  }
0xae: {  	p0 =	sne.s32 s3, $0x0;
	s0 =	rddreg [dreg:$0x5]  }
0xaf: {  	s0 =	sadd.s32 @!p0 $0x100000, s0  }
0xb0: {  	[sflag:s0] =	ssyncadd.tile.s32 @!p0 $0x1;
	_ =	shalt  }
.Lfunc_end2:
_tile_overlayer_lowered:
.L_overlay_start_2:
0xb1: {  	(tag) =	ssettag $0x2  }
0xb2: {  	s0 =	rddreg [dreg:$0x0];
	s2 =	stileid.u32  }
0xb3: {  	s1 =	rddreg [dreg:$0x1];
	p0 =	sne.s32 s2, $0x0  }
0xb4: {  	s3 =	rddreg [dreg:$0x2];
	[bflag:$0x3] =	sbarrier.arrive $0xFFFF;
	s2 =	simm.s32 @!p0 $0x1C05  }
0xb5: {  	[timem:s3], [sflag:s2] =	dma.local @!p0 [hbm:s0], s1  }
0xb6: {  	s0 =	simm.s32 @!p0 $0x5  }
0xb7: {  	_ =	swait.ge @!p0 [sflag:s0], s1  }
0xb8: {  	s1 =	ssub.s32 @!p0 $0x0, s1;
	[sflag:s0] =	ssyncset.done @!p0 $0x0  }
0xb9: {  	[sflag:s0] =	ssyncadd.s32 @!p0 s1  }
0xba: {  	[bflag:$0x3] =	sbarrier.arrive $0xFFFF  }
0xbb: {  	_ =	shalt  }

// kernel: kernel.14.cloned.1.call-start
scs
__scs_entry_jumppad:
0x0: {  	(pc) =	sbr.rel $0x88, $3  }
0x1: {  	(tag) =	ssettag $0x0;
	lr =	simm.s32 $0x1  }
0x2: {  	[smem:$0x3F91] =	sst lr;
	_ =	strace $0xD0000000  }
0x3: {  	_ = 	snop  }
0x4: {  	_ = 	snop  }
0x5: {  	_ = 	snop  }
0x6: {  	_ = 	snop  }
0x7: {  	_ = 	snop  }
__scs_overlays_trampoline_lowered:
0x8: {  	[smem:$0x3FA0] =	sst s0  }
0x9: {  	[smem:$0x3FA1] =	sst s1  }
0xa: {  	[smem:$0x3FA2] =	sst s2  }
0xb: {  	[smem:$0x3FA3] =	sst s3  }
0xc: {  	[smem:$0x3FA4] =	sst s4  }
0xd: {  	[smem:$0x3FA5] =	sst s5  }
0xe: {  	[smem:$0x3FA6] =	sst s6  }
0xf: {  	[smem:$0x3FA7] =	sst s7  }
0x10: {  	[smem:$0x3FA8] =	sst s8  }
0x11: {  	[smem:$0x3FA9] =	sst s9;
	s0 =	simm.s32 @!p0 $0x0  }
0x12: {  	s1 =	sld [smem:$0x3F8F];
	s0 =	simm.s32 @p0 $0x1  }
0x13: {  	[smem:$0x3FAA] =	sst s0;
	s0 =	simm.s32 @!p1 $0x0  }
0x14: {  	s2 =	sld [smem:$0x3F8E];
	s0 =	simm.s32 @p1 $0x1  }
0x15: {  	[smem:$0x3FAB] =	sst s0;
	s0 =	simm.s32 @!p2 $0x0  }
0x16: {  	s3 =	sld [smem:$0x3FDB];
	s0 =	simm.s32 @p2 $0x1  }
0x17: {  	s4 =	simm.s32 $0x1BF5;
	[smem:$0x3FAD] =	sst s0  }
0x18: {  	s0 =	sld [smem:$0x3F90];
	_ =	swait.ge [sflag:s4], $0x0  }
0x19: {  	s7 =	sld [smem:$0x3F91]  }
0x1a: {  	s8 =	sadd.s32 $0xFFFFE003, lr  }
0x1b: {  	s9 =	sadd.s32 $0xFFFFFEF7, lr;
	s5 =	simm.s32 $0xFFFFFFFF;
	p2 =	slt.u32 s8, $0xFFFFF086  }
0x1c: {  	p1 =	slt.u32 s9, $0xF7A;
	s5 =	simm.s32 @!p2 $0x0  }
0x1d: {  	s5 =	simm.s32 @p1 $0x1;
	p0 =	seq.s32 s7, s2  }
0x1e: {  	s7 =	smul.u32 @!p0 $0xF7A, s2;
	p2 =	seq.s32 @!p0 s5, $0x0  }
0x1f: {  	s9 =	smul.u32 $0xF7A, s1;
	s8 =	simm.s32 @!p0 $0x1BF5;
	p2 =	por !p2, p0  }
0x20: {  	[sflag:s8] =	ssyncset.s32 @!p0 $0xFFFFF086;
	s6 =	sadd.s32 @!p0 s3, s7;
	s7 =	simm.s32 @!p0 $0x108  }
0x21: {  	s3 =	sadd.s32 s3, s9;
	s6 =	sadd.s32 @!p0 $0x88, s6;
	s7 =	simm.s32 @p2 $0x1082  }
0x22: {  	[simem:s7], [sflag:s8] =	dma.local @!p0 [hbm:s6], $0xF7A  }
0x23: {  	s9 =	sor.u32 $0xD0000000, s2;
	s6 =	simm.s32 $0x108;
	_ =	swait.ge @!p0 [sflag:s8], $0x0  }
0x24: {  	s3 =	sadd.s32 $0x88, s3;
	s6 =	simm.s32 @!p1 $0x1082;
	[sflag:s4] =	ssyncset.s32 $0xFFFFF086  }
0x25: {  	[simem:s6], [sflag:s4] =	dma.local [hbm:s3], $0xF7A  }
0x26: {  	[smem:$0x3F91] =	sst s1;
	(tag) =	ssettag s2;
	_ =	strace s9  }
0x27: {  	s1 =	sld [smem:$0x3FA1]  }
0x28: {  	s2 =	sld [smem:$0x3FA2]  }
0x29: {  	s4 =	sld [smem:$0x3FA4]  }
0x2a: {  	p0 =	seq.s32 s5, $0x0;
	s5 =	sld [smem:$0x3FA5]  }
0x2b: {  	s6 =	sld [smem:$0x3FA6]  }
0x2c: {  	s7 =	sld [smem:$0x3FA7]  }
0x2d: {  	s3 =	simm.s32 $0x108;
	s8 =	sld [smem:$0x3FA8]  }
0x2e: {  	s3 =	simm.s32 @!p0 $0x1082;
	s9 =	sld [smem:$0x3FA9]  }
0x2f: {  	lr =	sadd.s32 s0, s3;
	s0 =	sld [smem:$0x3FA0]  }
0x30: {  	s3 =	sld [smem:$0x3FA3]  }
0x31: {  	[smem:$0x3FAC] =	sst s10  }
0x32: {  	s10 =	sld [smem:$0x3FAA];
	_ =	sdelay $0x3  }
0x33: {  	p0 =	seq.s32 s10, $0x1;
	s10 =	sld [smem:$0x3FAC];
	_ =	sdelay $0x3  }
0x34: {  	[smem:$0x3FAC] =	sst s10  }
0x35: {  	s10 =	sld [smem:$0x3FAB];
	_ =	sdelay $0x3  }
0x36: {  	p1 =	seq.s32 s10, $0x1;
	s10 =	sld [smem:$0x3FAC];
	_ =	sdelay $0x3  }
0x37: {  	[smem:$0x3FAC] =	sst s10  }
0x38: {  	s10 =	sld [smem:$0x3FAD]  }
0x39: {  	_ = 	snop;
	(pc) =	sbr.ind lr, $3  }
0x3a: {  	_ = 	snop  }
0x3b: {  	_ = 	snop  }
0x3c: {  	p2 =	seq.s32 s10, $0x1;
	s10 =	sld [smem:$0x3FAC]  }
0x3d: {  	_ =	shalt  }
0x3e: {  	_ =	shalt  }
0x3f: {  	_ =	shalt  }
0x40: {  	_ =	shalt  }
0x41: {  	_ =	shalt  }
0x42: {  	_ =	shalt  }
0x43: {  	_ =	shalt  }
0x44: {  	_ =	shalt  }
0x45: {  	_ =	shalt  }
0x46: {  	_ =	shalt  }
0x47: {  	_ =	shalt  }
0x48: {  	_ =	shalt  }
0x49: {  	_ =	shalt  }
0x4a: {  	_ =	shalt  }
0x4b: {  	_ =	shalt  }
0x4c: {  	_ =	shalt  }
0x4d: {  	_ =	shalt  }
0x4e: {  	_ =	shalt  }
0x4f: {  	_ =	shalt  }
0x50: {  	_ =	shalt  }
0x51: {  	_ =	shalt  }
0x52: {  	_ =	shalt  }
0x53: {  	_ =	shalt  }
0x54: {  	_ =	shalt  }
0x55: {  	_ =	shalt  }
0x56: {  	_ =	shalt  }
0x57: {  	_ =	shalt  }
0x58: {  	_ =	shalt  }
0x59: {  	_ =	shalt  }
0x5a: {  	_ =	shalt  }
0x5b: {  	_ =	shalt  }
0x5c: {  	_ =	shalt  }
0x5d: {  	_ =	shalt  }
0x5e: {  	_ =	shalt  }
0x5f: {  	_ =	shalt  }
0x60: {  	_ =	shalt  }
0x61: {  	_ =	shalt  }
0x62: {  	_ =	shalt  }
0x63: {  	_ =	shalt  }
0x64: {  	_ =	shalt  }
0x65: {  	_ =	shalt  }
0x66: {  	_ =	shalt  }
0x67: {  	_ =	shalt  }
0x68: {  	_ =	shalt  }
0x69: {  	_ =	shalt  }
0x6a: {  	_ =	shalt  }
0x6b: {  	_ =	shalt  }
0x6c: {  	_ =	shalt  }
0x6d: {  	_ =	shalt  }
0x6e: {  	_ =	shalt  }
0x6f: {  	_ =	shalt  }
0x70: {  	_ =	shalt  }
0x71: {  	_ =	shalt  }
0x72: {  	_ =	shalt  }
0x73: {  	_ =	shalt  }
0x74: {  	_ =	shalt  }
0x75: {  	_ =	shalt  }
0x76: {  	_ =	shalt  }
0x77: {  	_ =	shalt  }
0x78: {  	_ =	shalt  }
0x79: {  	_ =	shalt  }
0x7a: {  	_ =	shalt  }
0x7b: {  	_ =	shalt  }
0x7c: {  	_ =	shalt  }
0x7d: {  	_ =	shalt  }
0x7e: {  	_ =	shalt  }
0x7f: {  	_ =	shalt  }
0x80: {  	_ =	shalt  }
0x81: {  	_ =	shalt  }
0x82: {  	_ =	shalt  }
0x83: {  	_ =	shalt  }
0x84: {  	_ =	shalt  }
0x85: {  	_ =	shalt  }
0x86: {  	_ =	shalt  }
0x87: {  	_ =	shalt  }
.Lfunc_end0:
.L_simem_size_0:
called_computation.2_lowered:
.L_overlay_start_0:
0x88: {  	s2 =	sld [smem:$0x3FD9]  }
0x89: {  	s3 =	sld [smem:$0x3FFE];
	_ =	sdelay $0x1  }
0x8a: {  	s1 =	srdreg.scid  }
0x8b: {  	s0 =	sand.u32 $0x1, s1  }
0x8c: {  	s14 =	sshll.u32 s0, $0xA;
	s2 =	sadd.s32 s3, s2  }
0x8d: {  	s2 =	sadd.s32 s2, s14  }
0x8e: {  	[smem:$0x3FB8] =	sst s2  }
0x8f: {  	_ = 	snop  }
0x90: {  	s2 =	sld [smem:$0x3FD0];
	_ =	sdelay $0x2  }
0x91: {  	s15 =	simm.s32 $0xA;
	s4 =	simm.s32 $0x10  }
0x92: {  	[smem:s4], [sflag:s15] =	dma.local [hbm:s2], $0x1  }
0x93: {  	_ =	swait.eq [sflag:s15], $0x1  }
0x94: {  	s16 =	sld [smem:$0x10];
	[sflag:s15] =	ssyncset.done $0x0  }
0x95: {  	s17 =	sld [smem:$0x11];
	[sflag:s15] =	ssyncadd.s32 $0xFFFFFFFF  }
0x96: {  	s18 =	sld [smem:$0x12];
	(tm) =	ssettm $0x1  }
0x97: {  	s5 =	sld [smem:$0x3FFB];
	_ =	sdelay $0x3  }
0x98: {  	_ =	strace s5  }
0x99: {  	s5 =	sld [smem:$0x3FFC];
	_ =	sdelay $0x3  }
0x9a: {  	_ =	strace s5  }
0x9b: {  	s5 =	sld [smem:$0x3FFD];
	_ =	sdelay $0x3  }
0x9c: {  	_ =	strace s5  }
0x9d: {  	_ =	strace $0x8FFFFFFF  }
0x9e: {  	s19 =	sld [smem:$0x3FDB];
	_ =	sdelay $0x1  }
0x9f: {  	s6 =	simm.s32 $_scs_section_size  }
0xa0: {  	s7 =	simm.s32 $_size__tile_overlayer_lowered;
	s8 =	simm.s32 $_tile_overlayer_lowered  }
0xa1: {  	s22 =	simm.s32 $0x1BFF;
	s21 =	sshll.u32 s8, $0x1;
	s5 =	sadd.s32 s6, s19  }
0xa2: {  	s9 =	simm.s32 $0x0;
	s20 =	sshll.u32 s7, $0x1;
	s7 =	sadd.s32 s21, s5  }
0xa3: {  	[timem:s9], [sflag:s22] =	dma.local [hbm:s7], s20  }
0xa4: {  	_ =	swait.ge [sflag:s22], s20  }
0xa5: {  	s6 =	ssub.s32 $0x0, s20;
	[sflag:s22] =	ssyncset.done $0x0  }
0xa6: {  	[sflag:s22] =	ssyncadd.s32 s6;
	_ =	sdelay $0x1  }
0xa7: {  	s23 =	simm.s32 $0x1B8B  }
0xa8: {  	_ =	swait.ge [sflag:s23], $0x1  }
0xa9: {  	[sflag:s23] =	ssyncset.done $0x0  }
0xaa: {  	s25 =	simm.s32 $0x1B8E;
	s24 =	sld [smem:$0x3FFE];
	[sflag:s23] =	ssyncadd.s32 $0xFFFFFFFF  }
0xab: {  	s26 =	simm.s32 $execute0_lowered;
	[smem:$0x3FD2] =	sst s25  }
0xac: {  	s7 =	sshll.u32 s26, $0x1;
	_ =	strace $0x8000004C;
	[dreg:$0x1] =	wrdreg $0xFFFFFFFF  }
0xad: {  	s28 =	simm.s32 $_size_execute0_lowered;
	s5 =	sadd.s32 s5, s7;
	[dreg:$0x0] =	wrdreg $0x0  }
0xae: {  	s7 =	sshll.u32 s28, $0x1;
	[dreg:$0x2] =	wrdreg s5  }
0xaf: {  	[dreg:$0x3] =	wrdreg s7  }
0xb0: {  	[dreg:$0x4] =	wrdreg $0xC0  }
0xb1: {  	_ =	task [dreg:s9], $0x5FFFF  }
0xb2: {  	[dreg:$0x1] =	wrdreg $0xFFFFFFFF  }
0xb3: {  	[dreg:$0x0] =	wrdreg $0x60  }
0xb4: {  	[dreg:$0x2] =	wrdreg s17  }
0xb5: {  	[dreg:$0x3] =	wrdreg s16  }
0xb6: {  	[dreg:$0x4] =	wrdreg s18  }
0xb7: {  	[dreg:$0x5] =	wrdreg s24  }
0xb8: {  	[dreg:$0x6] =	wrdreg $0x0  }
0xb9: {  	[dreg:$0x7] =	wrdreg $0x9  }
0xba: {  	_ =	task.clear_ibuf [dreg:s9], $0x8FFFF;
	_ =	strace $0x9000004C  }
0xbb: {  	s29 =	simm.s32 $0x9;
	_ =	strace $0x8000004E  }
0xbc: {  	_ =	swait.ge [sflag:s29], $0x1  }
0xbd: {  	[sflag:s29] =	ssyncadd.s32 $0xFFFFFFFF  }
0xbe: {  	_ =	strace $0x9000004E  }
0xbf: {  	_ =	sfence  }
0xc0: {  	s30 =	sld [smem:$0x0];
	_ =	sdelay $0x2  }
0xc1: {  	s31 =	sshll.u32 s1, $0xD;
	s1 =	sshrl.u32 s1, $0x2  }
0xc2: {  	s3 =	sand.u32 $0x4000, s31;
	s1 =	sadd.s32 s1, s30  }
0xc3: {  	s0 =	sor.u32 s3, s0;
	s1 =	sshll.u32 s1, $0x11  }
0xc4: {  	s0 =	sor.u32 s1, s0  }
0xc5: {  	s0 =	sadd.s32 $0x8F2B, s0  }
0xc6: {  	[sflag:s0] =	ssyncadd.remote.s32 $0x1  }
0xc7: {  	_ =	sfence.sel $0xFFFF  }
0xc8: {  	[dreg:$0x0] =	wrdreg $0xFFFFFFFF;
	(pc) =	sbr.abs _section_cstart, $3  }
0xc9: {  	[dreg:$0x1] =	wrdreg $0xFFFFFFFF  }
0xca: {  	_ =	task.clear_ibuf [dreg:s9], $0x2FFFF;
	_ =	strace $0x9FFFFFFF  }
0xcb: {  	(tm) =	ssettm $0x7FFFFFFF  }
tec
execute0_lowered:
.L_overlay_start_1:
0x0: {  	(tag) =	ssettag $0x1  }
0x1: {  	s0 =	rddreg [dreg:$0x0]  }
0x2: {  	s10 =	rddreg [dreg:$0x1]  }
0x3: {  	s1 =	rddreg [dreg:$0x2]  }
0x4: {  	s6 =	rddreg [dreg:$0x3]  }
0x5: {  	s2 =	rddreg [dreg:$0x4];
	s4 =	simm.s32 $0x0;
	s3 =	srdreg.scid  }
0x6: {  	s15 =	simm.s32 $0x13880;
	s16 =	simm.s32 $0x5;
	s17 =	simm.s32 $0x14C80  }
0x7: {  	s18 =	simm.s32 $0x80;
	s19 =	simm.s32 $0x16080;
	s20 =	simm.s32 $0x1  }
0x8: {  	s21 =	simm.s32 $0x13900;
	s22 =	simm.s32 $0x1A080;
	s23 =	simm.s32 $0x2  }
0x9: {  	s28 =	simm.s32 $0x15F00;
	[smem:$0x7FF] =	sst s4;
	s7 =	sand.u32 $0x1, s3  }
0xa: {  	s31 =	simm.s32 $0x0;
	s3 =	stileid.u32;
	s8 =	smul.u32 $0x138800, s7  }
0xb: {  	s5 =	sadd.s32 $0x3000, s6;
	s9 =	smul.u32 $0x1F400, s3;
	s11 =	sshll.u32 s7, $0x4  }
0xc: {  	_ =	strace $0x8000004D;
	s24 =	smul.u32 $0x7D000, s3;
	s25 =	sor.u32 s3, s11  }
0xd: {  	s7 =	ssub.s32 $0x2, s7;
	p0 =	sgt.u32 s3, $0x9;
	s26 =	smul.u32 $0x500, s25  }
0xe: {  	s12 =	sshrl.u32 s7, $0x1;
	s8 =	sadd.s32 s9, s8;
	s13 =	smul.u32 $0x2800, s25  }
0xf: {  	s12 =	ssub.s32 s7, s12;
	s29 =	sshrl.u32 s24, $0x2;
	s24 =	simm.s32 $0x3  }
0x10: {  	p1 =	sgt.u32 s25, $0x3;
	s25 =	simm.s32 $0x4;
	s8 =	sshrl.u32 s8, $0x3  }
.Ltmp0:
0x11: {  	s12 =	smax.u32 s12, $0x1;
	s14 =	sadd.s32 s8, s6;
	(pc) =	sbr.rel .LBB2_1-.Ltmp0, $4  }
0x12: {  	s6 =	sadd.s32 s29, s2;
	s7 =	sadd.s32 s0, s26;
	s30 =	sshrl.u32 s13, $0x3  }
0x13: {  	s8 =	sadd.s32 s10, s26;
	s26 =	simm.s32 $0x16000;
	s11 =	sadd.s32 $0x280, s30  }
0x14: {  	s9 =	sadd.s32 s0, s11;
	s10 =	sadd.s32 s10, s11;
	s0 =	sshll.u32 @!p0 s3, $0x6  }
0x15: {  	s11 =	sadd.s32 $0x55200, s14;
	s14 =	sshrl.u32 @!p0 s6, $0x3;
	s13 =	sor.u32 @!p0 $0x1C05, s0  }
.LBB2_6:
0x16: {  	s0 =	simm.s32 $0x14B80  }
0x17: {  	[tilespmem:s19], [sflag:$0x1] =	stream.indirect.gather [hbm4b:s1+s18], $0x80, s0, s18, $0xb8;
	[tilespmem:$0x1E080] =	vst v63  }
0x18: {  	_ =	swait.ge [sflag:s20], $0x4000  }
0x19: {  	[sflag:s20] =	ssyncset.done $0x0  }
0x1a: {  	s30 =	simm.s32 $0x15F80;
	[sflag:s20] =	ssyncadd.s32 $0xFFFFC000  }
0x1b: {  	[spmem:s2] =	stream.indirect.scatter.add.f32 [tilespmem:s19], [sflag:$0x5], $0x80, s30, s18, $0xb8;
	[tilespmem:$0x1E080] =	vst v63  }
0x1c: {  	_ =	swait.ge [sflag:s16], $0x4000  }
0x1d: {  	[sflag:s16] =	ssyncset.done $0x0  }
0x1e: {  	[sflag:s16] =	ssyncadd.s32 $0xFFFFC000  }
0x1f: {  	[bflag:$0x0] =	sbarrier.arrive $0xFFFF  }
.LBB2_8:
0x20: {  	s0 =	sshll.u32 s3, $0x6  }
0x21: {  	s29 =	sshrl.u32 s6, $0x3;
	s0 =	sor.u32 $0x1C05, s0  }
0x22: {  	[hbm:s11], [sflag:s0] =	dma.local [spmem:s29], $0x3E80  }
0x23: {  	_ =	swait.ge [sflag:s16], $0x3E80  }
0x24: {  	[sflag:s16] =	ssyncset.done $0x0  }
0x25: {  	[sflag:s16] =	ssyncadd.s32 $0xFFFFC180  }
.LBB2_9:
0x26: {  	s31 =	sadd.s32 $0x1, s31  }
0x27: {  	p2 =	sne.s32 s31, s12  }
.Ltmp1:
0x28: {  	_ = 	snop;
	(pc) =	sbr.rel @!p2 .LBB2_10-.Ltmp1, $1  }
0x29: {  	_ =	sdelay $0x3  }
.LBB2_1:
0x2a: {  	[spmem:s14], [sflag:s13] =	dma.local @!p0 [hbm:s5], $0x3E80  }
0x2b: {  	s0 =	simm.s32 @!p0 $0x5  }
0x2c: {  	_ =	swait.ge @!p0 [sflag:s0], $0x3E80  }
0x2d: {  	[sflag:s0] =	ssyncset.done @!p0 $0x0  }
0x2e: {  	[sflag:s0] =	ssyncadd.s32 @!p0 $0xFFFFC180  }
0x2f: {  	[bflag:$0x0] =	sbarrier.arrive $0xFFFF  }
0x30: {  	[tilespmem:s15], [sflag:$0x5] =	stream.linear.gather [hbm4b:s7+s4], $0x1400, $0x38;
	[tilespmem:$0x1E080] =	vst v63  }
0x31: {  	_ =	swait.ge [sflag:s16], $0x1400  }
0x32: {  	[sflag:s16] =	ssyncset.done $0x0  }
0x33: {  	[sflag:s16] =	ssyncadd.s32 $0xFFFFEC00  }
0x34: {  	[tilespmem:s17], [sflag:$0x5] =	stream.linear.gather [hbm4b:s8+s4], $0x1400, $0x38;
	[tilespmem:$0x1E080] =	vst v63  }
0x35: {  	_ =	swait.ge [sflag:s16], $0x1400  }
0x36: {  	[sflag:s16] =	ssyncset.done $0x0  }
0x37: {  	[sflag:s16] =	ssyncadd.s32 $0xFFFFEC00  }
0x38: {  	[tilespmem:s19], [sflag:$0x1] =	stream.indirect.gather [hbm4b:s1+s18], $0x80, s15, s18, $0xb8;
	[tilespmem:$0x1E080] =	vst v63  }
0x39: {  	_ =	swait.ge [sflag:s20], $0x4000  }
0x3a: {  	[sflag:s20] =	ssyncset.done $0x0  }
0x3b: {  	[sflag:s20] =	ssyncadd.s32 $0xFFFFC000  }
0x3c: {  	[spmem:s2] =	stream.indirect.scatter.add.f32 [tilespmem:s19], [sflag:$0x3], $0x80, s17, s18, $0xb8;
	[tilespmem:$0x1E080] =	vst v63  }
0x3d: {  	_ = 	snop  }
0x3e: {  	[tilespmem:s22], [sflag:$0x2] =	stream.indirect.gather [hbm4b:s1+s18], $0x80, s21, s18, $0xb8;
	[tilespmem:$0x1E080] =	vst v63  }
0x3f: {  	_ =	swait.ge [sflag:s23], $0x4000  }
0x40: {  	[sflag:s23] =	ssyncset.done $0x0  }
0x41: {  	s30 =	simm.s32 $0x14D00;
	[sflag:s23] =	ssyncadd.s32 $0xFFFFC000  }
0x42: {  	[spmem:s2] =	stream.indirect.scatter.add.f32 [tilespmem:s22], [sflag:$0x4], $0x80, s30, s18, $0xb8;
	[tilespmem:$0x1E080] =	vst v63  }
0x43: {  	_ =	swait.ge [sflag:s24], $0x4000  }
0x44: {  	[sflag:s24] =	ssyncset.done $0x0  }
0x45: {  	s30 =	simm.s32 $0x13980;
	[sflag:s24] =	ssyncadd.s32 $0xFFFFC000  }
0x46: {  	[tilespmem:s19], [sflag:$0x1] =	stream.indirect.gather [hbm4b:s1+s18], $0x80, s30, s18, $0xb8;
	[tilespmem:$0x1E080] =	vst v63  }
0x47: {  	_ =	swait.ge [sflag:s20], $0x4000  }
0x48: {  	[sflag:s20] =	ssyncset.done $0x0  }
0x49: {  	s30 =	simm.s32 $0x14D80;
	[sflag:s20] =	ssyncadd.s32 $0xFFFFC000  }
0x4a: {  	[spmem:s2] =	stream.indirect.scatter.add.f32 [tilespmem:s19], [sflag:$0x3], $0x80, s30, s18, $0xb8;
	[tilespmem:$0x1E080] =	vst v63  }
0x4b: {  	_ =	swait.ge [sflag:s25], $0x4000  }
0x4c: {  	[sflag:s25] =	ssyncset.done $0x0  }
0x4d: {  	s29 =	simm.s32 $0x13A00;
	s0 =	simm.s32 $0xFFFFB800;
	[sflag:s25] =	ssyncadd.s32 $0xFFFFC000  }
.LBB2_2:
0x4e: {  	[tilespmem:s22], [sflag:$0x2] =	stream.indirect.gather [hbm4b:s1+s18], $0x80, s29, s18, $0xb8;
	[tilespmem:$0x1E080] =	vst v63  }
0x4f: {  	s29 =	smov.u32 s0  }
0x50: {  	p2 =	sne.s32 s0, $0xFFFFFC00;
	s0 =	sadd.s32 $0x400, s0;
	_ =	swait.ge [sflag:s23], $0x4000  }
0x51: {  	s29 =	sshra.s32 s29, $0x2;
	[sflag:s23] =	ssyncset.done $0x0  }
0x52: {  	s30 =	sadd.s32 $0x16000, s29;
	[sflag:s23] =	ssyncadd.s32 $0xFFFFC000  }
0x53: {  	[spmem:s2] =	stream.indirect.scatter.add.f32 [tilespmem:s22], [sflag:$0x4], $0x80, s30, s18, $0xb8;
	[tilespmem:$0x1E080] =	vst v63  }
0x54: {  	_ =	swait.ge [sflag:s24], $0x4000  }
0x55: {  	[sflag:s24] =	ssyncset.done $0x0  }
0x56: {  	s30 =	sadd.s32 $0x14C80, s29;
	[sflag:s24] =	ssyncadd.s32 $0xFFFFC000  }
0x57: {  	[tilespmem:s19], [sflag:$0x1] =	stream.indirect.gather [hbm4b:s1+s18], $0x80, s30, s18, $0xb8;
	[tilespmem:$0x1E080] =	vst v63  }
0x58: {  	_ =	swait.ge [sflag:s20], $0x4000  }
0x59: {  	[sflag:s20] =	ssyncset.done $0x0  }
.Ltmp2:
0x5a: {  	s30 =	sadd.s32 $0x16080, s29;
	[sflag:s20] =	ssyncadd.s32 $0xFFFFC000;
	(pc) =	sbr.rel @p2 .LBB2_2-.Ltmp2, $4  }
0x5b: {  	[spmem:s2] =	stream.indirect.scatter.add.f32 [tilespmem:s19], [sflag:$0x3], $0x80, s30, s18, $0xb8;
	[tilespmem:$0x1E080] =	vst v63  }
0x5c: {  	_ =	swait.ge [sflag:s25], $0x4000  }
0x5d: {  	[sflag:s25] =	ssyncset.done $0x0  }
0x5e: {  	s29 =	sadd.s32 $0x14D00, s29;
	[sflag:s25] =	ssyncadd.s32 $0xFFFFC000  }
0x5f: {  	[tilespmem:s22], [sflag:$0x2] =	stream.indirect.gather [hbm4b:s1+s18], $0x80, s29, s18, $0xb8;
	[tilespmem:$0x1E080] =	vst v63  }
0x60: {  	_ =	swait.ge [sflag:s23], $0x4000  }
0x61: {  	[sflag:s23] =	ssyncset.done $0x0  }
0x62: {  	[sflag:s23] =	ssyncadd.s32 $0xFFFFC000  }
0x63: {  	[spmem:s2] =	stream.indirect.scatter.add.f32 [tilespmem:s22], [sflag:$0x4], $0x80, s26, s18, $0xb8;
	[tilespmem:$0x1E080] =	vst v63  }
0x64: {  	_ =	swait.ge [sflag:s24], $0x4000  }
0x65: {  	[sflag:s24] =	ssyncset.done $0x0  }
0x66: {  	[sflag:s24] =	ssyncadd.s32 $0xFFFFC000  }
0x67: {  	_ =	swait.ge [sflag:s25], $0x4000  }
0x68: {  	[sflag:s25] =	ssyncset.done $0x0  }
0x69: {  	[sflag:s25] =	ssyncadd.s32 $0xFFFFC000  }
0x6a: {  	[tilespmem:s15], [sflag:$0x5] =	stream.linear.gather [hbm4b:s9+s4], $0x1400, $0x38;
	[tilespmem:$0x1E080] =	vst v63  }
0x6b: {  	_ =	swait.ge [sflag:s16], $0x1400  }
0x6c: {  	[sflag:s16] =	ssyncset.done $0x0  }
0x6d: {  	[sflag:s16] =	ssyncadd.s32 $0xFFFFEC00  }
0x6e: {  	[tilespmem:s17], [sflag:$0x5] =	stream.linear.gather [hbm4b:s10+s4], $0x1400, $0x38;
	[tilespmem:$0x1E080] =	vst v63  }
0x6f: {  	_ =	swait.ge [sflag:s16], $0x1400  }
0x70: {  	[sflag:s16] =	ssyncset.done $0x0  }
0x71: {  	[sflag:s16] =	ssyncadd.s32 $0xFFFFEC00  }
0x72: {  	[tilespmem:s19], [sflag:$0x1] =	stream.indirect.gather [hbm4b:s1+s18], $0x80, s15, s18, $0xb8;
	[tilespmem:$0x1E080] =	vst v63  }
0x73: {  	_ =	swait.ge [sflag:s20], $0x4000  }
0x74: {  	[sflag:s20] =	ssyncset.done $0x0  }
0x75: {  	[sflag:s20] =	ssyncadd.s32 $0xFFFFC000  }
0x76: {  	[spmem:s2] =	stream.indirect.scatter.add.f32 [tilespmem:s19], [sflag:$0x3], $0x80, s17, s18, $0xb8;
	[tilespmem:$0x1E080] =	vst v63  }
0x77: {  	_ = 	snop  }
0x78: {  	[tilespmem:s22], [sflag:$0x2] =	stream.indirect.gather [hbm4b:s1+s18], $0x80, s21, s18, $0xb8;
	[tilespmem:$0x1E080] =	vst v63  }
0x79: {  	_ =	swait.ge [sflag:s23], $0x4000  }
0x7a: {  	[sflag:s23] =	ssyncset.done $0x0  }
0x7b: {  	s0 =	simm.s32 $0x14D00;
	[sflag:s23] =	ssyncadd.s32 $0xFFFFC000  }
0x7c: {  	[spmem:s2] =	stream.indirect.scatter.add.f32 [tilespmem:s22], [sflag:$0x4], $0x80, s0, s18, $0xb8;
	[tilespmem:$0x1E080] =	vst v63  }
0x7d: {  	_ =	swait.ge [sflag:s24], $0x4000  }
0x7e: {  	[sflag:s24] =	ssyncset.done $0x0  }
0x7f: {  	s30 =	simm.s32 $0x13980;
	[sflag:s24] =	ssyncadd.s32 $0xFFFFC000  }
0x80: {  	[tilespmem:s19], [sflag:$0x1] =	stream.indirect.gather [hbm4b:s1+s18], $0x80, s30, s18, $0xb8;
	[tilespmem:$0x1E080] =	vst v63  }
0x81: {  	_ =	swait.ge [sflag:s20], $0x4000  }
0x82: {  	[sflag:s20] =	ssyncset.done $0x0  }
0x83: {  	s30 =	simm.s32 $0x14D80;
	[sflag:s20] =	ssyncadd.s32 $0xFFFFC000  }
0x84: {  	[spmem:s2] =	stream.indirect.scatter.add.f32 [tilespmem:s19], [sflag:$0x3], $0x80, s30, s18, $0xb8;
	[tilespmem:$0x1E080] =	vst v63  }
0x85: {  	_ =	swait.ge [sflag:s25], $0x4000  }
0x86: {  	[sflag:s25] =	ssyncset.done $0x0  }
0x87: {  	s29 =	simm.s32 $0x13A00;
	s0 =	simm.s32 $0xFFFFBC00;
	[sflag:s25] =	ssyncadd.s32 $0xFFFFC000  }
.LBB2_4:
0x88: {  	[tilespmem:s22], [sflag:$0x2] =	stream.indirect.gather [hbm4b:s1+s18], $0x80, s29, s18, $0xb8;
	[tilespmem:$0x1E080] =	vst v63  }
0x89: {  	s29 =	smov.u32 s0  }
0x8a: {  	p2 =	sne.s32 s0, $0xFFFFFC00;
	s0 =	sadd.s32 $0x400, s0;
	_ =	swait.ge [sflag:s23], $0x4000  }
0x8b: {  	s29 =	sshra.s32 s29, $0x2;
	[sflag:s23] =	ssyncset.done $0x0  }
0x8c: {  	s30 =	sadd.s32 $0x15F00, s29;
	[sflag:s23] =	ssyncadd.s32 $0xFFFFC000  }
0x8d: {  	[spmem:s2] =	stream.indirect.scatter.add.f32 [tilespmem:s22], [sflag:$0x4], $0x80, s30, s18, $0xb8;
	[tilespmem:$0x1E080] =	vst v63  }
0x8e: {  	_ =	swait.ge [sflag:s24], $0x4000  }
0x8f: {  	[sflag:s24] =	ssyncset.done $0x0  }
0x90: {  	s30 =	sadd.s32 $0x14B80, s29;
	[sflag:s24] =	ssyncadd.s32 $0xFFFFC000  }
0x91: {  	[tilespmem:s19], [sflag:$0x1] =	stream.indirect.gather [hbm4b:s1+s18], $0x80, s30, s18, $0xb8;
	[tilespmem:$0x1E080] =	vst v63  }
0x92: {  	_ =	swait.ge [sflag:s20], $0x4000  }
0x93: {  	[sflag:s20] =	ssyncset.done $0x0  }
.Ltmp3:
0x94: {  	s30 =	sadd.s32 $0x15F80, s29;
	[sflag:s20] =	ssyncadd.s32 $0xFFFFC000;
	(pc) =	sbr.rel @p2 .LBB2_4-.Ltmp3, $4  }
0x95: {  	[spmem:s2] =	stream.indirect.scatter.add.f32 [tilespmem:s19], [sflag:$0x3], $0x80, s30, s18, $0xb8;
	[tilespmem:$0x1E080] =	vst v63  }
0x96: {  	_ =	swait.ge [sflag:s25], $0x4000  }
0x97: {  	[sflag:s25] =	ssyncset.done $0x0  }
0x98: {  	s29 =	sadd.s32 $0x14C00, s29;
	[sflag:s25] =	ssyncadd.s32 $0xFFFFC000  }
0x99: {  	[tilespmem:s22], [sflag:$0x2] =	stream.indirect.gather [hbm4b:s1+s18], $0x80, s29, s18, $0xb8;
	[tilespmem:$0x1E080] =	vst v63  }
0x9a: {  	_ =	swait.ge [sflag:s23], $0x4000  }
0x9b: {  	[sflag:s23] =	ssyncset.done $0x0  }
0x9c: {  	[sflag:s23] =	ssyncadd.s32 $0xFFFFC000  }
0x9d: {  	[spmem:s2] =	stream.indirect.scatter.add.f32 [tilespmem:s22], [sflag:$0x4], $0x80, s28, s18, $0xb8;
	[tilespmem:$0x1E080] =	vst v63  }
0x9e: {  	_ =	swait.ge [sflag:s24], $0x4000  }
.Ltmp4:
0x9f: {  	[sflag:s24] =	ssyncset.done $0x0;
	(pc) =	sbr.rel @!p1 .LBB2_6-.Ltmp4, $4  }
0xa0: {  	[sflag:s24] =	ssyncadd.s32 $0xFFFFC000  }
0xa1: {  	_ =	swait.ge [sflag:s25], $0x4000  }
0xa2: {  	[sflag:s25] =	ssyncset.done $0x0  }
0xa3: {  	[sflag:s25] =	ssyncadd.s32 $0xFFFFC000  }
.Ltmp5:
0xa4: {  	(pc) =	sbr.rel @p0 .LBB2_9-.Ltmp5, $4  }
.Ltmp6:
0xa5: {  	(pc) =	sbr.rel @!p0 .LBB2_8-.Ltmp6, $4  }
0xa6: {  	_ = 	snop  }
0xa7: {  	[bflag:$0x0] =	sbarrier.arrive $0xFFFF  }
0xa8: {  	_ = 	snop  }
0xa9: {  	_ = 	snop  }
.LBB2_10:
0xaa: {  	_ =	sfence.sel $0x180000  }
0xab: {  	[bflag:$0x0] =	sbarrier.arrive $0xFFFF  }
0xac: {  	_ =	strace $0x9000004D  }
0xad: {  	[bflag:$0x2] =	sbarrier.arrive $0xFFFF  }
0xae: {  	p0 =	sne.s32 s3, $0x0;
	s0 =	rddreg [dreg:$0x5]  }
0xaf: {  	s0 =	sadd.s32 @!p0 $0x100000, s0  }
0xb0: {  	[sflag:s0] =	ssyncadd.tile.s32 @!p0 $0x1;
	_ =	shalt  }
.Lfunc_end2:
_tile_overlayer_lowered:
.L_overlay_start_2:
0xb1: {  	(tag) =	ssettag $0x2  }
0xb2: {  	s0 =	rddreg [dreg:$0x0];
	s2 =	stileid.u32  }
0xb3: {  	s1 =	rddreg [dreg:$0x1];
	p0 =	sne.s32 s2, $0x0  }
0xb4: {  	s3 =	rddreg [dreg:$0x2];
	[bflag:$0x3] =	sbarrier.arrive $0xFFFF;
	s2 =	simm.s32 @!p0 $0x1C05  }
0xb5: {  	[timem:s3], [sflag:s2] =	dma.local @!p0 [hbm:s0], s1  }
0xb6: {  	s0 =	simm.s32 @!p0 $0x5  }
0xb7: {  	_ =	swait.ge @!p0 [sflag:s0], s1  }
0xb8: {  	s1 =	ssub.s32 @!p0 $0x0, s1;
	[sflag:s0] =	ssyncset.done @!p0 $0x0  }
0xb9: {  	[sflag:s0] =	ssyncadd.s32 @!p0 s1  }
0xba: {  	[bflag:$0x3] =	sbarrier.arrive $0xFFFF  }
0xbb: {  	_ =	shalt  }

// kernel: kernel.8.cloned.1.call-start
scs
__scs_entry_jumppad:
0x0: {  	(pc) =	sbr.rel $0x88, $3  }
0x1: {  	(tag) =	ssettag $0x0;
	lr =	simm.s32 $0x1  }
0x2: {  	[smem:$0x3F91] =	sst lr;
	_ =	strace $0xD0000000  }
0x3: {  	_ = 	snop  }
0x4: {  	_ = 	snop  }
0x5: {  	_ = 	snop  }
0x6: {  	_ = 	snop  }
0x7: {  	_ = 	snop  }
__scs_overlays_trampoline_lowered:
0x8: {  	[smem:$0x3FA0] =	sst s0  }
0x9: {  	[smem:$0x3FA1] =	sst s1  }
0xa: {  	[smem:$0x3FA2] =	sst s2  }
0xb: {  	[smem:$0x3FA3] =	sst s3  }
0xc: {  	[smem:$0x3FA4] =	sst s4  }
0xd: {  	[smem:$0x3FA5] =	sst s5  }
0xe: {  	[smem:$0x3FA6] =	sst s6  }
0xf: {  	[smem:$0x3FA7] =	sst s7  }
0x10: {  	[smem:$0x3FA8] =	sst s8  }
0x11: {  	[smem:$0x3FA9] =	sst s9;
	s0 =	simm.s32 @!p0 $0x0  }
0x12: {  	s1 =	sld [smem:$0x3F8F];
	s0 =	simm.s32 @p0 $0x1  }
0x13: {  	[smem:$0x3FAA] =	sst s0;
	s0 =	simm.s32 @!p1 $0x0  }
0x14: {  	s2 =	sld [smem:$0x3F8E];
	s0 =	simm.s32 @p1 $0x1  }
0x15: {  	[smem:$0x3FAB] =	sst s0;
	s0 =	simm.s32 @!p2 $0x0  }
0x16: {  	s3 =	sld [smem:$0x3FDB];
	s0 =	simm.s32 @p2 $0x1  }
0x17: {  	s4 =	simm.s32 $0x1BF5;
	[smem:$0x3FAD] =	sst s0  }
0x18: {  	s0 =	sld [smem:$0x3F90];
	_ =	swait.ge [sflag:s4], $0x0  }
0x19: {  	s7 =	sld [smem:$0x3F91]  }
0x1a: {  	s8 =	sadd.s32 $0xFFFFE003, lr  }
0x1b: {  	s9 =	sadd.s32 $0xFFFFFEF7, lr;
	s5 =	simm.s32 $0xFFFFFFFF;
	p2 =	slt.u32 s8, $0xFFFFF086  }
0x1c: {  	p1 =	slt.u32 s9, $0xF7A;
	s5 =	simm.s32 @!p2 $0x0  }
0x1d: {  	s5 =	simm.s32 @p1 $0x1;
	p0 =	seq.s32 s7, s2  }
0x1e: {  	s7 =	smul.u32 @!p0 $0xF7A, s2;
	p2 =	seq.s32 @!p0 s5, $0x0  }
0x1f: {  	s9 =	smul.u32 $0xF7A, s1;
	s8 =	simm.s32 @!p0 $0x1BF5;
	p2 =	por !p2, p0  }
0x20: {  	[sflag:s8] =	ssyncset.s32 @!p0 $0xFFFFF086;
	s6 =	sadd.s32 @!p0 s3, s7;
	s7 =	simm.s32 @!p0 $0x108  }
0x21: {  	s3 =	sadd.s32 s3, s9;
	s6 =	sadd.s32 @!p0 $0x88, s6;
	s7 =	simm.s32 @p2 $0x1082  }
0x22: {  	[simem:s7], [sflag:s8] =	dma.local @!p0 [hbm:s6], $0xF7A  }
0x23: {  	s9 =	sor.u32 $0xD0000000, s2;
	s6 =	simm.s32 $0x108;
	_ =	swait.ge @!p0 [sflag:s8], $0x0  }
0x24: {  	s3 =	sadd.s32 $0x88, s3;
	s6 =	simm.s32 @!p1 $0x1082;
	[sflag:s4] =	ssyncset.s32 $0xFFFFF086  }
0x25: {  	[simem:s6], [sflag:s4] =	dma.local [hbm:s3], $0xF7A  }
0x26: {  	[smem:$0x3F91] =	sst s1;
	(tag) =	ssettag s2;
	_ =	strace s9  }
0x27: {  	s1 =	sld [smem:$0x3FA1]  }
0x28: {  	s2 =	sld [smem:$0x3FA2]  }
0x29: {  	s4 =	sld [smem:$0x3FA4]  }
0x2a: {  	p0 =	seq.s32 s5, $0x0;
	s5 =	sld [smem:$0x3FA5]  }
0x2b: {  	s6 =	sld [smem:$0x3FA6]  }
0x2c: {  	s7 =	sld [smem:$0x3FA7]  }
0x2d: {  	s3 =	simm.s32 $0x108;
	s8 =	sld [smem:$0x3FA8]  }
0x2e: {  	s3 =	simm.s32 @!p0 $0x1082;
	s9 =	sld [smem:$0x3FA9]  }
0x2f: {  	lr =	sadd.s32 s0, s3;
	s0 =	sld [smem:$0x3FA0]  }
0x30: {  	s3 =	sld [smem:$0x3FA3]  }
0x31: {  	[smem:$0x3FAC] =	sst s10  }
0x32: {  	s10 =	sld [smem:$0x3FAA];
	_ =	sdelay $0x3  }
0x33: {  	p0 =	seq.s32 s10, $0x1;
	s10 =	sld [smem:$0x3FAC];
	_ =	sdelay $0x3  }
0x34: {  	[smem:$0x3FAC] =	sst s10  }
0x35: {  	s10 =	sld [smem:$0x3FAB];
	_ =	sdelay $0x3  }
0x36: {  	p1 =	seq.s32 s10, $0x1;
	s10 =	sld [smem:$0x3FAC];
	_ =	sdelay $0x3  }
0x37: {  	[smem:$0x3FAC] =	sst s10  }
0x38: {  	s10 =	sld [smem:$0x3FAD]  }
0x39: {  	_ = 	snop;
	(pc) =	sbr.ind lr, $3  }
0x3a: {  	_ = 	snop  }
0x3b: {  	_ = 	snop  }
0x3c: {  	p2 =	seq.s32 s10, $0x1;
	s10 =	sld [smem:$0x3FAC]  }
0x3d: {  	_ =	shalt  }
0x3e: {  	_ =	shalt  }
0x3f: {  	_ =	shalt  }
0x40: {  	_ =	shalt  }
0x41: {  	_ =	shalt  }
0x42: {  	_ =	shalt  }
0x43: {  	_ =	shalt  }
0x44: {  	_ =	shalt  }
0x45: {  	_ =	shalt  }
0x46: {  	_ =	shalt  }
0x47: {  	_ =	shalt  }
0x48: {  	_ =	shalt  }
0x49: {  	_ =	shalt  }
0x4a: {  	_ =	shalt  }
0x4b: {  	_ =	shalt  }
0x4c: {  	_ =	shalt  }
0x4d: {  	_ =	shalt  }
0x4e: {  	_ =	shalt  }
0x4f: {  	_ =	shalt  }
0x50: {  	_ =	shalt  }
0x51: {  	_ =	shalt  }
0x52: {  	_ =	shalt  }
0x53: {  	_ =	shalt  }
0x54: {  	_ =	shalt  }
0x55: {  	_ =	shalt  }
0x56: {  	_ =	shalt  }
0x57: {  	_ =	shalt  }
0x58: {  	_ =	shalt  }
0x59: {  	_ =	shalt  }
0x5a: {  	_ =	shalt  }
0x5b: {  	_ =	shalt  }
0x5c: {  	_ =	shalt  }
0x5d: {  	_ =	shalt  }
0x5e: {  	_ =	shalt  }
0x5f: {  	_ =	shalt  }
0x60: {  	_ =	shalt  }
0x61: {  	_ =	shalt  }
0x62: {  	_ =	shalt  }
0x63: {  	_ =	shalt  }
0x64: {  	_ =	shalt  }
0x65: {  	_ =	shalt  }
0x66: {  	_ =	shalt  }
0x67: {  	_ =	shalt  }
0x68: {  	_ =	shalt  }
0x69: {  	_ =	shalt  }
0x6a: {  	_ =	shalt  }
0x6b: {  	_ =	shalt  }
0x6c: {  	_ =	shalt  }
0x6d: {  	_ =	shalt  }
0x6e: {  	_ =	shalt  }
0x6f: {  	_ =	shalt  }
0x70: {  	_ =	shalt  }
0x71: {  	_ =	shalt  }
0x72: {  	_ =	shalt  }
0x73: {  	_ =	shalt  }
0x74: {  	_ =	shalt  }
0x75: {  	_ =	shalt  }
0x76: {  	_ =	shalt  }
0x77: {  	_ =	shalt  }
0x78: {  	_ =	shalt  }
0x79: {  	_ =	shalt  }
0x7a: {  	_ =	shalt  }
0x7b: {  	_ =	shalt  }
0x7c: {  	_ =	shalt  }
0x7d: {  	_ =	shalt  }
0x7e: {  	_ =	shalt  }
0x7f: {  	_ =	shalt  }
0x80: {  	_ =	shalt  }
0x81: {  	_ =	shalt  }
0x82: {  	_ =	shalt  }
0x83: {  	_ =	shalt  }
0x84: {  	_ =	shalt  }
0x85: {  	_ =	shalt  }
0x86: {  	_ =	shalt  }
0x87: {  	_ =	shalt  }
.Lfunc_end0:
.L_simem_size_0:
called_computation_lowered:
.L_overlay_start_0:
0x88: {  	s2 =	sld [smem:$0x3FD9]  }
0x89: {  	s3 =	sld [smem:$0x3FFE];
	_ =	sdelay $0x1  }
0x8a: {  	s1 =	srdreg.scid  }
0x8b: {  	s0 =	sand.u32 $0x1, s1  }
0x8c: {  	s14 =	sshll.u32 s0, $0xA;
	s2 =	sadd.s32 s3, s2  }
0x8d: {  	s2 =	sadd.s32 s2, s14  }
0x8e: {  	[smem:$0x3FB8] =	sst s2  }
0x8f: {  	_ = 	snop  }
0x90: {  	s2 =	sld [smem:$0x3FD0];
	_ =	sdelay $0x2  }
0x91: {  	s15 =	simm.s32 $0xA;
	s4 =	simm.s32 $0x10  }
0x92: {  	[smem:s4], [sflag:s15] =	dma.local [hbm:s2], $0x1  }
0x93: {  	_ =	swait.eq [sflag:s15], $0x1  }
0x94: {  	[sflag:s15] =	ssyncset.done $0x0  }
0x95: {  	s16 =	sld [smem:$0x11];
	[sflag:s15] =	ssyncadd.s32 $0xFFFFFFFF  }
0x96: {  	s17 =	sld [smem:$0x12];
	(tm) =	ssettm $0x1  }
0x97: {  	s18 =	sld [smem:$0x3FFB];
	_ =	sdelay $0x3  }
0x98: {  	_ =	strace s18  }
0x99: {  	s4 =	sld [smem:$0x3FFC];
	_ =	sdelay $0x3  }
0x9a: {  	_ =	strace s4  }
0x9b: {  	s4 =	sld [smem:$0x3FFD];
	_ =	sdelay $0x3  }
0x9c: {  	_ =	strace s4  }
0x9d: {  	_ =	strace $0x8FFFFFFF  }
0x9e: {  	s19 =	sld [smem:$0x3FDB];
	_ =	sdelay $0x1  }
0x9f: {  	s5 =	simm.s32 $_scs_section_size  }
0xa0: {  	s6 =	simm.s32 $_size__tile_overlayer_lowered;
	s7 =	simm.s32 $_tile_overlayer_lowered  }
0xa1: {  	s22 =	simm.s32 $0x1BFF;
	s21 =	sshll.u32 s7, $0x1;
	s4 =	sadd.s32 s5, s19  }
0xa2: {  	s8 =	simm.s32 $0x0;
	s20 =	sshll.u32 s6, $0x1;
	s6 =	sadd.s32 s21, s4  }
0xa3: {  	[timem:s8], [sflag:s22] =	dma.local [hbm:s6], s20  }
0xa4: {  	_ =	swait.ge [sflag:s22], s20  }
0xa5: {  	s5 =	ssub.s32 $0x0, s20;
	[sflag:s22] =	ssyncset.done $0x0  }
0xa6: {  	[sflag:s22] =	ssyncadd.s32 s5;
	_ =	sdelay $0x1  }
0xa7: {  	s23 =	simm.s32 $0x1B8B  }
0xa8: {  	_ =	swait.ge [sflag:s23], $0x1  }
0xa9: {  	[sflag:s23] =	ssyncset.done $0x0  }
0xaa: {  	s25 =	simm.s32 $0x1B8E;
	s24 =	sld [smem:$0x3FFE];
	[sflag:s23] =	ssyncadd.s32 $0xFFFFFFFF  }
0xab: {  	s26 =	simm.s32 $execute0_lowered;
	[smem:$0x3FD2] =	sst s25  }
0xac: {  	s6 =	sshll.u32 s26, $0x1;
	_ =	strace $0x80000046;
	[dreg:$0x1] =	wrdreg $0xFFFFFFFF  }
0xad: {  	s28 =	simm.s32 $_size_execute0_lowered;
	s4 =	sadd.s32 s4, s6;
	[dreg:$0x0] =	wrdreg $0x0  }
0xae: {  	s6 =	sshll.u32 s28, $0x1;
	[dreg:$0x2] =	wrdreg s4  }
0xaf: {  	[dreg:$0x3] =	wrdreg s6  }
0xb0: {  	[dreg:$0x4] =	wrdreg $0xC0  }
0xb1: {  	_ =	task [dreg:s8], $0x5FFFF  }
0xb2: {  	[dreg:$0x1] =	wrdreg $0xFFFFFFFF  }
0xb3: {  	[dreg:$0x0] =	wrdreg $0x60  }
0xb4: {  	[dreg:$0x2] =	wrdreg s16  }
0xb5: {  	[dreg:$0x3] =	wrdreg s17  }
0xb6: {  	[dreg:$0x4] =	wrdreg s24  }
0xb7: {  	[dreg:$0x5] =	wrdreg $0x0  }
0xb8: {  	[dreg:$0x6] =	wrdreg $0x9  }
0xb9: {  	_ =	task.clear_ibuf [dreg:s8], $0x7FFFF;
	_ =	strace $0x90000046  }
0xba: {  	s29 =	simm.s32 $0x9;
	_ =	strace $0x80000048  }
0xbb: {  	_ =	swait.ge [sflag:s29], $0x1  }
0xbc: {  	[sflag:s29] =	ssyncadd.s32 $0xFFFFFFFF  }
0xbd: {  	_ =	strace $0x90000048  }
0xbe: {  	_ =	sfence  }
0xbf: {  	s30 =	sld [smem:$0x0];
	_ =	sdelay $0x2  }
0xc0: {  	s31 =	sshll.u32 s1, $0xD;
	s1 =	sshrl.u32 s1, $0x2  }
0xc1: {  	s3 =	sand.u32 $0x4000, s31;
	s1 =	sadd.s32 s1, s30  }
0xc2: {  	s0 =	sor.u32 s3, s0;
	s1 =	sshll.u32 s1, $0x11  }
0xc3: {  	s0 =	sor.u32 s1, s0  }
0xc4: {  	s0 =	sadd.s32 $0x8F2B, s0  }
0xc5: {  	[sflag:s0] =	ssyncadd.remote.s32 $0x1  }
0xc6: {  	_ =	sfence.sel $0xFFFF  }
0xc7: {  	[dreg:$0x0] =	wrdreg $0xFFFFFFFF;
	(pc) =	sbr.abs _section_cstart, $3  }
0xc8: {  	[dreg:$0x1] =	wrdreg $0xFFFFFFFF  }
0xc9: {  	_ =	task.clear_ibuf [dreg:s8], $0x2FFFF;
	_ =	strace $0x9FFFFFFF  }
0xca: {  	(tm) =	ssettm $0x7FFFFFFF  }
0xcb: {  	_ =	shalt  }
tec
execute0_lowered:
.L_overlay_start_1:
0x0: {  	(tag) =	ssettag $0x1  }
0x1: {  	s6 =	rddreg [dreg:$0x0]  }
0x2: {  	s0 =	rddreg [dreg:$0x1]  }
0x3: {  	s7 =	rddreg [dreg:$0x2];
	s1 =	srdreg.scid  }
0x4: {  	s3 =	rddreg [dreg:$0x3];
	s2 =	stileid.u32;
	s4 =	simm.s32 $0x0  }
0x5: {  	s12 =	simm.s32 $0x3;
	s13 =	simm.s32 $0x17880;
	s14 =	simm.s32 $0x80  }
0x6: {  	s15 =	simm.s32 $0x1;
	s16 =	simm.s32 $0x2;
	s20 =	simm.s32 $0x0  }
0x7: {  	s8 =	sand.u32 $0x1, s1;
	s1 =	rddreg [dreg:$0x4];
	s10 =	smul.u32 $0x1F400, s2  }
0x8: {  	[smem:$0x7FF] =	sst s4;
	s5 =	sadd.s32 $0x3000, s7;
	s11 =	smul.u32 $0x7D000, s2  }
0x9: {  	p0 =	sgt.u32 s2, $0x9;
	s18 =	sshll.u32 s2, $0x6;
	s9 =	smul.u32 $0x138800, s8  }
0xa: {  	_ =	strace $0x80000047;
	s28 =	sshll.u32 s8, $0x4;
	s8 =	ssub.s32 $0x2, s8  }
0xb: {  	s18 =	sor.u32 $0x1C03, s18;
	s17 =	sor.u32 s2, s28;
	s29 =	sshrl.u32 s8, $0x1  }
0xc: {  	s30 =	sshrl.u32 s11, $0x2;
	s11 =	simm.s32 $0x13880;
	s31 =	smul.u32 $0x500, s17  }
.Ltmp0:
0xd: {  	s9 =	sadd.s32 s10, s9;
	s8 =	ssub.s32 s8, s29;
	(pc) =	sbr.rel .LBB2_1-.Ltmp0, $4  }
0xe: {  	s19 =	sadd.s32 s30, s3;
	p1 =	sgt.u32 s17, $0x3;
	s17 =	simm.s32 $0x19F80  }
0xf: {  	s9 =	sshrl.u32 s9, $0x3;
	s8 =	smax.u32 s8, $0x1;
	s10 =	sshrl.u32 @!p0 s19, $0x3  }
0x10: {  	s19 =	sshrl.u32 s19, $0x3;
	s7 =	sadd.s32 s9, s7;
	s9 =	sshll.u32 @!p0 s2, $0x6  }
0x11: {  	s6 =	sadd.s32 s6, s31;
	s7 =	sadd.s32 $0x7000, s7;
	s9 =	sor.u32 @!p0 $0x1C03, s9  }
.LBB2_4:
0x12: {  	[spmem:s3] =	stream.indirect.scatter.add.f32 [tilespmem:s11], [sflag:$0x3], $0x80, s17, s14, $0xb8;
	[tilespmem:$0x1A080] =	vst v63  }
0x13: {  	_ =	swait.ge [sflag:s12], $0x4000  }
0x14: {  	[sflag:s12] =	ssyncset.done $0x0  }
0x15: {  	[sflag:s12] =	ssyncadd.s32 $0xFFFFC000  }
0x16: {  	[bflag:$0x0] =	sbarrier.arrive $0xFFFF  }
.LBB2_6:
0x17: {  	[hbm:s7], [sflag:s18] =	dma.local [spmem:s19], $0x3E80  }
0x18: {  	_ =	swait.ge [sflag:s12], $0x3E80  }
0x19: {  	[sflag:s12] =	ssyncset.done $0x0  }
0x1a: {  	[sflag:s12] =	ssyncadd.s32 $0xFFFFC180  }
.LBB2_7:
0x1b: {  	s20 =	sadd.s32 $0x1, s20  }
0x1c: {  	p2 =	sne.s32 s20, s8  }
.Ltmp1:
0x1d: {  	_ = 	snop;
	(pc) =	sbr.rel @!p2 .LBB2_8-.Ltmp1, $1  }
0x1e: {  	_ =	sdelay $0x3  }
.LBB2_1:
0x1f: {  	[spmem:s10], [sflag:s9] =	dma.local @!p0 [hbm:s5], $0x3E80  }
0x20: {  	s21 =	simm.s32 @!p0 $0x3  }
0x21: {  	_ =	swait.ge @!p0 [sflag:s21], $0x3E80  }
0x22: {  	[sflag:s21] =	ssyncset.done @!p0 $0x0  }
0x23: {  	[sflag:s21] =	ssyncadd.s32 @!p0 $0xFFFFC180  }
0x24: {  	[tilespmem:s11], [sflag:$0x3] =	stream.linear.gather [hbm4b:s0+s4], $0x4000, $0x38;
	[tilespmem:$0x1A080] =	vst v63  }
0x25: {  	_ =	swait.ge [sflag:s12], $0x4000  }
0x26: {  	[sflag:s12] =	ssyncset.done $0x0  }
0x27: {  	[sflag:s12] =	ssyncadd.s32 $0xFFFFC000  }
0x28: {  	[tilespmem:s13], [sflag:$0x3] =	stream.linear.gather [hbm4b:s6+s4], $0x2800, $0x38;
	[tilespmem:$0x1A080] =	vst v63  }
0x29: {  	_ =	swait.ge [sflag:s12], $0x2800  }
0x2a: {  	[sflag:s12] =	ssyncset.done $0x0  }
0x2b: {  	[sflag:s12] =	ssyncadd.s32 $0xFFFFD800  }
0x2c: {  	s30 =	simm.s32 $0x17880;
	[bflag:$0x0] =	sbarrier.arrive $0xFFFF  }
0x2d: {  	[spmem:s3] =	stream.indirect.scatter.add.f32 [tilespmem:s11], [sflag:$0x1], $0x80, s30, s14, $0xb8;
	[tilespmem:$0x1A080] =	vst v63  }
0x2e: {  	s31 =	simm.s32 $0x17900  }
0x2f: {  	[spmem:s3] =	stream.indirect.scatter.add.f32 [tilespmem:s11], [sflag:$0x2], $0x80, s31, s14, $0xb8;
	[tilespmem:$0x1A080] =	vst v63  }
0x30: {  	_ =	swait.ge [sflag:s15], $0x4000  }
0x31: {  	[sflag:s15] =	ssyncset.done $0x0  }
0x32: {  	[sflag:s15] =	ssyncadd.s32 $0xFFFFC000  }
0x33: {  	_ =	swait.ge [sflag:s16], $0x4000  }
0x34: {  	s22 =	simm.s32 $0x800;
	s21 =	simm.s32 $0x100;
	[sflag:s16] =	ssyncset.done $0x0  }
.LBB2_2:
0x35: {  	s23 =	sadd.s32 $0x17880, s21  }
0x36: {  	[sflag:s16] =	ssyncadd.s32 $0xFFFFC000;
	s24 =	smov.u32 s22;
	s25 =	sadd.s32 $0x400, s22  }
0x37: {  	[spmem:s3] =	stream.indirect.scatter.add.f32 [tilespmem:s11], [sflag:$0x1], $0x80, s23, s14, $0xb8;
	[tilespmem:$0x1A080] =	vst v63  }
0x38: {  	p2 =	sne.s32 s22, $0x9800;
	s21 =	sadd.s32 $0x17900, s21  }
0x39: {  	[spmem:s3] =	stream.indirect.scatter.add.f32 [tilespmem:s11], [sflag:$0x2], $0x80, s21, s14, $0xb8;
	[tilespmem:$0x1A080] =	vst v63  }
.Ltmp2:
0x3a: {  	_ =	swait.ge [sflag:s15], $0x4000;
	(pc) =	sbr.rel @p2 .LBB2_2-.Ltmp2, $4  }
0x3b: {  	[sflag:s15] =	ssyncset.done $0x0  }
0x3c: {  	[sflag:s15] =	ssyncadd.s32 $0xFFFFC000  }
0x3d: {  	_ =	swait.ge [sflag:s16], $0x4000  }
0x3e: {  	s22 =	smov.u32 s25;
	s21 =	sshra.s32 s24, $0x2;
	[sflag:s16] =	ssyncset.done $0x0  }
0x3f: {  	s22 =	sadd.s32 $0x17880, s21;
	[sflag:s16] =	ssyncadd.s32 $0xFFFFC000  }
0x40: {  	[spmem:s3] =	stream.indirect.scatter.add.f32 [tilespmem:s11], [sflag:$0x1], $0x80, s22, s14, $0xb8;
	[tilespmem:$0x1A080] =	vst v63  }
0x41: {  	s31 =	sadd.s32 $0x17900, s21  }
0x42: {  	[spmem:s3] =	stream.indirect.scatter.add.f32 [tilespmem:s11], [sflag:$0x2], $0x80, s31, s14, $0xb8;
	[tilespmem:$0x1A080] =	vst v63  }
0x43: {  	_ =	swait.ge [sflag:s15], $0x4000  }
.Ltmp3:
0x44: {  	[sflag:s15] =	ssyncset.done $0x0;
	(pc) =	sbr.rel @!p1 .LBB2_4-.Ltmp3, $4  }
0x45: {  	[sflag:s15] =	ssyncadd.s32 $0xFFFFC000  }
0x46: {  	_ =	swait.ge [sflag:s16], $0x4000  }
0x47: {  	[sflag:s16] =	ssyncset.done $0x0  }
0x48: {  	[sflag:s16] =	ssyncadd.s32 $0xFFFFC000  }
.Ltmp4:
0x49: {  	(pc) =	sbr.rel @p0 .LBB2_7-.Ltmp4, $4  }
.Ltmp5:
0x4a: {  	(pc) =	sbr.rel @!p0 .LBB2_6-.Ltmp5, $4  }
0x4b: {  	_ = 	snop  }
0x4c: {  	[bflag:$0x0] =	sbarrier.arrive $0xFFFF  }
0x4d: {  	_ = 	snop  }
0x4e: {  	_ = 	snop  }
.LBB2_8:
0x4f: {  	_ =	sfence.sel $0x180000  }
0x50: {  	[bflag:$0x0] =	sbarrier.arrive $0xFFFF  }
0x51: {  	p0 =	sne.s32 s2, $0x0;
	_ =	strace $0x90000047  }
0x52: {  	s0 =	sadd.s32 @!p0 $0x100000, s1;
	[bflag:$0x2] =	sbarrier.arrive $0xFFFF  }
0x53: {  	[sflag:s0] =	ssyncadd.tile.s32 @!p0 $0x1;
	_ =	shalt  }
.Lfunc_end2:
_tile_overlayer_lowered:
.L_overlay_start_2:
0x54: {  	(tag) =	ssettag $0x2  }
0x55: {  	s0 =	rddreg [dreg:$0x0];
	s2 =	stileid.u32  }
0x56: {  	s1 =	rddreg [dreg:$0x1];
	p0 =	sne.s32 s2, $0x0  }
0x57: {  	s3 =	rddreg [dreg:$0x2];
	[bflag:$0x3] =	sbarrier.arrive $0xFFFF;
	s2 =	simm.s32 @!p0 $0x1C03  }
0x58: {  	[timem:s3], [sflag:s2] =	dma.local @!p0 [hbm:s0], s1  }
0x59: {  	s0 =	simm.s32 @!p0 $0x3  }
0x5a: {  	_ =	swait.ge @!p0 [sflag:s0], s1  }
0x5b: {  	s1 =	ssub.s32 @!p0 $0x0, s1;
	[sflag:s0] =	ssyncset.done @!p0 $0x0  }
0x5c: {  	[sflag:s0] =	ssyncadd.s32 @!p0 s1  }
0x5d: {  	[bflag:$0x3] =	sbarrier.arrive $0xFFFF  }
0x5e: {  	_ =	shalt  }

</sc_bundles>
